<compile_context>
chip_gen: v7x
topology: tpu7x:2x2x1
jax: 0.10.2.dev20260603
libtpu: 0.0.44.dev20260713+nightly
codegen_flags: <defaults>
</compile_context>

<pallas_src>
import functools

import jax
import jax.numpy as jnp
from jax import lax
from jax.experimental import pallas as pl
from jax.experimental.pallas import tpu as pltpu
from jax.experimental.pallas import tpu_sc as plsc

NC = 2
NS = 16
NW = NC * NS
L = 16
CHUNK = 80
K = 3


def _sc_aggregate(x_in, src, dst, zeros_blk, compute_deg):
    N_pad, D = x_in.shape
    E_pad = src.shape[0] - 2 * K * CHUNK * NW
    assert E_pad % (NW * CHUNK) == 0
    NCH = E_pad // (NW * CHUNK)
    assert NCH % K == 0
    NB = NCH // K
    assert NB % 2 == 0 and NB >= 4
    assert N_pad % NS == 0
    rows_per_tile = N_pad // NS
    assert rows_per_tile % CHUNK == 0

    out_type = [
        jax.ShapeDtypeStruct((NC, N_pad, D), jnp.float32),
        jax.ShapeDtypeStruct((NW, N_pad), jnp.float32),
    ]
    scratch_types = [
        [pltpu.VMEM((CHUNK,), jnp.int32)] * K,
        [pltpu.VMEM((CHUNK,), jnp.int32)] * K,
        [pltpu.VMEM((CHUNK,), jnp.int32)] * K,
        [pltpu.VMEM((CHUNK,), jnp.int32)] * K,
        [pltpu.VMEM((CHUNK, D), jnp.float32)] * K,
        pltpu.VMEM((1, N_pad), jnp.float32),
        pltpu.VMEM_SHARED((N_pad, D), jnp.float32),
        pltpu.SemaphoreType.DMA,
        pltpu.SemaphoreType.DMA,
        [pltpu.SemaphoreType.DMA] * K,
        [pltpu.SemaphoreType.DMA] * K,
    ]

    mesh = plsc.VectorSubcoreMesh(
        core_axis_name="c", subcore_axis_name="s",
        num_cores=NC, num_subcores=NS)

    @functools.partial(
        pl.kernel, out_type=out_type, mesh=mesh,
        scratch_types=scratch_types,
        compiler_params=pltpu.CompilerParams(needs_layout_passes=False))
    def k(x_hbm, src_hbm, dst_hbm, zeros_hbm,
          aggp_hbm, degp_hbm,
          srcA, dstA, srcB, dstB, rows, deg_v, agg_s,
          semiA, semiB, semg, semsc):
        cid = lax.axis_index("c")
        sid = lax.axis_index("s")
        wid = sid * NC + cid

        r0 = sid * rows_per_tile
        n_zchunks = rows_per_tile // CHUNK
        pltpu.sync_copy(zeros_hbm, rows[0])

        def zbody(i, _):
            pltpu.sync_copy(rows[0],
                            agg_s.at[pl.ds(r0 + i * CHUNK, CHUNK), :])
            return 0

        lax.fori_loop(0, n_zchunks, zbody, 0)

        if compute_deg:
            z16 = jnp.zeros((L,), jnp.float32)

            def zdbody(i, _):
                deg_v[0, pl.ds(i * L, L)] = z16
                return 0

            lax.fori_loop(0, N_pad // L, zdbody, 0)
        plsc.subcore_barrier()

        c0 = wid * NCH * CHUNK
        ones16 = jnp.ones((L,), jnp.float32)
        zero16 = jnp.zeros((L,), jnp.int32)

        def fire_idx(ib, sbufs, dbufs, semi):
            for j in range(K):
                off = c0 + (ib * K + j) * CHUNK
                pltpu.async_copy(src_hbm.at[pl.ds(off, CHUNK)],
                                 sbufs[j], semi)
                pltpu.async_copy(dst_hbm.at[pl.ds(off, CHUNK)],
                                 dbufs[j], semi)

        def wait_idx_pair(sbufs, dbufs, semi, j):
            pltpu.make_async_copy(src_hbm.at[pl.ds(c0, CHUNK)],
                                  sbufs[j], semi).wait()
            pltpu.make_async_copy(dst_hbm.at[pl.ds(c0, CHUNK)],
                                  dbufs[j], semi).wait()

        def blockstep(ib, cur, nxt):
            (srcC, dstC, semiC) = cur
            (srcN, dstN, semiN) = nxt
            for j in range(K):
                pltpu.make_async_copy(x_hbm.at[srcC[j]], rows[j],
                                      semg[j]).wait()
                pltpu.async_copy(rows[j], agg_s.at[dstC[j]], semsc[j],
                                 add=True)
                if compute_deg:
                    for jj in range(CHUNK // L):
                        idx16 = dstC[j][pl.ds(jj * L, L)]
                        plsc.addupdate_scatter(deg_v, [zero16, idx16],
                                               ones16)
            for j in range(K):
                pltpu.make_async_copy(rows[j], agg_s.at[dstC[j]],
                                      semsc[j]).wait()
                wait_idx_pair(srcN, dstN, semiN, j)
                pltpu.async_copy(x_hbm.at[srcN[j]], rows[j], semg[j])
            fire_idx(ib + 2, srcC, dstC, semiC)

        A = (srcA, dstA, semiA)
        B = (srcB, dstB, semiB)

        fire_idx(0, srcA, dstA, semiA)
        fire_idx(1, srcB, dstB, semiB)
        for j in range(K):
            wait_idx_pair(srcA, dstA, semiA, j)
            pltpu.async_copy(x_hbm.at[srcA[j]], rows[j], semg[j])

        def body(t, _):
            blockstep(2 * t, A, B)
            blockstep(2 * t + 1, B, A)
            return 0

        lax.fori_loop(0, NB // 2, body, 0)

        for j in range(K):
            pltpu.make_async_copy(x_hbm.at[srcA[j]], rows[j],
                                  semg[j]).wait()
            wait_idx_pair(srcB, dstB, semiB, j)
        plsc.subcore_barrier()

        def wbody(i, _):
            rr = r0 + i * CHUNK
            pltpu.sync_copy(agg_s.at[pl.ds(rr, CHUNK), :], rows[0])
            pltpu.sync_copy(rows[0], aggp_hbm.at[cid, pl.ds(rr, CHUNK), :])
            return 0

        lax.fori_loop(0, n_zchunks, wbody, 0)
        if compute_deg:
            pltpu.sync_copy(deg_v, degp_hbm.at[pl.ds(wid, 1), :])

    return k(x_in, src, dst, zeros_blk)


def _tc_dense(aggp, degT, x_in, WlT, bl, WrT, bn, block_rows=256):
    N, D = x_in.shape
    assert N % block_rows == 0
    grid = (N // block_rows,)

    if bn is None:
        g2 = jnp.zeros((1, D), jnp.float32)
        b2 = jnp.zeros((1, D), jnp.float32)
    else:
        g2 = bn[0].reshape(1, D)
        b2 = bn[1].reshape(1, D)
    bl2 = bl.reshape(1, D)

    def body(aggp_ref, deg_ref, x_ref, wl_ref, bl_ref, wr_ref, g_ref,
             b_ref, o_ref):
        agg = aggp_ref[0] + aggp_ref[1]
        deg = jnp.sum(deg_ref[...], axis=1, keepdims=True)
        deg = jnp.maximum(deg, 1.0)
        agg = agg / deg
        h = (jnp.dot(agg, wl_ref[...], preferred_element_type=jnp.float32)
             + bl_ref[...]
             + jnp.dot(x_ref[...], wr_ref[...],
                       preferred_element_type=jnp.float32))
        if bn is not None:
            scale = g_ref[...] * lax.rsqrt(jnp.float32(1.0 + 1e-5))
            h = jnp.maximum(h * scale + b_ref[...], 0.0)
        o_ref[...] = h

    R = block_rows
    return pl.pallas_call(
        body,
        grid=grid,
        in_specs=[
            pl.BlockSpec((NC, R, D), lambda i: (0, i, 0)),
            pl.BlockSpec((R, NW), lambda i: (i, 0)),
            pl.BlockSpec((R, D), lambda i: (i, 0)),
            pl.BlockSpec((D, D), lambda i: (0, 0)),
            pl.BlockSpec((1, D), lambda i: (0, 0)),
            pl.BlockSpec((D, D), lambda i: (0, 0)),
            pl.BlockSpec((1, D), lambda i: (0, 0)),
            pl.BlockSpec((1, D), lambda i: (0, 0)),
        ],
        out_specs=pl.BlockSpec((R, D), lambda i: (i, 0)),
        out_shape=jax.ShapeDtypeStruct((N, D), jnp.float32),
    )(aggp, degT, x_in, WlT, bl2, WrT, g2, b2)


def kernel(x, edge_index, W_l1, b_l1, W_r1, bn1_g, bn1_b, W_l2, b_l2, W_r2):
    N, D = x.shape
    N_pad = ((N + NW * 8 - 1) // (NW * 8)) * (NW * 8)

    E = edge_index.shape[1]
    epw = 2 * K * CHUNK * NW
    E_pad = ((E + epw - 1) // epw) * epw
    extra = 2 * K * CHUNK * NW
    pad_val = N_pad - 1
    src = jnp.pad(edge_index[0], (0, E_pad + extra - E),
                  constant_values=pad_val)
    dst = jnp.pad(edge_index[1], (0, E_pad + extra - E),
                  constant_values=pad_val)
    x_pad = jnp.pad(x, ((0, N_pad - N), (0, 0)))
    zeros_blk = jnp.zeros((CHUNK, D), jnp.float32)

    aggp1, degp = _sc_aggregate(x_pad, src, dst, zeros_blk, True)
    degT = degp.T
    h = _tc_dense(aggp1, degT, x_pad, W_l1.T, b_l1, W_r1.T, (bn1_g, bn1_b))
    aggp2, _ = _sc_aggregate(h, src, dst, zeros_blk, False)
    out = _tc_dense(aggp2, degT, h, W_l2.T, b_l2, W_r2.T, None)
    return out[:N]

# --- scband reference (transcript-rebuilt; emitter-appended) ---
"""Pipeline reference for scband-sageencoder-3418793967880 (READ-ONLY COPY).

The authoritative reference and input builder live on the scoring server;
editing this copy changes nothing except your own understanding.
"""

import jax, jax.numpy as jnp
import numpy as np

N = 10000
E = 320000
D = 128


def setup_inputs(seed: int = 0) -> dict:
    key = jax.random.key(seed)
    ks = jax.random.split(key, 12)
    x = jax.random.normal(ks[0], (N, D), dtype=jnp.float32)
    edge_index = jax.random.randint(ks[1], (2, E), 0, N, dtype=jnp.int32)
    s = 1.0 / np.sqrt(D)
    W_l1 = jax.random.uniform(ks[2], (D, D), jnp.float32, -s, s)
    b_l1 = jax.random.uniform(ks[3], (D,), jnp.float32, -s, s)
    W_r1 = jax.random.uniform(ks[4], (D, D), jnp.float32, -s, s)
    bn1_g = jnp.ones((D,), jnp.float32)
    bn1_b = jnp.zeros((D,), jnp.float32)
    W_l2 = jax.random.uniform(ks[5], (D, D), jnp.float32, -s, s)
    b_l2 = jax.random.uniform(ks[6], (D,), jnp.float32, -s, s)
    W_r2 = jax.random.uniform(ks[7], (D, D), jnp.float32, -s, s)
    return {
        "x": x,
        "edge_index": edge_index,
        "W_l1": W_l1, "b_l1": b_l1, "W_r1": W_r1,
        "bn1_g": bn1_g, "bn1_b": bn1_b,
        "W_l2": W_l2, "b_l2": b_l2, "W_r2": W_r2,
    }


def _sage_conv(x, edge_index, Wl, bl, Wr):
    # PyG SAGEConv semantics: out = lin_l(mean_j x_j) + lin_r(x)
    src = edge_index[0]
    dst = edge_index[1]
    msgs = x[src]  # gather [E, D]
    agg = jax.ops.segment_sum(msgs, dst, num_segments=N)  # scatter-add
    deg = jax.ops.segment_sum(jnp.ones((edge_index.shape[1],), x.dtype), dst, num_segments=N)
    agg = agg / jnp.clip(deg, 1.0)[:, None]
    return agg @ Wl.T + bl + x @ Wr.T


def reference(x, edge_index, W_l1, b_l1, W_r1, bn1_g, bn1_b, W_l2, b_l2, W_r2):
    # Layer 1: SAGEConv -> BatchNorm1d (eval mode, running stats 0/1) -> ReLU -> Dropout(p=0.0)
    h = _sage_conv(x, edge_index, W_l1, b_l1, W_r1)
    h = (h - 0.0) * jax.lax.rsqrt(jnp.asarray(1.0 + 1e-5, h.dtype)) * bn1_g + bn1_b
    h = jax.nn.relu(h)
    # dropout p=0.0 -> identity
    # Layer 2: SAGEConv (no BN on last layer, no activation)
    out = _sage_conv(h, edge_index, W_l2, b_l2, W_r2)
    return out

if __name__ == "__main__":
    import jax
    _d = setup_inputs()
    print(jax.jit(kernel)(*tuple(_d.values())))

</pallas_src>

<mosaic_0001>
#map = affine_map<(d0, d1) -> (0, 0)>
#map1 = affine_map<(d0, d1) -> (0)>
#map2 = affine_map<(d0, d1) -> (0, 0, 0)>
module attributes {stable_mosaic.version = 14 : i64} {
  func.func @k(%arg0: i32, %arg1: i32, %arg2: memref<10240x128xf32, #tpu.memory_space<hbm>>, %arg3: memref<337920xi32, #tpu.memory_space<hbm>>, %arg4: memref<337920xi32, #tpu.memory_space<hbm>>, %arg5: memref<80x128xf32, #tpu.memory_space<hbm>>, %arg6: memref<2x10240x128xf32, #tpu.memory_space<hbm>>, %arg7: memref<32x10240xf32, #tpu.memory_space<hbm>>, %arg8: memref<80xi32, #tpu.memory_space<vmem>>, %arg9: memref<80xi32, #tpu.memory_space<vmem>>, %arg10: memref<80xi32, #tpu.memory_space<vmem>>, %arg11: memref<80xi32, #tpu.memory_space<vmem>>, %arg12: memref<80xi32, #tpu.memory_space<vmem>>, %arg13: memref<80xi32, #tpu.memory_space<vmem>>, %arg14: memref<80xi32, #tpu.memory_space<vmem>>, %arg15: memref<80xi32, #tpu.memory_space<vmem>>, %arg16: memref<80xi32, #tpu.memory_space<vmem>>, %arg17: memref<80xi32, #tpu.memory_space<vmem>>, %arg18: memref<80xi32, #tpu.memory_space<vmem>>, %arg19: memref<80xi32, #tpu.memory_space<vmem>>, %arg20: memref<80x128xf32, #tpu.memory_space<vmem>>, %arg21: memref<80x128xf32, #tpu.memory_space<vmem>>, %arg22: memref<80x128xf32, #tpu.memory_space<vmem>>, %arg23: memref<1x10240xf32, #tpu.memory_space<vmem>>, %arg24: memref<10240x128xf32, #tpu.memory_space<vmem_shared>>, %arg25: memref<!tpu.dma_semaphore, #tpu.memory_space<semaphore_mem>>, %arg26: memref<!tpu.dma_semaphore, #tpu.memory_space<semaphore_mem>>, %arg27: memref<!tpu.dma_semaphore, #tpu.memory_space<semaphore_mem>>, %arg28: memref<!tpu.dma_semaphore, #tpu.memory_space<semaphore_mem>>, %arg29: memref<!tpu.dma_semaphore, #tpu.memory_space<semaphore_mem>>, %arg30: memref<!tpu.dma_semaphore, #tpu.memory_space<semaphore_mem>>, %arg31: memref<!tpu.dma_semaphore, #tpu.memory_space<semaphore_mem>>, %arg32: memref<!tpu.dma_semaphore, #tpu.memory_space<semaphore_mem>>) attributes {dimension_semantics = [#tpu.dimension_semantics<core_parallel>, #tpu.dimension_semantics<subcore_parallel>], iteration_bounds = array<i64: 2, 16>, scalar_prefetch = 0 : i64, scratch_operands = 25 : i64, tpu.core_type = #tpu.core_type<sc_vector_subcore>, window_params = [{transform_indices = #map}, {transform_indices = #map1}, {transform_indices = #map1}, {transform_indices = #map}, {transform_indices = #map2}, {transform_indices = #map}]} {
    %mul3A = arith.constant 2 : i32
    %mul3A_0 = arith.muli %arg1, %mul3A : i32
    %add3A = arith.addi %mul3A_0, %arg0 : i32
    %mul3A_1 = arith.constant 640 : i32
    %mul3A_2 = arith.muli %arg1, %mul3A_1 : i32
    "tpu.region"() ({
      %run_scoped3A = tpu.sem_alloc : memref<!tpu.dma_semaphore, #tpu.memory_space<semaphore_mem>>
      tpu.enqueue_dma source(%arg5 : memref<80x128xf32, #tpu.memory_space<hbm>>) target(%arg20 : memref<80x128xf32, #tpu.memory_space<vmem>>) target_semaphore(%run_scoped3A : memref<!tpu.dma_semaphore, #tpu.memory_space<semaphore_mem>>)
      tpu.wait_dma2 semaphore(%run_scoped3A : memref<!tpu.dma_semaphore, #tpu.memory_space<semaphore_mem>>) src(%arg5 : memref<80x128xf32, #tpu.memory_space<hbm>>) dst(%arg20 : memref<80x128xf32, #tpu.memory_space<vmem>>)
      tpu.yield
    }) : () -> ()
    %scan3A = arith.constant 0 : i32
    %scan3A_3 = arith.constant 0 : i32
    %scan3A_4 = arith.constant 8 : i32
    %scan3A_5 = arith.addi %scan3A_3, %scan3A_4 : i32
    %scan3A_6 = arith.constant 1 : i32
    %scan3A_7 = scf.for %scan3A_116 = %scan3A_3 to %scan3A_5 step %scan3A_6 iter_args(%scan3A_117 = %scan3A) -> (i32)  : i32 {
      %mul3A_118 = arith.constant 80 : i32
      %mul3A_119 = arith.muli %scan3A_116, %mul3A_118 : i32
      %add3A_120 = arith.addi %mul3A_2, %mul3A_119 : i32
      "tpu.region"() ({
        %run_scoped3A = tpu.sem_alloc : memref<!tpu.dma_semaphore, #tpu.memory_space<semaphore_mem>>
        %dma_start3A_122 = arith.constant 0 : i32
        %dma_start3A_123 = tpu.memref_slice %arg24[%add3A_120, %dma_start3A_122] : memref<10240x128xf32, #tpu.memory_space<vmem_shared>> -> memref<80x128xf32, #tpu.memory_space<vmem_shared>>
        %dma_start3A_124 = arith.constant 0 : i32
        %dma_start3A_125 = tpu.memref_slice %arg24[%add3A_120, %dma_start3A_124] : memref<10240x128xf32, #tpu.memory_space<vmem_shared>> -> memref<80x128xf32, #tpu.memory_space<vmem_shared>>
        tpu.enqueue_dma source(%arg20 : memref<80x128xf32, #tpu.memory_space<vmem>>) target(%dma_start3A_125 : memref<80x128xf32, #tpu.memory_space<vmem_shared>>) target_semaphore(%run_scoped3A : memref<!tpu.dma_semaphore, #tpu.memory_space<semaphore_mem>>)
        %dma_wait3A_126 = arith.constant 0 : i32
        %dma_wait3A_127 = tpu.memref_slice %arg24[%add3A_120, %dma_wait3A_126] : memref<10240x128xf32, #tpu.memory_space<vmem_shared>> -> memref<80x128xf32, #tpu.memory_space<vmem_shared>>
        %dma_wait3A_128 = arith.constant 0 : i32
        %dma_wait3A_129 = tpu.memref_slice %arg24[%add3A_120, %dma_wait3A_128] : memref<10240x128xf32, #tpu.memory_space<vmem_shared>> -> memref<80x128xf32, #tpu.memory_space<vmem_shared>>
        tpu.wait_dma2 semaphore(%run_scoped3A : memref<!tpu.dma_semaphore, #tpu.memory_space<semaphore_mem>>) src(%arg20 : memref<80x128xf32, #tpu.memory_space<vmem>>) dst(%dma_wait3A_129 : memref<80x128xf32, #tpu.memory_space<vmem_shared>>)
        tpu.yield
      }) : () -> ()
      %scan3A_121 = arith.constant 0 : i32
      scf.yield %scan3A_121 : i32
    }
    %scan3A_8 = arith.constant 8 : i32
    %broadcast_in_dim3A = arith.constant 0.000000e+00 : f32
    %broadcast_in_dim3A_9 = vector.broadcast %broadcast_in_dim3A : f32 to vector<16xf32>
    %scan3A_10 = arith.constant 0 : i32
    %scan3A_11 = arith.constant 0 : i32
    %scan3A_12 = arith.constant 640 : i32
    %scan3A_13 = arith.addi %scan3A_11, %scan3A_12 : i32
    %scan3A_14 = arith.constant 1 : i32
    %scan3A_15 = scf.for %scan3A_116 = %scan3A_11 to %scan3A_13 step %scan3A_14 iter_args(%scan3A_117 = %scan3A_10) -> (i32)  : i32 {
      %mul3A_118 = arith.constant 16 : i32
      %mul3A_119 = arith.muli %scan3A_116, %mul3A_118 : i32
      %swap3A = arith.constant 0 : i32
      %swap3A_120 = arith.index_cast %swap3A : i32 to index
      %swap3A_121 = arith.index_cast %mul3A_119 : i32 to index
      %swap3A_122 = tpu.vector_load %arg23[%swap3A_120, %swap3A_121] {strides = array<i32>} : memref<1x10240xf32, #tpu.memory_space<vmem>>, vector<16xf32>,
      tpu.vector_store %arg23[%swap3A_120, %swap3A_121], %broadcast_in_dim3A_9 {strides = array<i32>} : memref<1x10240xf32, #tpu.memory_space<vmem>>, vector<16xf32>,
      %scan3A_123 = arith.constant 0 : i32
      scf.yield %scan3A_123 : i32
    }
    %scan3A_16 = arith.constant 640 : i32
    %barrier3A = arith.constant 0 : index
    tpu.barrier barrier_id(%barrier3A)
    %mul3A_17 = arith.constant 126 : i32
    %mul3A_18 = arith.muli %add3A, %mul3A_17 : i32
    %mul3A_19 = arith.constant 80 : i32
    %mul3A_20 = arith.muli %mul3A_18, %mul3A_19 : i32
    %broadcast_in_dim3A_21 = arith.constant 1.000000e+00 : f32
    %broadcast_in_dim3A_22 = vector.broadcast %broadcast_in_dim3A_21 : f32 to vector<16xf32>
    %broadcast_in_dim3A_23 = arith.constant 0 : i32
    %broadcast_in_dim3A_24 = vector.broadcast %broadcast_in_dim3A_23 : i32 to vector<16xi32>
    %add3A_25 = arith.constant 0 : i32
    %add3A_26 = arith.addi %mul3A_20, %add3A_25 : i32
    %dma_start3A = tpu.memref_slice %arg3[%add3A_26] : memref<337920xi32, #tpu.memory_space<hbm>> -> memref<80xi32, #tpu.memory_space<hbm>>
    %dma_start3A_27 = tpu.memref_slice %arg3[%add3A_26] : memref<337920xi32, #tpu.memory_space<hbm>> -> memref<80xi32, #tpu.memory_space<hbm>>
    tpu.enqueue_dma source(%dma_start3A_27 : memref<80xi32, #tpu.memory_space<hbm>>) target(%arg8 : memref<80xi32, #tpu.memory_space<vmem>>) target_semaphore(%arg25 : memref<!tpu.dma_semaphore, #tpu.memory_space<semaphore_mem>>)
    %dma_start3A_28 = tpu.memref_slice %arg4[%add3A_26] : memref<337920xi32, #tpu.memory_space<hbm>> -> memref<80xi32, #tpu.memory_space<hbm>>
    %dma_start3A_29 = tpu.memref_slice %arg4[%add3A_26] : memref<337920xi32, #tpu.memory_space<hbm>> -> memref<80xi32, #tpu.memory_space<hbm>>
    tpu.enqueue_dma source(%dma_start3A_29 : memref<80xi32, #tpu.memory_space<hbm>>) target(%arg11 : memref<80xi32, #tpu.memory_space<vmem>>) target_semaphore(%arg25 : memref<!tpu.dma_semaphore, #tpu.memory_space<semaphore_mem>>)
    %add3A_30 = arith.constant 80 : i32
    %add3A_31 = arith.addi %mul3A_20, %add3A_30 : i32
    %dma_start3A_32 = tpu.memref_slice %arg3[%add3A_31] : memref<337920xi32, #tpu.memory_space<hbm>> -> memref<80xi32, #tpu.memory_space<hbm>>
    %dma_start3A_33 = tpu.memref_slice %arg3[%add3A_31] : memref<337920xi32, #tpu.memory_space<hbm>> -> memref<80xi32, #tpu.memory_space<hbm>>
    tpu.enqueue_dma source(%dma_start3A_33 : memref<80xi32, #tpu.memory_space<hbm>>) target(%arg9 : memref<80xi32, #tpu.memory_space<vmem>>) target_semaphore(%arg25 : memref<!tpu.dma_semaphore, #tpu.memory_space<semaphore_mem>>)
    %dma_start3A_34 = tpu.memref_slice %arg4[%add3A_31] : memref<337920xi32, #tpu.memory_space<hbm>> -> memref<80xi32, #tpu.memory_space<hbm>>
    %dma_start3A_35 = tpu.memref_slice %arg4[%add3A_31] : memref<337920xi32, #tpu.memory_space<hbm>> -> memref<80xi32, #tpu.memory_space<hbm>>
    tpu.enqueue_dma source(%dma_start3A_35 : memref<80xi32, #tpu.memory_space<hbm>>) target(%arg12 : memref<80xi32, #tpu.memory_space<vmem>>) target_semaphore(%arg25 : memref<!tpu.dma_semaphore, #tpu.memory_space<semaphore_mem>>)
    %add3A_36 = arith.constant 160 : i32
    %add3A_37 = arith.addi %mul3A_20, %add3A_36 : i32
    %dma_start3A_38 = tpu.memref_slice %arg3[%add3A_37] : memref<337920xi32, #tpu.memory_space<hbm>> -> memref<80xi32, #tpu.memory_space<hbm>>
    %dma_start3A_39 = tpu.memref_slice %arg3[%add3A_37] : memref<337920xi32, #tpu.memory_space<hbm>> -> memref<80xi32, #tpu.memory_space<hbm>>
    tpu.enqueue_dma source(%dma_start3A_39 : memref<80xi32, #tpu.memory_space<hbm>>) target(%arg10 : memref<80xi32, #tpu.memory_space<vmem>>) target_semaphore(%arg25 : memref<!tpu.dma_semaphore, #tpu.memory_space<semaphore_mem>>)
    %dma_start3A_40 = tpu.memref_slice %arg4[%add3A_37] : memref<337920xi32, #tpu.memory_space<hbm>> -> memref<80xi32, #tpu.memory_space<hbm>>
    %dma_start3A_41 = tpu.memref_slice %arg4[%add3A_37] : memref<337920xi32, #tpu.memory_space<hbm>> -> memref<80xi32, #tpu.memory_space<hbm>>
    tpu.enqueue_dma source(%dma_start3A_41 : memref<80xi32, #tpu.memory_space<hbm>>) target(%arg13 : memref<80xi32, #tpu.memory_space<vmem>>) target_semaphore(%arg25 : memref<!tpu.dma_semaphore, #tpu.memory_space<semaphore_mem>>)
    %add3A_42 = arith.constant 240 : i32
    %add3A_43 = arith.addi %mul3A_20, %add3A_42 : i32
    %dma_start3A_44 = tpu.memref_slice %arg3[%add3A_43] : memref<337920xi32, #tpu.memory_space<hbm>> -> memref<80xi32, #tpu.memory_space<hbm>>
    %dma_start3A_45 = tpu.memref_slice %arg3[%add3A_43] : memref<337920xi32, #tpu.memory_space<hbm>> -> memref<80xi32, #tpu.memory_space<hbm>>
    tpu.enqueue_dma source(%dma_start3A_45 : memref<80xi32, #tpu.memory_space<hbm>>) target(%arg14 : memref<80xi32, #tpu.memory_space<vmem>>) target_semaphore(%arg26 : memref<!tpu.dma_semaphore, #tpu.memory_space<semaphore_mem>>)
    %dma_start3A_46 = tpu.memref_slice %arg4[%add3A_43] : memref<337920xi32, #tpu.memory_space<hbm>> -> memref<80xi32, #tpu.memory_space<hbm>>
    %dma_start3A_47 = tpu.memref_slice %arg4[%add3A_43] : memref<337920xi32, #tpu.memory_space<hbm>> -> memref<80xi32, #tpu.memory_space<hbm>>
    tpu.enqueue_dma source(%dma_start3A_47 : memref<80xi32, #tpu.memory_space<hbm>>) target(%arg17 : memref<80xi32, #tpu.memory_space<vmem>>) target_semaphore(%arg26 : memref<!tpu.dma_semaphore, #tpu.memory_space<semaphore_mem>>)
    %add3A_48 = arith.constant 320 : i32
    %add3A_49 = arith.addi %mul3A_20, %add3A_48 : i32
    %dma_start3A_50 = tpu.memref_slice %arg3[%add3A_49] : memref<337920xi32, #tpu.memory_space<hbm>> -> memref<80xi32, #tpu.memory_space<hbm>>
    %dma_start3A_51 = tpu.memref_slice %arg3[%add3A_49] : memref<337920xi32, #tpu.memory_space<hbm>> -> memref<80xi32, #tpu.memory_space<hbm>>
    tpu.enqueue_dma source(%dma_start3A_51 : memref<80xi32, #tpu.memory_space<hbm>>) target(%arg15 : memref<80xi32, #tpu.memory_space<vmem>>) target_semaphore(%arg26 : memref<!tpu.dma_semaphore, #tpu.memory_space<semaphore_mem>>)
    %dma_start3A_52 = tpu.memref_slice %arg4[%add3A_49] : memref<337920xi32, #tpu.memory_space<hbm>> -> memref<80xi32, #tpu.memory_space<hbm>>
    %dma_start3A_53 = tpu.memref_slice %arg4[%add3A_49] : memref<337920xi32, #tpu.memory_space<hbm>> -> memref<80xi32, #tpu.memory_space<hbm>>
    tpu.enqueue_dma source(%dma_start3A_53 : memref<80xi32, #tpu.memory_space<hbm>>) target(%arg18 : memref<80xi32, #tpu.memory_space<vmem>>) target_semaphore(%arg26 : memref<!tpu.dma_semaphore, #tpu.memory_space<semaphore_mem>>)
    %add3A_54 = arith.constant 400 : i32
    %add3A_55 = arith.addi %mul3A_20, %add3A_54 : i32
    %dma_start3A_56 = tpu.memref_slice %arg3[%add3A_55] : memref<337920xi32, #tpu.memory_space<hbm>> -> memref<80xi32, #tpu.memory_space<hbm>>
    %dma_start3A_57 = tpu.memref_slice %arg3[%add3A_55] : memref<337920xi32, #tpu.memory_space<hbm>> -> memref<80xi32, #tpu.memory_space<hbm>>
    tpu.enqueue_dma source(%dma_start3A_57 : memref<80xi32, #tpu.memory_space<hbm>>) target(%arg16 : memref<80xi32, #tpu.memory_space<vmem>>) target_semaphore(%arg26 : memref<!tpu.dma_semaphore, #tpu.memory_space<semaphore_mem>>)
    %dma_start3A_58 = tpu.memref_slice %arg4[%add3A_55] : memref<337920xi32, #tpu.memory_space<hbm>> -> memref<80xi32, #tpu.memory_space<hbm>>
    %dma_start3A_59 = tpu.memref_slice %arg4[%add3A_55] : memref<337920xi32, #tpu.memory_space<hbm>> -> memref<80xi32, #tpu.memory_space<hbm>>
    tpu.enqueue_dma source(%dma_start3A_59 : memref<80xi32, #tpu.memory_space<hbm>>) target(%arg19 : memref<80xi32, #tpu.memory_space<vmem>>) target_semaphore(%arg26 : memref<!tpu.dma_semaphore, #tpu.memory_space<semaphore_mem>>)
    %dma_wait3A = tpu.memref_slice %arg3[%mul3A_20] : memref<337920xi32, #tpu.memory_space<hbm>> -> memref<80xi32, #tpu.memory_space<hbm>>
    %dma_wait3A_60 = tpu.memref_slice %arg3[%mul3A_20] : memref<337920xi32, #tpu.memory_space<hbm>> -> memref<80xi32, #tpu.memory_space<hbm>>
    tpu.wait_dma2 semaphore(%arg25 : memref<!tpu.dma_semaphore, #tpu.memory_space<semaphore_mem>>) src(%dma_wait3A_60 : memref<80xi32, #tpu.memory_space<hbm>>) dst(%arg8 : memref<80xi32, #tpu.memory_space<vmem>>)
    %dma_wait3A_61 = tpu.memref_slice %arg4[%mul3A_20] : memref<337920xi32, #tpu.memory_space<hbm>> -> memref<80xi32, #tpu.memory_space<hbm>>
    %dma_wait3A_62 = tpu.memref_slice %arg4[%mul3A_20] : memref<337920xi32, #tpu.memory_space<hbm>> -> memref<80xi32, #tpu.memory_space<hbm>>
    tpu.wait_dma2 semaphore(%arg25 : memref<!tpu.dma_semaphore, #tpu.memory_space<semaphore_mem>>) src(%dma_wait3A_62 : memref<80xi32, #tpu.memory_space<hbm>>) dst(%arg11 : memref<80xi32, #tpu.memory_space<vmem>>)
    %dma_start3A_63 = arith.constant 0 : i32
    %dma_start3A_64 = arith.constant 0 : i32
    %dma_start3A_65 = tpu.memref_slice %arg2[%dma_start3A_63, %dma_start3A_64] : memref<10240x128xf32, #tpu.memory_space<hbm>> -> memref<10240x128xf32, #tpu.memory_space<hbm>>
    tpu.enqueue_indirect_dma source(%dma_start3A_65 : memref<10240x128xf32, #tpu.memory_space<hbm>>) target(%arg20 : memref<80x128xf32, #tpu.memory_space<vmem>>) offsets(%arg8 : memref<80xi32, #tpu.memory_space<vmem>>) semaphore(%arg27 : memref<!tpu.dma_semaphore, #tpu.memory_space<semaphore_mem>>)
    %dma_wait3A_66 = tpu.memref_slice %arg3[%mul3A_20] : memref<337920xi32, #tpu.memory_space<hbm>> -> memref<80xi32, #tpu.memory_space<hbm>>
    %dma_wait3A_67 = tpu.memref_slice %arg3[%mul3A_20] : memref<337920xi32, #tpu.memory_space<hbm>> -> memref<80xi32, #tpu.memory_space<hbm>>
    tpu.wait_dma2 semaphore(%arg25 : memref<!tpu.dma_semaphore, #tpu.memory_space<semaphore_mem>>) src(%dma_wait3A_67 : memref<80xi32, #tpu.memory_space<hbm>>) dst(%arg9 : memref<80xi32, #tpu.memory_space<vmem>>)
    %dma_wait3A_68 = tpu.memref_slice %arg4[%mul3A_20] : memref<337920xi32, #tpu.memory_space<hbm>> -> memref<80xi32, #tpu.memory_space<hbm>>
    %dma_wait3A_69 = tpu.memref_slice %arg4[%mul3A_20] : memref<337920xi32, #tpu.memory_space<hbm>> -> memref<80xi32, #tpu.memory_space<hbm>>
    tpu.wait_dma2 semaphore(%arg25 : memref<!tpu.dma_semaphore, #tpu.memory_space<semaphore_mem>>) src(%dma_wait3A_69 : memref<80xi32, #tpu.memory_space<hbm>>) dst(%arg12 : memref<80xi32, #tpu.memory_space<vmem>>)
    %dma_start3A_70 = arith.constant 0 : i32
    %dma_start3A_71 = arith.constant 0 : i32
    %dma_start3A_72 = tpu.memref_slice %arg2[%dma_start3A_70, %dma_start3A_71] : memref<10240x128xf32, #tpu.memory_space<hbm>> -> memref<10240x128xf32, #tpu.memory_space<hbm>>
    tpu.enqueue_indirect_dma source(%dma_start3A_72 : memref<10240x128xf32, #tpu.memory_space<hbm>>) target(%arg21 : memref<80x128xf32, #tpu.memory_space<vmem>>) offsets(%arg9 : memref<80xi32, #tpu.memory_space<vmem>>) semaphore(%arg28 : memref<!tpu.dma_semaphore, #tpu.memory_space<semaphore_mem>>)
    %dma_wait3A_73 = tpu.memref_slice %arg3[%mul3A_20] : memref<337920xi32, #tpu.memory_space<hbm>> -> memref<80xi32, #tpu.memory_space<hbm>>
    %dma_wait3A_74 = tpu.memref_slice %arg3[%mul3A_20] : memref<337920xi32, #tpu.memory_space<hbm>> -> memref<80xi32, #tpu.memory_space<hbm>>
    tpu.wait_dma2 semaphore(%arg25 : memref<!tpu.dma_semaphore, #tpu.memory_space<semaphore_mem>>) src(%dma_wait3A_74 : memref<80xi32, #tpu.memory_space<hbm>>) dst(%arg10 : memref<80xi32, #tpu.memory_space<vmem>>)
    %dma_wait3A_75 = tpu.memref_slice %arg4[%mul3A_20] : memref<337920xi32, #tpu.memory_space<hbm>> -> memref<80xi32, #tpu.memory_space<hbm>>
    %dma_wait3A_76 = tpu.memref_slice %arg4[%mul3A_20] : memref<337920xi32, #tpu.memory_space<hbm>> -> memref<80xi32, #tpu.memory_space<hbm>>
    tpu.wait_dma2 semaphore(%arg25 : memref<!tpu.dma_semaphore, #tpu.memory_space<semaphore_mem>>) src(%dma_wait3A_76 : memref<80xi32, #tpu.memory_space<hbm>>) dst(%arg13 : memref<80xi32, #tpu.memory_space<vmem>>)
    %dma_start3A_77 = arith.constant 0 : i32
    %dma_start3A_78 = arith.constant 0 : i32
    %dma_start3A_79 = tpu.memref_slice %arg2[%dma_start3A_77, %dma_start3A_78] : memref<10240x128xf32, #tpu.memory_space<hbm>> -> memref<10240x128xf32, #tpu.memory_space<hbm>>
    tpu.enqueue_indirect_dma source(%dma_start3A_79 : memref<10240x128xf32, #tpu.memory_space<hbm>>) target(%arg22 : memref<80x128xf32, #tpu.memory_space<vmem>>) offsets(%arg10 : memref<80xi32, #tpu.memory_space<vmem>>) semaphore(%arg29 : memref<!tpu.dma_semaphore, #tpu.memory_space<semaphore_mem>>)
    %scan3A_80 = arith.constant 0 : i32
    %scan3A_81 = arith.constant 0 : i32
    %scan3A_82 = arith.constant 21 : i32
    %scan3A_83 = arith.addi %scan3A_81, %scan3A_82 : i32
    %scan3A_84 = arith.constant 1 : i32
    %scan3A_85 = scf.for %scan3A_116 = %scan3A_81 to %scan3A_83 step %scan3A_84 iter_args(%scan3A_117 = %scan3A_80) -> (i32)  : i32 {
      %mul3A_118 = arith.constant 2 : i32
      %mul3A_119 = arith.muli %mul3A_118, %scan3A_116 : i32
      %dma_wait3A_120 = arith.constant 0 : i32
      %dma_wait3A_121 = arith.constant 0 : i32
      %dma_wait3A_122 = tpu.memref_slice %arg2[%dma_wait3A_120, %dma_wait3A_121] : memref<10240x128xf32, #tpu.memory_space<hbm>> -> memref<10240x128xf32, #tpu.memory_space<hbm>>
      tpu.wait_indirect_dma semaphore(%arg27 : memref<!tpu.dma_semaphore, #tpu.memory_space<semaphore_mem>>) src(%dma_wait3A_122 : memref<10240x128xf32, #tpu.memory_space<hbm>>) dst(%arg20 : memref<80x128xf32, #tpu.memory_space<vmem>>)
      %dma_start3A_123 = arith.constant 0 : i32
      %dma_start3A_124 = arith.constant 0 : i32
      %dma_start3A_125 = tpu.memref_slice %arg24[%dma_start3A_123, %dma_start3A_124] : memref<10240x128xf32, #tpu.memory_space<vmem_shared>> -> memref<10240x128xf32, #tpu.memory_space<vmem_shared>>
      tpu.enqueue_indirect_dma source(%arg20 : memref<80x128xf32, #tpu.memory_space<vmem>>) target(%dma_start3A_125 : memref<10240x128xf32, #tpu.memory_space<vmem_shared>>) offsets(%arg11 : memref<80xi32, #tpu.memory_space<vmem>>) semaphore(%arg30 : memref<!tpu.dma_semaphore, #tpu.memory_space<semaphore_mem>>) {add = true}
      %get3A = arith.constant 0 : index
      %get3A_126 = tpu.vector_load %arg11[%get3A] {strides = array<i32>} : memref<80xi32, #tpu.memory_space<vmem>>, vector<16xi32>,
      tpu.vector_store_idx %arg23[%broadcast_in_dim3A_24, %get3A_126], %broadcast_in_dim3A_22 {add = true} : memref<1x10240xf32, #tpu.memory_space<vmem>>[vector<16xi32>, vector<16xi32>], vector<16xf32>,
      %get3A_127 = arith.constant 16 : index
      %get3A_128 = tpu.vector_load %arg11[%get3A_127] {strides = array<i32>} : memref<80xi32, #tpu.memory_space<vmem>>, vector<16xi32>,
      tpu.vector_store_idx %arg23[%broadcast_in_dim3A_24, %get3A_128], %broadcast_in_dim3A_22 {add = true} : memref<1x10240xf32, #tpu.memory_space<vmem>>[vector<16xi32>, vector<16xi32>], vector<16xf32>,
      %get3A_129 = arith.constant 32 : index
      %get3A_130 = tpu.vector_load %arg11[%get3A_129] {strides = array<i32>} : memref<80xi32, #tpu.memory_space<vmem>>, vector<16xi32>,
      tpu.vector_store_idx %arg23[%broadcast_in_dim3A_24, %get3A_130], %broadcast_in_dim3A_22 {add = true} : memref<1x10240xf32, #tpu.memory_space<vmem>>[vector<16xi32>, vector<16xi32>], vector<16xf32>,
      %get3A_131 = arith.constant 48 : index
      %get3A_132 = tpu.vector_load %arg11[%get3A_131] {strides = array<i32>} : memref<80xi32, #tpu.memory_space<vmem>>, vector<16xi32>,
      tpu.vector_store_idx %arg23[%broadcast_in_dim3A_24, %get3A_132], %broadcast_in_dim3A_22 {add = true} : memref<1x10240xf32, #tpu.memory_space<vmem>>[vector<16xi32>, vector<16xi32>], vector<16xf32>,
      %get3A_133 = arith.constant 64 : index
      %get3A_134 = tpu.vector_load %arg11[%get3A_133] {strides = array<i32>} : memref<80xi32, #tpu.memory_space<vmem>>, vector<16xi32>,
      tpu.vector_store_idx %arg23[%broadcast_in_dim3A_24, %get3A_134], %broadcast_in_dim3A_22 {add = true} : memref<1x10240xf32, #tpu.memory_space<vmem>>[vector<16xi32>, vector<16xi32>], vector<16xf32>,
      %dma_wait3A_135 = arith.constant 0 : i32
      %dma_wait3A_136 = arith.constant 0 : i32
      %dma_wait3A_137 = tpu.memref_slice %arg2[%dma_wait3A_135, %dma_wait3A_136] : memref<10240x128xf32, #tpu.memory_space<hbm>> -> memref<10240x128xf32, #tpu.memory_space<hbm>>
      tpu.wait_indirect_dma semaphore(%arg28 : memref<!tpu.dma_semaphore, #tpu.memory_space<semaphore_mem>>) src(%dma_wait3A_137 : memref<10240x128xf32, #tpu.memory_space<hbm>>) dst(%arg21 : memref<80x128xf32, #tpu.memory_space<vmem>>)
      %dma_start3A_138 = arith.constant 0 : i32
      %dma_start3A_139 = arith.constant 0 : i32
      %dma_start3A_140 = tpu.memref_slice %arg24[%dma_start3A_138, %dma_start3A_139] : memref<10240x128xf32, #tpu.memory_space<vmem_shared>> -> memref<10240x128xf32, #tpu.memory_space<vmem_shared>>
      tpu.enqueue_indirect_dma source(%arg21 : memref<80x128xf32, #tpu.memory_space<vmem>>) target(%dma_start3A_140 : memref<10240x128xf32, #tpu.memory_space<vmem_shared>>) offsets(%arg12 : memref<80xi32, #tpu.memory_space<vmem>>) semaphore(%arg31 : memref<!tpu.dma_semaphore, #tpu.memory_space<semaphore_mem>>) {add = true}
      %get3A_141 = arith.constant 0 : index
      %get3A_142 = tpu.vector_load %arg12[%get3A_141] {strides = array<i32>} : memref<80xi32, #tpu.memory_space<vmem>>, vector<16xi32>,
      tpu.vector_store_idx %arg23[%broadcast_in_dim3A_24, %get3A_142], %broadcast_in_dim3A_22 {add = true} : memref<1x10240xf32, #tpu.memory_space<vmem>>[vector<16xi32>, vector<16xi32>], vector<16xf32>,
      %get3A_143 = arith.constant 16 : index
      %get3A_144 = tpu.vector_load %arg12[%get3A_143] {strides = array<i32>} : memref<80xi32, #tpu.memory_space<vmem>>, vector<16xi32>,
      tpu.vector_store_idx %arg23[%broadcast_in_dim3A_24, %get3A_144], %broadcast_in_dim3A_22 {add = true} : memref<1x10240xf32, #tpu.memory_space<vmem>>[vector<16xi32>, vector<16xi32>], vector<16xf32>,
      %get3A_145 = arith.constant 32 : index
      %get3A_146 = tpu.vector_load %arg12[%get3A_145] {strides = array<i32>} : memref<80xi32, #tpu.memory_space<vmem>>, vector<16xi32>,
      tpu.vector_store_idx %arg23[%broadcast_in_dim3A_24, %get3A_146], %broadcast_in_dim3A_22 {add = true} : memref<1x10240xf32, #tpu.memory_space<vmem>>[vector<16xi32>, vector<16xi32>], vector<16xf32>,
      %get3A_147 = arith.constant 48 : index
      %get3A_148 = tpu.vector_load %arg12[%get3A_147] {strides = array<i32>} : memref<80xi32, #tpu.memory_space<vmem>>, vector<16xi32>,
      tpu.vector_store_idx %arg23[%broadcast_in_dim3A_24, %get3A_148], %broadcast_in_dim3A_22 {add = true} : memref<1x10240xf32, #tpu.memory_space<vmem>>[vector<16xi32>, vector<16xi32>], vector<16xf32>,
      %get3A_149 = arith.constant 64 : index
      %get3A_150 = tpu.vector_load %arg12[%get3A_149] {strides = array<i32>} : memref<80xi32, #tpu.memory_space<vmem>>, vector<16xi32>,
      tpu.vector_store_idx %arg23[%broadcast_in_dim3A_24, %get3A_150], %broadcast_in_dim3A_22 {add = true} : memref<1x10240xf32, #tpu.memory_space<vmem>>[vector<16xi32>, vector<16xi32>], vector<16xf32>,
      %dma_wait3A_151 = arith.constant 0 : i32
      %dma_wait3A_152 = arith.constant 0 : i32
      %dma_wait3A_153 = tpu.memref_slice %arg2[%dma_wait3A_151, %dma_wait3A_152] : memref<10240x128xf32, #tpu.memory_space<hbm>> -> memref<10240x128xf32, #tpu.memory_space<hbm>>
      tpu.wait_indirect_dma semaphore(%arg29 : memref<!tpu.dma_semaphore, #tpu.memory_space<semaphore_mem>>) src(%dma_wait3A_153 : memref<10240x128xf32, #tpu.memory_space<hbm>>) dst(%arg22 : memref<80x128xf32, #tpu.memory_space<vmem>>)
      %dma_start3A_154 = arith.constant 0 : i32
      %dma_start3A_155 = arith.constant 0 : i32
      %dma_start3A_156 = tpu.memref_slice %arg24[%dma_start3A_154, %dma_start3A_155] : memref<10240x128xf32, #tpu.memory_space<vmem_shared>> -> memref<10240x128xf32, #tpu.memory_space<vmem_shared>>
      tpu.enqueue_indirect_dma source(%arg22 : memref<80x128xf32, #tpu.memory_space<vmem>>) target(%dma_start3A_156 : memref<10240x128xf32, #tpu.memory_space<vmem_shared>>) offsets(%arg13 : memref<80xi32, #tpu.memory_space<vmem>>) semaphore(%arg32 : memref<!tpu.dma_semaphore, #tpu.memory_space<semaphore_mem>>) {add = true}
      %get3A_157 = arith.constant 0 : index
      %get3A_158 = tpu.vector_load %arg13[%get3A_157] {strides = array<i32>} : memref<80xi32, #tpu.memory_space<vmem>>, vector<16xi32>,
      tpu.vector_store_idx %arg23[%broadcast_in_dim3A_24, %get3A_158], %broadcast_in_dim3A_22 {add = true} : memref<1x10240xf32, #tpu.memory_space<vmem>>[vector<16xi32>, vector<16xi32>], vector<16xf32>,
      %get3A_159 = arith.constant 16 : index
      %get3A_160 = tpu.vector_load %arg13[%get3A_159] {strides = array<i32>} : memref<80xi32, #tpu.memory_space<vmem>>, vector<16xi32>,
      tpu.vector_store_idx %arg23[%broadcast_in_dim3A_24, %get3A_160], %broadcast_in_dim3A_22 {add = true} : memref<1x10240xf32, #tpu.memory_space<vmem>>[vector<16xi32>, vector<16xi32>], vector<16xf32>,
      %get3A_161 = arith.constant 32 : index
      %get3A_162 = tpu.vector_load %arg13[%get3A_161] {strides = array<i32>} : memref<80xi32, #tpu.memory_space<vmem>>, vector<16xi32>,
      tpu.vector_store_idx %arg23[%broadcast_in_dim3A_24, %get3A_162], %broadcast_in_dim3A_22 {add = true} : memref<1x10240xf32, #tpu.memory_space<vmem>>[vector<16xi32>, vector<16xi32>], vector<16xf32>,
      %get3A_163 = arith.constant 48 : index
      %get3A_164 = tpu.vector_load %arg13[%get3A_163] {strides = array<i32>} : memref<80xi32, #tpu.memory_space<vmem>>, vector<16xi32>,
      tpu.vector_store_idx %arg23[%broadcast_in_dim3A_24, %get3A_164], %broadcast_in_dim3A_22 {add = true} : memref<1x10240xf32, #tpu.memory_space<vmem>>[vector<16xi32>, vector<16xi32>], vector<16xf32>,
      %get3A_165 = arith.constant 64 : index
      %get3A_166 = tpu.vector_load %arg13[%get3A_165] {strides = array<i32>} : memref<80xi32, #tpu.memory_space<vmem>>, vector<16xi32>,
      tpu.vector_store_idx %arg23[%broadcast_in_dim3A_24, %get3A_166], %broadcast_in_dim3A_22 {add = true} : memref<1x10240xf32, #tpu.memory_space<vmem>>[vector<16xi32>, vector<16xi32>], vector<16xf32>,
      %dma_wait3A_167 = arith.constant 0 : i32
      %dma_wait3A_168 = arith.constant 0 : i32
      %dma_wait3A_169 = tpu.memref_slice %arg24[%dma_wait3A_167, %dma_wait3A_168] : memref<10240x128xf32, #tpu.memory_space<vmem_shared>> -> memref<10240x128xf32, #tpu.memory_space<vmem_shared>>
      tpu.wait_indirect_dma semaphore(%arg30 : memref<!tpu.dma_semaphore, #tpu.memory_space<semaphore_mem>>) src(%arg20 : memref<80x128xf32, #tpu.memory_space<vmem>>) dst(%dma_wait3A_169 : memref<10240x128xf32, #tpu.memory_space<vmem_shared>>)
      %dma_wait3A_170 = tpu.memref_slice %arg3[%mul3A_20] : memref<337920xi32, #tpu.memory_space<hbm>> -> memref<80xi32, #tpu.memory_space<hbm>>
      %dma_wait3A_171 = tpu.memref_slice %arg3[%mul3A_20] : memref<337920xi32, #tpu.memory_space<hbm>> -> memref<80xi32, #tpu.memory_space<hbm>>
      tpu.wait_dma2 semaphore(%arg26 : memref<!tpu.dma_semaphore, #tpu.memory_space<semaphore_mem>>) src(%dma_wait3A_171 : memref<80xi32, #tpu.memory_space<hbm>>) dst(%arg14 : memref<80xi32, #tpu.memory_space<vmem>>)
      %dma_wait3A_172 = tpu.memref_slice %arg4[%mul3A_20] : memref<337920xi32, #tpu.memory_space<hbm>> -> memref<80xi32, #tpu.memory_space<hbm>>
      %dma_wait3A_173 = tpu.memref_slice %arg4[%mul3A_20] : memref<337920xi32, #tpu.memory_space<hbm>> -> memref<80xi32, #tpu.memory_space<hbm>>
      tpu.wait_dma2 semaphore(%arg26 : memref<!tpu.dma_semaphore, #tpu.memory_space<semaphore_mem>>) src(%dma_wait3A_173 : memref<80xi32, #tpu.memory_space<hbm>>) dst(%arg17 : memref<80xi32, #tpu.memory_space<vmem>>)
      %dma_start3A_174 = arith.constant 0 : i32
      %dma_start3A_175 = arith.constant 0 : i32
      %dma_start3A_176 = tpu.memref_slice %arg2[%dma_start3A_174, %dma_start3A_175] : memref<10240x128xf32, #tpu.memory_space<hbm>> -> memref<10240x128xf32, #tpu.memory_space<hbm>>
      tpu.enqueue_indirect_dma source(%dma_start3A_176 : memref<10240x128xf32, #tpu.memory_space<hbm>>) target(%arg20 : memref<80x128xf32, #tpu.memory_space<vmem>>) offsets(%arg14 : memref<80xi32, #tpu.memory_space<vmem>>) semaphore(%arg27 : memref<!tpu.dma_semaphore, #tpu.memory_space<semaphore_mem>>)
      %dma_wait3A_177 = arith.constant 0 : i32
      %dma_wait3A_178 = arith.constant 0 : i32
      %dma_wait3A_179 = tpu.memref_slice %arg24[%dma_wait3A_177, %dma_wait3A_178] : memref<10240x128xf32, #tpu.memory_space<vmem_shared>> -> memref<10240x128xf32, #tpu.memory_space<vmem_shared>>
      tpu.wait_indirect_dma semaphore(%arg31 : memref<!tpu.dma_semaphore, #tpu.memory_space<semaphore_mem>>) src(%arg21 : memref<80x128xf32, #tpu.memory_space<vmem>>) dst(%dma_wait3A_179 : memref<10240x128xf32, #tpu.memory_space<vmem_shared>>)
      %dma_wait3A_180 = tpu.memref_slice %arg3[%mul3A_20] : memref<337920xi32, #tpu.memory_space<hbm>> -> memref<80xi32, #tpu.memory_space<hbm>>
      %dma_wait3A_181 = tpu.memref_slice %arg3[%mul3A_20] : memref<337920xi32, #tpu.memory_space<hbm>> -> memref<80xi32, #tpu.memory_space<hbm>>
      tpu.wait_dma2 semaphore(%arg26 : memref<!tpu.dma_semaphore, #tpu.memory_space<semaphore_mem>>) src(%dma_wait3A_181 : memref<80xi32, #tpu.memory_space<hbm>>) dst(%arg15 : memref<80xi32, #tpu.memory_space<vmem>>)
      %dma_wait3A_182 = tpu.memref_slice %arg4[%mul3A_20] : memref<337920xi32, #tpu.memory_space<hbm>> -> memref<80xi32, #tpu.memory_space<hbm>>
      %dma_wait3A_183 = tpu.memref_slice %arg4[%mul3A_20] : memref<337920xi32, #tpu.memory_space<hbm>> -> memref<80xi32, #tpu.memory_space<hbm>>
      tpu.wait_dma2 semaphore(%arg26 : memref<!tpu.dma_semaphore, #tpu.memory_space<semaphore_mem>>) src(%dma_wait3A_183 : memref<80xi32, #tpu.memory_space<hbm>>) dst(%arg18 : memref<80xi32, #tpu.memory_space<vmem>>)
      %dma_start3A_184 = arith.constant 0 : i32
      %dma_start3A_185 = arith.constant 0 : i32
      %dma_start3A_186 = tpu.memref_slice %arg2[%dma_start3A_184, %dma_start3A_185] : memref<10240x128xf32, #tpu.memory_space<hbm>> -> memref<10240x128xf32, #tpu.memory_space<hbm>>
      tpu.enqueue_indirect_dma source(%dma_start3A_186 : memref<10240x128xf32, #tpu.memory_space<hbm>>) target(%arg21 : memref<80x128xf32, #tpu.memory_space<vmem>>) offsets(%arg15 : memref<80xi32, #tpu.memory_space<vmem>>) semaphore(%arg28 : memref<!tpu.dma_semaphore, #tpu.memory_space<semaphore_mem>>)
      %dma_wait3A_187 = arith.constant 0 : i32
      %dma_wait3A_188 = arith.constant 0 : i32
      %dma_wait3A_189 = tpu.memref_slice %arg24[%dma_wait3A_187, %dma_wait3A_188] : memref<10240x128xf32, #tpu.memory_space<vmem_shared>> -> memref<10240x128xf32, #tpu.memory_space<vmem_shared>>
      tpu.wait_indirect_dma semaphore(%arg32 : memref<!tpu.dma_semaphore, #tpu.memory_space<semaphore_mem>>) src(%arg22 : memref<80x128xf32, #tpu.memory_space<vmem>>) dst(%dma_wait3A_189 : memref<10240x128xf32, #tpu.memory_space<vmem_shared>>)
      %dma_wait3A_190 = tpu.memref_slice %arg3[%mul3A_20] : memref<337920xi32, #tpu.memory_space<hbm>> -> memref<80xi32, #tpu.memory_space<hbm>>
      %dma_wait3A_191 = tpu.memref_slice %arg3[%mul3A_20] : memref<337920xi32, #tpu.memory_space<hbm>> -> memref<80xi32, #tpu.memory_space<hbm>>
      tpu.wait_dma2 semaphore(%arg26 : memref<!tpu.dma_semaphore, #tpu.memory_space<semaphore_mem>>) src(%dma_wait3A_191 : memref<80xi32, #tpu.memory_space<hbm>>) dst(%arg16 : memref<80xi32, #tpu.memory_space<vmem>>)
      %dma_wait3A_192 = tpu.memref_slice %arg4[%mul3A_20] : memref<337920xi32, #tpu.memory_space<hbm>> -> memref<80xi32, #tpu.memory_space<hbm>>
      %dma_wait3A_193 = tpu.memref_slice %arg4[%mul3A_20] : memref<337920xi32, #tpu.memory_space<hbm>> -> memref<80xi32, #tpu.memory_space<hbm>>
      tpu.wait_dma2 semaphore(%arg26 : memref<!tpu.dma_semaphore, #tpu.memory_space<semaphore_mem>>) src(%dma_wait3A_193 : memref<80xi32, #tpu.memory_space<hbm>>) dst(%arg19 : memref<80xi32, #tpu.memory_space<vmem>>)
      %dma_start3A_194 = arith.constant 0 : i32
      %dma_start3A_195 = arith.constant 0 : i32
      %dma_start3A_196 = tpu.memref_slice %arg2[%dma_start3A_194, %dma_start3A_195] : memref<10240x128xf32, #tpu.memory_space<hbm>> -> memref<10240x128xf32, #tpu.memory_space<hbm>>
      tpu.enqueue_indirect_dma source(%dma_start3A_196 : memref<10240x128xf32, #tpu.memory_space<hbm>>) target(%arg22 : memref<80x128xf32, #tpu.memory_space<vmem>>) offsets(%arg16 : memref<80xi32, #tpu.memory_space<vmem>>) semaphore(%arg29 : memref<!tpu.dma_semaphore, #tpu.memory_space<semaphore_mem>>)
      %add3A_197 = arith.constant 2 : i32
      %add3A_198 = arith.addi %mul3A_119, %add3A_197 : i32
      %mul3A_199 = arith.constant 3 : i32
      %mul3A_200 = arith.muli %add3A_198, %mul3A_199 : i32
      %add3A_201 = arith.constant 0 : i32
      %add3A_202 = arith.addi %mul3A_200, %add3A_201 : i32
      %mul3A_203 = arith.constant 80 : i32
      %mul3A_204 = arith.muli %add3A_202, %mul3A_203 : i32
      %add3A_205 = arith.addi %mul3A_20, %mul3A_204 : i32
      %dma_start3A_206 = tpu.memref_slice %arg3[%add3A_205] : memref<337920xi32, #tpu.memory_space<hbm>> -> memref<80xi32, #tpu.memory_space<hbm>>
      %dma_start3A_207 = tpu.memref_slice %arg3[%add3A_205] : memref<337920xi32, #tpu.memory_space<hbm>> -> memref<80xi32, #tpu.memory_space<hbm>>
      tpu.enqueue_dma source(%dma_start3A_207 : memref<80xi32, #tpu.memory_space<hbm>>) target(%arg8 : memref<80xi32, #tpu.memory_space<vmem>>) target_semaphore(%arg25 : memref<!tpu.dma_semaphore, #tpu.memory_space<semaphore_mem>>)
      %dma_start3A_208 = tpu.memref_slice %arg4[%add3A_205] : memref<337920xi32, #tpu.memory_space<hbm>> -> memref<80xi32, #tpu.memory_space<hbm>>
      %dma_start3A_209 = tpu.memref_slice %arg4[%add3A_205] : memref<337920xi32, #tpu.memory_space<hbm>> -> memref<80xi32, #tpu.memory_space<hbm>>
      tpu.enqueue_dma source(%dma_start3A_209 : memref<80xi32, #tpu.memory_space<hbm>>) target(%arg11 : memref<80xi32, #tpu.memory_space<vmem>>) target_semaphore(%arg25 : memref<!tpu.dma_semaphore, #tpu.memory_space<semaphore_mem>>)
      %mul3A_210 = arith.constant 3 : i32
      %mul3A_211 = arith.muli %add3A_198, %mul3A_210 : i32
      %add3A_212 = arith.constant 1 : i32
      %add3A_213 = arith.addi %mul3A_211, %add3A_212 : i32
      %mul3A_214 = arith.constant 80 : i32
      %mul3A_215 = arith.muli %add3A_213, %mul3A_214 : i32
      %add3A_216 = arith.addi %mul3A_20, %mul3A_215 : i32
      %dma_start3A_217 = tpu.memref_slice %arg3[%add3A_216] : memref<337920xi32, #tpu.memory_space<hbm>> -> memref<80xi32, #tpu.memory_space<hbm>>
      %dma_start3A_218 = tpu.memref_slice %arg3[%add3A_216] : memref<337920xi32, #tpu.memory_space<hbm>> -> memref<80xi32, #tpu.memory_space<hbm>>
      tpu.enqueue_dma source(%dma_start3A_218 : memref<80xi32, #tpu.memory_space<hbm>>) target(%arg9 : memref<80xi32, #tpu.memory_space<vmem>>) target_semaphore(%arg25 : memref<!tpu.dma_semaphore, #tpu.memory_space<semaphore_mem>>)
      %dma_start3A_219 = tpu.memref_slice %arg4[%add3A_216] : memref<337920xi32, #tpu.memory_space<hbm>> -> memref<80xi32, #tpu.memory_space<hbm>>
      %dma_start3A_220 = tpu.memref_slice %arg4[%add3A_216] : memref<337920xi32, #tpu.memory_space<hbm>> -> memref<80xi32, #tpu.memory_space<hbm>>
      tpu.enqueue_dma source(%dma_start3A_220 : memref<80xi32, #tpu.memory_space<hbm>>) target(%arg12 : memref<80xi32, #tpu.memory_space<vmem>>) target_semaphore(%arg25 : memref<!tpu.dma_semaphore, #tpu.memory_space<semaphore_mem>>)
      %mul3A_221 = arith.constant 3 : i32
      %mul3A_222 = arith.muli %add3A_198, %mul3A_221 : i32
      %add3A_223 = arith.constant 2 : i32
      %add3A_224 = arith.addi %mul3A_222, %add3A_223 : i32
      %mul3A_225 = arith.constant 80 : i32
      %mul3A_226 = arith.muli %add3A_224, %mul3A_225 : i32
      %add3A_227 = arith.addi %mul3A_20, %mul3A_226 : i32
      %dma_start3A_228 = tpu.memref_slice %arg3[%add3A_227] : memref<337920xi32, #tpu.memory_space<hbm>> -> memref<80xi32, #tpu.memory_space<hbm>>
      %dma_start3A_229 = tpu.memref_slice %arg3[%add3A_227] : memref<337920xi32, #tpu.memory_space<hbm>> -> memref<80xi32, #tpu.memory_space<hbm>>
      tpu.enqueue_dma source(%dma_start3A_229 : memref<80xi32, #tpu.memory_space<hbm>>) target(%arg10 : memref<80xi32, #tpu.memory_space<vmem>>) target_semaphore(%arg25 : memref<!tpu.dma_semaphore, #tpu.memory_space<semaphore_mem>>)
      %dma_start3A_230 = tpu.memref_slice %arg4[%add3A_227] : memref<337920xi32, #tpu.memory_space<hbm>> -> memref<80xi32, #tpu.memory_space<hbm>>
      %dma_start3A_231 = tpu.memref_slice %arg4[%add3A_227] : memref<337920xi32, #tpu.memory_space<hbm>> -> memref<80xi32, #tpu.memory_space<hbm>>
      tpu.enqueue_dma source(%dma_start3A_231 : memref<80xi32, #tpu.memory_space<hbm>>) target(%arg13 : memref<80xi32, #tpu.memory_space<vmem>>) target_semaphore(%arg25 : memref<!tpu.dma_semaphore, #tpu.memory_space<semaphore_mem>>)
      %mul3A_232 = arith.constant 2 : i32
      %mul3A_233 = arith.muli %mul3A_232, %scan3A_116 : i32
      %add3A_234 = arith.constant 1 : i32
      %add3A_235 = arith.addi %mul3A_233, %add3A_234 : i32
      %dma_wait3A_236 = arith.constant 0 : i32
      %dma_wait3A_237 = arith.constant 0 : i32
      %dma_wait3A_238 = tpu.memref_slice %arg2[%dma_wait3A_236, %dma_wait3A_237] : memref<10240x128xf32, #tpu.memory_space<hbm>> -> memref<10240x128xf32, #tpu.memory_space<hbm>>
      tpu.wait_indirect_dma semaphore(%arg27 : memref<!tpu.dma_semaphore, #tpu.memory_space<semaphore_mem>>) src(%dma_wait3A_238 : memref<10240x128xf32, #tpu.memory_space<hbm>>) dst(%arg20 : memref<80x128xf32, #tpu.memory_space<vmem>>)
      %dma_start3A_239 = arith.constant 0 : i32
      %dma_start3A_240 = arith.constant 0 : i32
      %dma_start3A_241 = tpu.memref_slice %arg24[%dma_start3A_239, %dma_start3A_240] : memref<10240x128xf32, #tpu.memory_space<vmem_shared>> -> memref<10240x128xf32, #tpu.memory_space<vmem_shared>>
      tpu.enqueue_indirect_dma source(%arg20 : memref<80x128xf32, #tpu.memory_space<vmem>>) target(%dma_start3A_241 : memref<10240x128xf32, #tpu.memory_space<vmem_shared>>) offsets(%arg17 : memref<80xi32, #tpu.memory_space<vmem>>) semaphore(%arg30 : memref<!tpu.dma_semaphore, #tpu.memory_space<semaphore_mem>>) {add = true}
      %get3A_242 = arith.constant 0 : index
      %get3A_243 = tpu.vector_load %arg17[%get3A_242] {strides = array<i32>} : memref<80xi32, #tpu.memory_space<vmem>>, vector<16xi32>,
      tpu.vector_store_idx %arg23[%broadcast_in_dim3A_24, %get3A_243], %broadcast_in_dim3A_22 {add = true} : memref<1x10240xf32, #tpu.memory_space<vmem>>[vector<16xi32>, vector<16xi32>], vector<16xf32>,
      %get3A_244 = arith.constant 16 : index
      %get3A_245 = tpu.vector_load %arg17[%get3A_244] {strides = array<i32>} : memref<80xi32, #tpu.memory_space<vmem>>, vector<16xi32>,
      tpu.vector_store_idx %arg23[%broadcast_in_dim3A_24, %get3A_245], %broadcast_in_dim3A_22 {add = true} : memref<1x10240xf32, #tpu.memory_space<vmem>>[vector<16xi32>, vector<16xi32>], vector<16xf32>,
      %get3A_246 = arith.constant 32 : index
      %get3A_247 = tpu.vector_load %arg17[%get3A_246] {strides = array<i32>} : memref<80xi32, #tpu.memory_space<vmem>>, vector<16xi32>,
      tpu.vector_store_idx %arg23[%broadcast_in_dim3A_24, %get3A_247], %broadcast_in_dim3A_22 {add = true} : memref<1x10240xf32, #tpu.memory_space<vmem>>[vector<16xi32>, vector<16xi32>], vector<16xf32>,
      %get3A_248 = arith.constant 48 : index
      %get3A_249 = tpu.vector_load %arg17[%get3A_248] {strides = array<i32>} : memref<80xi32, #tpu.memory_space<vmem>>, vector<16xi32>,
      tpu.vector_store_idx %arg23[%broadcast_in_dim3A_24, %get3A_249], %broadcast_in_dim3A_22 {add = true} : memref<1x10240xf32, #tpu.memory_space<vmem>>[vector<16xi32>, vector<16xi32>], vector<16xf32>,
      %get3A_250 = arith.constant 64 : index
      %get3A_251 = tpu.vector_load %arg17[%get3A_250] {strides = array<i32>} : memref<80xi32, #tpu.memory_space<vmem>>, vector<16xi32>,
      tpu.vector_store_idx %arg23[%broadcast_in_dim3A_24, %get3A_251], %broadcast_in_dim3A_22 {add = true} : memref<1x10240xf32, #tpu.memory_space<vmem>>[vector<16xi32>, vector<16xi32>], vector<16xf32>,
      %dma_wait3A_252 = arith.constant 0 : i32
      %dma_wait3A_253 = arith.constant 0 : i32
      %dma_wait3A_254 = tpu.memref_slice %arg2[%dma_wait3A_252, %dma_wait3A_253] : memref<10240x128xf32, #tpu.memory_space<hbm>> -> memref<10240x128xf32, #tpu.memory_space<hbm>>
      tpu.wait_indirect_dma semaphore(%arg28 : memref<!tpu.dma_semaphore, #tpu.memory_space<semaphore_mem>>) src(%dma_wait3A_254 : memref<10240x128xf32, #tpu.memory_space<hbm>>) dst(%arg21 : memref<80x128xf32, #tpu.memory_space<vmem>>)
      %dma_start3A_255 = arith.constant 0 : i32
      %dma_start3A_256 = arith.constant 0 : i32
      %dma_start3A_257 = tpu.memref_slice %arg24[%dma_start3A_255, %dma_start3A_256] : memref<10240x128xf32, #tpu.memory_space<vmem_shared>> -> memref<10240x128xf32, #tpu.memory_space<vmem_shared>>
      tpu.enqueue_indirect_dma source(%arg21 : memref<80x128xf32, #tpu.memory_space<vmem>>) target(%dma_start3A_257 : memref<10240x128xf32, #tpu.memory_space<vmem_shared>>) offsets(%arg18 : memref<80xi32, #tpu.memory_space<vmem>>) semaphore(%arg31 : memref<!tpu.dma_semaphore, #tpu.memory_space<semaphore_mem>>) {add = true}
      %get3A_258 = arith.constant 0 : index
      %get3A_259 = tpu.vector_load %arg18[%get3A_258] {strides = array<i32>} : memref<80xi32, #tpu.memory_space<vmem>>, vector<16xi32>,
      tpu.vector_store_idx %arg23[%broadcast_in_dim3A_24, %get3A_259], %broadcast_in_dim3A_22 {add = true} : memref<1x10240xf32, #tpu.memory_space<vmem>>[vector<16xi32>, vector<16xi32>], vector<16xf32>,
      %get3A_260 = arith.constant 16 : index
      %get3A_261 = tpu.vector_load %arg18[%get3A_260] {strides = array<i32>} : memref<80xi32, #tpu.memory_space<vmem>>, vector<16xi32>,
      tpu.vector_store_idx %arg23[%broadcast_in_dim3A_24, %get3A_261], %broadcast_in_dim3A_22 {add = true} : memref<1x10240xf32, #tpu.memory_space<vmem>>[vector<16xi32>, vector<16xi32>], vector<16xf32>,
      %get3A_262 = arith.constant 32 : index
      %get3A_263 = tpu.vector_load %arg18[%get3A_262] {strides = array<i32>} : memref<80xi32, #tpu.memory_space<vmem>>, vector<16xi32>,
      tpu.vector_store_idx %arg23[%broadcast_in_dim3A_24, %get3A_263], %broadcast_in_dim3A_22 {add = true} : memref<1x10240xf32, #tpu.memory_space<vmem>>[vector<16xi32>, vector<16xi32>], vector<16xf32>,
      %get3A_264 = arith.constant 48 : index
      %get3A_265 = tpu.vector_load %arg18[%get3A_264] {strides = array<i32>} : memref<80xi32, #tpu.memory_space<vmem>>, vector<16xi32>,
      tpu.vector_store_idx %arg23[%broadcast_in_dim3A_24, %get3A_265], %broadcast_in_dim3A_22 {add = true} : memref<1x10240xf32, #tpu.memory_space<vmem>>[vector<16xi32>, vector<16xi32>], vector<16xf32>,
      %get3A_266 = arith.constant 64 : index
      %get3A_267 = tpu.vector_load %arg18[%get3A_266] {strides = array<i32>} : memref<80xi32, #tpu.memory_space<vmem>>, vector<16xi32>,
      tpu.vector_store_idx %arg23[%broadcast_in_dim3A_24, %get3A_267], %broadcast_in_dim3A_22 {add = true} : memref<1x10240xf32, #tpu.memory_space<vmem>>[vector<16xi32>, vector<16xi32>], vector<16xf32>,
      %dma_wait3A_268 = arith.constant 0 : i32
      %dma_wait3A_269 = arith.constant 0 : i32
      %dma_wait3A_270 = tpu.memref_slice %arg2[%dma_wait3A_268, %dma_wait3A_269] : memref<10240x128xf32, #tpu.memory_space<hbm>> -> memref<10240x128xf32, #tpu.memory_space<hbm>>
      tpu.wait_indirect_dma semaphore(%arg29 : memref<!tpu.dma_semaphore, #tpu.memory_space<semaphore_mem>>) src(%dma_wait3A_270 : memref<10240x128xf32, #tpu.memory_space<hbm>>) dst(%arg22 : memref<80x128xf32, #tpu.memory_space<vmem>>)
      %dma_start3A_271 = arith.constant 0 : i32
      %dma_start3A_272 = arith.constant 0 : i32
      %dma_start3A_273 = tpu.memref_slice %arg24[%dma_start3A_271, %dma_start3A_272] : memref<10240x128xf32, #tpu.memory_space<vmem_shared>> -> memref<10240x128xf32, #tpu.memory_space<vmem_shared>>
      tpu.enqueue_indirect_dma source(%arg22 : memref<80x128xf32, #tpu.memory_space<vmem>>) target(%dma_start3A_273 : memref<10240x128xf32, #tpu.memory_space<vmem_shared>>) offsets(%arg19 : memref<80xi32, #tpu.memory_space<vmem>>) semaphore(%arg32 : memref<!tpu.dma_semaphore, #tpu.memory_space<semaphore_mem>>) {add = true}
      %get3A_274 = arith.constant 0 : index
      %get3A_275 = tpu.vector_load %arg19[%get3A_274] {strides = array<i32>} : memref<80xi32, #tpu.memory_space<vmem>>, vector<16xi32>,
      tpu.vector_store_idx %arg23[%broadcast_in_dim3A_24, %get3A_275], %broadcast_in_dim3A_22 {add = true} : memref<1x10240xf32, #tpu.memory_space<vmem>>[vector<16xi32>, vector<16xi32>], vector<16xf32>,
      %get3A_276 = arith.constant 16 : index
      %get3A_277 = tpu.vector_load %arg19[%get3A_276] {strides = array<i32>} : memref<80xi32, #tpu.memory_space<vmem>>, vector<16xi32>,
      tpu.vector_store_idx %arg23[%broadcast_in_dim3A_24, %get3A_277], %broadcast_in_dim3A_22 {add = true} : memref<1x10240xf32, #tpu.memory_space<vmem>>[vector<16xi32>, vector<16xi32>], vector<16xf32>,
      %get3A_278 = arith.constant 32 : index
      %get3A_279 = tpu.vector_load %arg19[%get3A_278] {strides = array<i32>} : memref<80xi32, #tpu.memory_space<vmem>>, vector<16xi32>,
      tpu.vector_store_idx %arg23[%broadcast_in_dim3A_24, %get3A_279], %broadcast_in_dim3A_22 {add = true} : memref<1x10240xf32, #tpu.memory_space<vmem>>[vector<16xi32>, vector<16xi32>], vector<16xf32>,
      %get3A_280 = arith.constant 48 : index
      %get3A_281 = tpu.vector_load %arg19[%get3A_280] {strides = array<i32>} : memref<80xi32, #tpu.memory_space<vmem>>, vector<16xi32>,
      tpu.vector_store_idx %arg23[%broadcast_in_dim3A_24, %get3A_281], %broadcast_in_dim3A_22 {add = true} : memref<1x10240xf32, #tpu.memory_space<vmem>>[vector<16xi32>, vector<16xi32>], vector<16xf32>,
      %get3A_282 = arith.constant 64 : index
      %get3A_283 = tpu.vector_load %arg19[%get3A_282] {strides = array<i32>} : memref<80xi32, #tpu.memory_space<vmem>>, vector<16xi32>,
      tpu.vector_store_idx %arg23[%broadcast_in_dim3A_24, %get3A_283], %broadcast_in_dim3A_22 {add = true} : memref<1x10240xf32, #tpu.memory_space<vmem>>[vector<16xi32>, vector<16xi32>], vector<16xf32>,
      %dma_wait3A_284 = arith.constant 0 : i32
      %dma_wait3A_285 = arith.constant 0 : i32
      %dma_wait3A_286 = tpu.memref_slice %arg24[%dma_wait3A_284, %dma_wait3A_285] : memref<10240x128xf32, #tpu.memory_space<vmem_shared>> -> memref<10240x128xf32, #tpu.memory_space<vmem_shared>>
      tpu.wait_indirect_dma semaphore(%arg30 : memref<!tpu.dma_semaphore, #tpu.memory_space<semaphore_mem>>) src(%arg20 : memref<80x128xf32, #tpu.memory_space<vmem>>) dst(%dma_wait3A_286 : memref<10240x128xf32, #tpu.memory_space<vmem_shared>>)
      %dma_wait3A_287 = tpu.memref_slice %arg3[%mul3A_20] : memref<337920xi32, #tpu.memory_space<hbm>> -> memref<80xi32, #tpu.memory_space<hbm>>
      %dma_wait3A_288 = tpu.memref_slice %arg3[%mul3A_20] : memref<337920xi32, #tpu.memory_space<hbm>> -> memref<80xi32, #tpu.memory_space<hbm>>
      tpu.wait_dma2 semaphore(%arg25 : memref<!tpu.dma_semaphore, #tpu.memory_space<semaphore_mem>>) src(%dma_wait3A_288 : memref<80xi32, #tpu.memory_space<hbm>>) dst(%arg8 : memref<80xi32, #tpu.memory_space<vmem>>)
      %dma_wait3A_289 = tpu.memref_slice %arg4[%mul3A_20] : memref<337920xi32, #tpu.memory_space<hbm>> -> memref<80xi32, #tpu.memory_space<hbm>>
      %dma_wait3A_290 = tpu.memref_slice %arg4[%mul3A_20] : memref<337920xi32, #tpu.memory_space<hbm>> -> memref<80xi32, #tpu.memory_space<hbm>>
      tpu.wait_dma2 semaphore(%arg25 : memref<!tpu.dma_semaphore, #tpu.memory_space<semaphore_mem>>) src(%dma_wait3A_290 : memref<80xi32, #tpu.memory_space<hbm>>) dst(%arg11 : memref<80xi32, #tpu.memory_space<vmem>>)
      %dma_start3A_291 = arith.constant 0 : i32
      %dma_start3A_292 = arith.constant 0 : i32
      %dma_start3A_293 = tpu.memref_slice %arg2[%dma_start3A_291, %dma_start3A_292] : memref<10240x128xf32, #tpu.memory_space<hbm>> -> memref<10240x128xf32, #tpu.memory_space<hbm>>
      tpu.enqueue_indirect_dma source(%dma_start3A_293 : memref<10240x128xf32, #tpu.memory_space<hbm>>) target(%arg20 : memref<80x128xf32, #tpu.memory_space<vmem>>) offsets(%arg8 : memref<80xi32, #tpu.memory_space<vmem>>) semaphore(%arg27 : memref<!tpu.dma_semaphore, #tpu.memory_space<semaphore_mem>>)
      %dma_wait3A_294 = arith.constant 0 : i32
      %dma_wait3A_295 = arith.constant 0 : i32
      %dma_wait3A_296 = tpu.memref_slice %arg24[%dma_wait3A_294, %dma_wait3A_295] : memref<10240x128xf32, #tpu.memory_space<vmem_shared>> -> memref<10240x128xf32, #tpu.memory_space<vmem_shared>>
      tpu.wait_indirect_dma semaphore(%arg31 : memref<!tpu.dma_semaphore, #tpu.memory_space<semaphore_mem>>) src(%arg21 : memref<80x128xf32, #tpu.memory_space<vmem>>) dst(%dma_wait3A_296 : memref<10240x128xf32, #tpu.memory_space<vmem_shared>>)
      %dma_wait3A_297 = tpu.memref_slice %arg3[%mul3A_20] : memref<337920xi32, #tpu.memory_space<hbm>> -> memref<80xi32, #tpu.memory_space<hbm>>
      %dma_wait3A_298 = tpu.memref_slice %arg3[%mul3A_20] : memref<337920xi32, #tpu.memory_space<hbm>> -> memref<80xi32, #tpu.memory_space<hbm>>
      tpu.wait_dma2 semaphore(%arg25 : memref<!tpu.dma_semaphore, #tpu.memory_space<semaphore_mem>>) src(%dma_wait3A_298 : memref<80xi32, #tpu.memory_space<hbm>>) dst(%arg9 : memref<80xi32, #tpu.memory_space<vmem>>)
      %dma_wait3A_299 = tpu.memref_slice %arg4[%mul3A_20] : memref<337920xi32, #tpu.memory_space<hbm>> -> memref<80xi32, #tpu.memory_space<hbm>>
      %dma_wait3A_300 = tpu.memref_slice %arg4[%mul3A_20] : memref<337920xi32, #tpu.memory_space<hbm>> -> memref<80xi32, #tpu.memory_space<hbm>>
      tpu.wait_dma2 semaphore(%arg25 : memref<!tpu.dma_semaphore, #tpu.memory_space<semaphore_mem>>) src(%dma_wait3A_300 : memref<80xi32, #tpu.memory_space<hbm>>) dst(%arg12 : memref<80xi32, #tpu.memory_space<vmem>>)
      %dma_start3A_301 = arith.constant 0 : i32
      %dma_start3A_302 = arith.constant 0 : i32
      %dma_start3A_303 = tpu.memref_slice %arg2[%dma_start3A_301, %dma_start3A_302] : memref<10240x128xf32, #tpu.memory_space<hbm>> -> memref<10240x128xf32, #tpu.memory_space<hbm>>
      tpu.enqueue_indirect_dma source(%dma_start3A_303 : memref<10240x128xf32, #tpu.memory_space<hbm>>) target(%arg21 : memref<80x128xf32, #tpu.memory_space<vmem>>) offsets(%arg9 : memref<80xi32, #tpu.memory_space<vmem>>) semaphore(%arg28 : memref<!tpu.dma_semaphore, #tpu.memory_space<semaphore_mem>>)
      %dma_wait3A_304 = arith.constant 0 : i32
      %dma_wait3A_305 = arith.constant 0 : i32
      %dma_wait3A_306 = tpu.memref_slice %arg24[%dma_wait3A_304, %dma_wait3A_305] : memref<10240x128xf32, #tpu.memory_space<vmem_shared>> -> memref<10240x128xf32, #tpu.memory_space<vmem_shared>>
      tpu.wait_indirect_dma semaphore(%arg32 : memref<!tpu.dma_semaphore, #tpu.memory_space<semaphore_mem>>) src(%arg22 : memref<80x128xf32, #tpu.memory_space<vmem>>) dst(%dma_wait3A_306 : memref<10240x128xf32, #tpu.memory_space<vmem_shared>>)
      %dma_wait3A_307 = tpu.memref_slice %arg3[%mul3A_20] : memref<337920xi32, #tpu.memory_space<hbm>> -> memref<80xi32, #tpu.memory_space<hbm>>
      %dma_wait3A_308 = tpu.memref_slice %arg3[%mul3A_20] : memref<337920xi32, #tpu.memory_space<hbm>> -> memref<80xi32, #tpu.memory_space<hbm>>
      tpu.wait_dma2 semaphore(%arg25 : memref<!tpu.dma_semaphore, #tpu.memory_space<semaphore_mem>>) src(%dma_wait3A_308 : memref<80xi32, #tpu.memory_space<hbm>>) dst(%arg10 : memref<80xi32, #tpu.memory_space<vmem>>)
      %dma_wait3A_309 = tpu.memref_slice %arg4[%mul3A_20] : memref<337920xi32, #tpu.memory_space<hbm>> -> memref<80xi32, #tpu.memory_space<hbm>>
      %dma_wait3A_310 = tpu.memref_slice %arg4[%mul3A_20] : memref<337920xi32, #tpu.memory_space<hbm>> -> memref<80xi32, #tpu.memory_space<hbm>>
      tpu.wait_dma2 semaphore(%arg25 : memref<!tpu.dma_semaphore, #tpu.memory_space<semaphore_mem>>) src(%dma_wait3A_310 : memref<80xi32, #tpu.memory_space<hbm>>) dst(%arg13 : memref<80xi32, #tpu.memory_space<vmem>>)
      %dma_start3A_311 = arith.constant 0 : i32
      %dma_start3A_312 = arith.constant 0 : i32
      %dma_start3A_313 = tpu.memref_slice %arg2[%dma_start3A_311, %dma_start3A_312] : memref<10240x128xf32, #tpu.memory_space<hbm>> -> memref<10240x128xf32, #tpu.memory_space<hbm>>
      tpu.enqueue_indirect_dma source(%dma_start3A_313 : memref<10240x128xf32, #tpu.memory_space<hbm>>) target(%arg22 : memref<80x128xf32, #tpu.memory_space<vmem>>) offsets(%arg10 : memref<80xi32, #tpu.memory_space<vmem>>) semaphore(%arg29 : memref<!tpu.dma_semaphore, #tpu.memory_space<semaphore_mem>>)
      %add3A_314 = arith.constant 2 : i32
      %add3A_315 = arith.addi %add3A_235, %add3A_314 : i32
      %mul3A_316 = arith.constant 3 : i32
      %mul3A_317 = arith.muli %add3A_315, %mul3A_316 : i32
      %add3A_318 = arith.constant 0 : i32
      %add3A_319 = arith.addi %mul3A_317, %add3A_318 : i32
      %mul3A_320 = arith.constant 80 : i32
      %mul3A_321 = arith.muli %add3A_319, %mul3A_320 : i32
      %add3A_322 = arith.addi %mul3A_20, %mul3A_321 : i32
      %dma_start3A_323 = tpu.memref_slice %arg3[%add3A_322] : memref<337920xi32, #tpu.memory_space<hbm>> -> memref<80xi32, #tpu.memory_space<hbm>>
      %dma_start3A_324 = tpu.memref_slice %arg3[%add3A_322] : memref<337920xi32, #tpu.memory_space<hbm>> -> memref<80xi32, #tpu.memory_space<hbm>>
      tpu.enqueue_dma source(%dma_start3A_324 : memref<80xi32, #tpu.memory_space<hbm>>) target(%arg14 : memref<80xi32, #tpu.memory_space<vmem>>) target_semaphore(%arg26 : memref<!tpu.dma_semaphore, #tpu.memory_space<semaphore_mem>>)
      %dma_start3A_325 = tpu.memref_slice %arg4[%add3A_322] : memref<337920xi32, #tpu.memory_space<hbm>> -> memref<80xi32, #tpu.memory_space<hbm>>
      %dma_start3A_326 = tpu.memref_slice %arg4[%add3A_322] : memref<337920xi32, #tpu.memory_space<hbm>> -> memref<80xi32, #tpu.memory_space<hbm>>
      tpu.enqueue_dma source(%dma_start3A_326 : memref<80xi32, #tpu.memory_space<hbm>>) target(%arg17 : memref<80xi32, #tpu.memory_space<vmem>>) target_semaphore(%arg26 : memref<!tpu.dma_semaphore, #tpu.memory_space<semaphore_mem>>)
      %mul3A_327 = arith.constant 3 : i32
      %mul3A_328 = arith.muli %add3A_315, %mul3A_327 : i32
      %add3A_329 = arith.constant 1 : i32
      %add3A_330 = arith.addi %mul3A_328, %add3A_329 : i32
      %mul3A_331 = arith.constant 80 : i32
      %mul3A_332 = arith.muli %add3A_330, %mul3A_331 : i32
      %add3A_333 = arith.addi %mul3A_20, %mul3A_332 : i32
      %dma_start3A_334 = tpu.memref_slice %arg3[%add3A_333] : memref<337920xi32, #tpu.memory_space<hbm>> -> memref<80xi32, #tpu.memory_space<hbm>>
      %dma_start3A_335 = tpu.memref_slice %arg3[%add3A_333] : memref<337920xi32, #tpu.memory_space<hbm>> -> memref<80xi32, #tpu.memory_space<hbm>>
      tpu.enqueue_dma source(%dma_start3A_335 : memref<80xi32, #tpu.memory_space<hbm>>) target(%arg15 : memref<80xi32, #tpu.memory_space<vmem>>) target_semaphore(%arg26 : memref<!tpu.dma_semaphore, #tpu.memory_space<semaphore_mem>>)
      %dma_start3A_336 = tpu.memref_slice %arg4[%add3A_333] : memref<337920xi32, #tpu.memory_space<hbm>> -> memref<80xi32, #tpu.memory_space<hbm>>
      %dma_start3A_337 = tpu.memref_slice %arg4[%add3A_333] : memref<337920xi32, #tpu.memory_space<hbm>> -> memref<80xi32, #tpu.memory_space<hbm>>
      tpu.enqueue_dma source(%dma_start3A_337 : memref<80xi32, #tpu.memory_space<hbm>>) target(%arg18 : memref<80xi32, #tpu.memory_space<vmem>>) target_semaphore(%arg26 : memref<!tpu.dma_semaphore, #tpu.memory_space<semaphore_mem>>)
      %mul3A_338 = arith.constant 3 : i32
      %mul3A_339 = arith.muli %add3A_315, %mul3A_338 : i32
      %add3A_340 = arith.constant 2 : i32
      %add3A_341 = arith.addi %mul3A_339, %add3A_340 : i32
      %mul3A_342 = arith.constant 80 : i32
      %mul3A_343 = arith.muli %add3A_341, %mul3A_342 : i32
      %add3A_344 = arith.addi %mul3A_20, %mul3A_343 : i32
      %dma_start3A_345 = tpu.memref_slice %arg3[%add3A_344] : memref<337920xi32, #tpu.memory_space<hbm>> -> memref<80xi32, #tpu.memory_space<hbm>>
      %dma_start3A_346 = tpu.memref_slice %arg3[%add3A_344] : memref<337920xi32, #tpu.memory_space<hbm>> -> memref<80xi32, #tpu.memory_space<hbm>>
      tpu.enqueue_dma source(%dma_start3A_346 : memref<80xi32, #tpu.memory_space<hbm>>) target(%arg16 : memref<80xi32, #tpu.memory_space<vmem>>) target_semaphore(%arg26 : memref<!tpu.dma_semaphore, #tpu.memory_space<semaphore_mem>>)
      %dma_start3A_347 = tpu.memref_slice %arg4[%add3A_344] : memref<337920xi32, #tpu.memory_space<hbm>> -> memref<80xi32, #tpu.memory_space<hbm>>
      %dma_start3A_348 = tpu.memref_slice %arg4[%add3A_344] : memref<337920xi32, #tpu.memory_space<hbm>> -> memref<80xi32, #tpu.memory_space<hbm>>
      tpu.enqueue_dma source(%dma_start3A_348 : memref<80xi32, #tpu.memory_space<hbm>>) target(%arg19 : memref<80xi32, #tpu.memory_space<vmem>>) target_semaphore(%arg26 : memref<!tpu.dma_semaphore, #tpu.memory_space<semaphore_mem>>)
      %scan3A_349 = arith.constant 0 : i32
      scf.yield %scan3A_349 : i32
    }
    %scan3A_86 = arith.constant 21 : i32
    %dma_wait3A_87 = arith.constant 0 : i32
    %dma_wait3A_88 = arith.constant 0 : i32
    %dma_wait3A_89 = tpu.memref_slice %arg2[%dma_wait3A_87, %dma_wait3A_88] : memref<10240x128xf32, #tpu.memory_space<hbm>> -> memref<10240x128xf32, #tpu.memory_space<hbm>>
    tpu.wait_indirect_dma semaphore(%arg27 : memref<!tpu.dma_semaphore, #tpu.memory_space<semaphore_mem>>) src(%dma_wait3A_89 : memref<10240x128xf32, #tpu.memory_space<hbm>>) dst(%arg20 : memref<80x128xf32, #tpu.memory_space<vmem>>)
    %dma_wait3A_90 = tpu.memref_slice %arg3[%mul3A_20] : memref<337920xi32, #tpu.memory_space<hbm>> -> memref<80xi32, #tpu.memory_space<hbm>>
    %dma_wait3A_91 = tpu.memref_slice %arg3[%mul3A_20] : memref<337920xi32, #tpu.memory_space<hbm>> -> memref<80xi32, #tpu.memory_space<hbm>>
    tpu.wait_dma2 semaphore(%arg26 : memref<!tpu.dma_semaphore, #tpu.memory_space<semaphore_mem>>) src(%dma_wait3A_91 : memref<80xi32, #tpu.memory_space<hbm>>) dst(%arg14 : memref<80xi32, #tpu.memory_space<vmem>>)
    %dma_wait3A_92 = tpu.memref_slice %arg4[%mul3A_20] : memref<337920xi32, #tpu.memory_space<hbm>> -> memref<80xi32, #tpu.memory_space<hbm>>
    %dma_wait3A_93 = tpu.memref_slice %arg4[%mul3A_20] : memref<337920xi32, #tpu.memory_space<hbm>> -> memref<80xi32, #tpu.memory_space<hbm>>
    tpu.wait_dma2 semaphore(%arg26 : memref<!tpu.dma_semaphore, #tpu.memory_space<semaphore_mem>>) src(%dma_wait3A_93 : memref<80xi32, #tpu.memory_space<hbm>>) dst(%arg17 : memref<80xi32, #tpu.memory_space<vmem>>)
    %dma_wait3A_94 = arith.constant 0 : i32
    %dma_wait3A_95 = arith.constant 0 : i32
    %dma_wait3A_96 = tpu.memref_slice %arg2[%dma_wait3A_94, %dma_wait3A_95] : memref<10240x128xf32, #tpu.memory_space<hbm>> -> memref<10240x128xf32, #tpu.memory_space<hbm>>
    tpu.wait_indirect_dma semaphore(%arg28 : memref<!tpu.dma_semaphore, #tpu.memory_space<semaphore_mem>>) src(%dma_wait3A_96 : memref<10240x128xf32, #tpu.memory_space<hbm>>) dst(%arg21 : memref<80x128xf32, #tpu.memory_space<vmem>>)
    %dma_wait3A_97 = tpu.memref_slice %arg3[%mul3A_20] : memref<337920xi32, #tpu.memory_space<hbm>> -> memref<80xi32, #tpu.memory_space<hbm>>
    %dma_wait3A_98 = tpu.memref_slice %arg3[%mul3A_20] : memref<337920xi32, #tpu.memory_space<hbm>> -> memref<80xi32, #tpu.memory_space<hbm>>
    tpu.wait_dma2 semaphore(%arg26 : memref<!tpu.dma_semaphore, #tpu.memory_space<semaphore_mem>>) src(%dma_wait3A_98 : memref<80xi32, #tpu.memory_space<hbm>>) dst(%arg15 : memref<80xi32, #tpu.memory_space<vmem>>)
    %dma_wait3A_99 = tpu.memref_slice %arg4[%mul3A_20] : memref<337920xi32, #tpu.memory_space<hbm>> -> memref<80xi32, #tpu.memory_space<hbm>>
    %dma_wait3A_100 = tpu.memref_slice %arg4[%mul3A_20] : memref<337920xi32, #tpu.memory_space<hbm>> -> memref<80xi32, #tpu.memory_space<hbm>>
    tpu.wait_dma2 semaphore(%arg26 : memref<!tpu.dma_semaphore, #tpu.memory_space<semaphore_mem>>) src(%dma_wait3A_100 : memref<80xi32, #tpu.memory_space<hbm>>) dst(%arg18 : memref<80xi32, #tpu.memory_space<vmem>>)
    %dma_wait3A_101 = arith.constant 0 : i32
    %dma_wait3A_102 = arith.constant 0 : i32
    %dma_wait3A_103 = tpu.memref_slice %arg2[%dma_wait3A_101, %dma_wait3A_102] : memref<10240x128xf32, #tpu.memory_space<hbm>> -> memref<10240x128xf32, #tpu.memory_space<hbm>>
    tpu.wait_indirect_dma semaphore(%arg29 : memref<!tpu.dma_semaphore, #tpu.memory_space<semaphore_mem>>) src(%dma_wait3A_103 : memref<10240x128xf32, #tpu.memory_space<hbm>>) dst(%arg22 : memref<80x128xf32, #tpu.memory_space<vmem>>)
    %dma_wait3A_104 = tpu.memref_slice %arg3[%mul3A_20] : memref<337920xi32, #tpu.memory_space<hbm>> -> memref<80xi32, #tpu.memory_space<hbm>>
    %dma_wait3A_105 = tpu.memref_slice %arg3[%mul3A_20] : memref<337920xi32, #tpu.memory_space<hbm>> -> memref<80xi32, #tpu.memory_space<hbm>>
    tpu.wait_dma2 semaphore(%arg26 : memref<!tpu.dma_semaphore, #tpu.memory_space<semaphore_mem>>) src(%dma_wait3A_105 : memref<80xi32, #tpu.memory_space<hbm>>) dst(%arg16 : memref<80xi32, #tpu.memory_space<vmem>>)
    %dma_wait3A_106 = tpu.memref_slice %arg4[%mul3A_20] : memref<337920xi32, #tpu.memory_space<hbm>> -> memref<80xi32, #tpu.memory_space<hbm>>
    %dma_wait3A_107 = tpu.memref_slice %arg4[%mul3A_20] : memref<337920xi32, #tpu.memory_space<hbm>> -> memref<80xi32, #tpu.memory_space<hbm>>
    tpu.wait_dma2 semaphore(%arg26 : memref<!tpu.dma_semaphore, #tpu.memory_space<semaphore_mem>>) src(%dma_wait3A_107 : memref<80xi32, #tpu.memory_space<hbm>>) dst(%arg19 : memref<80xi32, #tpu.memory_space<vmem>>)
    %barrier3A_108 = arith.constant 0 : index
    tpu.barrier barrier_id(%barrier3A_108)
    %scan3A_109 = arith.constant 0 : i32
    %scan3A_110 = arith.constant 0 : i32
    %scan3A_111 = arith.constant 8 : i32
    %scan3A_112 = arith.addi %scan3A_110, %scan3A_111 : i32
    %scan3A_113 = arith.constant 1 : i32
    %scan3A_114 = scf.for %scan3A_116 = %scan3A_110 to %scan3A_112 step %scan3A_113 iter_args(%scan3A_117 = %scan3A_109) -> (i32)  : i32 {
      %mul3A_118 = arith.constant 80 : i32
      %mul3A_119 = arith.muli %scan3A_116, %mul3A_118 : i32
      %add3A_120 = arith.addi %mul3A_2, %mul3A_119 : i32
      "tpu.region"() ({
        %run_scoped3A = tpu.sem_alloc : memref<!tpu.dma_semaphore, #tpu.memory_space<semaphore_mem>>
        %dma_start3A_122 = arith.constant 0 : i32
        %dma_start3A_123 = tpu.memref_slice %arg24[%add3A_120, %dma_start3A_122] : memref<10240x128xf32, #tpu.memory_space<vmem_shared>> -> memref<80x128xf32, #tpu.memory_space<vmem_shared>>
        %dma_start3A_124 = arith.constant 0 : i32
        %dma_start3A_125 = tpu.memref_slice %arg24[%add3A_120, %dma_start3A_124] : memref<10240x128xf32, #tpu.memory_space<vmem_shared>> -> memref<80x128xf32, #tpu.memory_space<vmem_shared>>
        tpu.enqueue_dma source(%dma_start3A_125 : memref<80x128xf32, #tpu.memory_space<vmem_shared>>) target(%arg20 : memref<80x128xf32, #tpu.memory_space<vmem>>) target_semaphore(%run_scoped3A : memref<!tpu.dma_semaphore, #tpu.memory_space<semaphore_mem>>)
        %dma_wait3A_126 = arith.constant 0 : i32
        %dma_wait3A_127 = tpu.memref_slice %arg24[%add3A_120, %dma_wait3A_126] : memref<10240x128xf32, #tpu.memory_space<vmem_shared>> -> memref<80x128xf32, #tpu.memory_space<vmem_shared>>
        %dma_wait3A_128 = arith.constant 0 : i32
        %dma_wait3A_129 = tpu.memref_slice %arg24[%add3A_120, %dma_wait3A_128] : memref<10240x128xf32, #tpu.memory_space<vmem_shared>> -> memref<80x128xf32, #tpu.memory_space<vmem_shared>>
        tpu.wait_dma2 semaphore(%run_scoped3A : memref<!tpu.dma_semaphore, #tpu.memory_space<semaphore_mem>>) src(%dma_wait3A_129 : memref<80x128xf32, #tpu.memory_space<vmem_shared>>) dst(%arg20 : memref<80x128xf32, #tpu.memory_space<vmem>>)
        tpu.yield
      }) : () -> ()
      "tpu.region"() ({
        %run_scoped3A = tpu.sem_alloc : memref<!tpu.dma_semaphore, #tpu.memory_space<semaphore_mem>>
        %dma_start3A_122 = arith.constant 0 : i32
        %dma_start3A_123 = tpu.memref_slice %arg6[%arg0, %add3A_120, %dma_start3A_122] : memref<2x10240x128xf32, #tpu.memory_space<hbm>> -> memref<1x80x128xf32, #tpu.memory_space<hbm>>
        %dma_start3A_124 = tpu.memref_squeeze %dma_start3A_123 : memref<1x80x128xf32, #tpu.memory_space<hbm>> -> memref<80x128xf32, #tpu.memory_space<hbm>>
        %dma_start3A_125 = arith.constant 0 : i32
        %dma_start3A_126 = tpu.memref_slice %arg6[%arg0, %add3A_120, %dma_start3A_125] : memref<2x10240x128xf32, #tpu.memory_space<hbm>> -> memref<1x80x128xf32, #tpu.memory_space<hbm>>
        %dma_start3A_127 = tpu.memref_squeeze %dma_start3A_126 : memref<1x80x128xf32, #tpu.memory_space<hbm>> -> memref<80x128xf32, #tpu.memory_space<hbm>>
        tpu.enqueue_dma source(%arg20 : memref<80x128xf32, #tpu.memory_space<vmem>>) target(%dma_start3A_127 : memref<80x128xf32, #tpu.memory_space<hbm>>) target_semaphore(%run_scoped3A : memref<!tpu.dma_semaphore, #tpu.memory_space<semaphore_mem>>)
        %dma_wait3A_128 = arith.constant 0 : i32
        %dma_wait3A_129 = tpu.memref_slice %arg6[%arg0, %add3A_120, %dma_wait3A_128] : memref<2x10240x128xf32, #tpu.memory_space<hbm>> -> memref<1x80x128xf32, #tpu.memory_space<hbm>>
        %dma_wait3A_130 = tpu.memref_squeeze %dma_wait3A_129 : memref<1x80x128xf32, #tpu.memory_space<hbm>> -> memref<80x128xf32, #tpu.memory_space<hbm>>
        %dma_wait3A_131 = arith.constant 0 : i32
        %dma_wait3A_132 = tpu.memref_slice %arg6[%arg0, %add3A_120, %dma_wait3A_131] : memref<2x10240x128xf32, #tpu.memory_space<hbm>> -> memref<1x80x128xf32, #tpu.memory_space<hbm>>
        %dma_wait3A_133 = tpu.memref_squeeze %dma_wait3A_132 : memref<1x80x128xf32, #tpu.memory_space<hbm>> -> memref<80x128xf32, #tpu.memory_space<hbm>>
        tpu.wait_dma2 semaphore(%run_scoped3A : memref<!tpu.dma_semaphore, #tpu.memory_space<semaphore_mem>>) src(%arg20 : memref<80x128xf32, #tpu.memory_space<vmem>>) dst(%dma_wait3A_133 : memref<80x128xf32, #tpu.memory_space<hbm>>)
        tpu.yield
      }) : () -> ()
      %scan3A_121 = arith.constant 0 : i32
      scf.yield %scan3A_121 : i32
    }
    %scan3A_115 = arith.constant 8 : i32
    "tpu.region"() ({
      %run_scoped3A = tpu.sem_alloc : memref<!tpu.dma_semaphore, #tpu.memory_space<semaphore_mem>>
      %dma_start3A_116 = arith.constant 0 : i32
      %dma_start3A_117 = tpu.memref_slice %arg7[%add3A, %dma_start3A_116] : memref<32x10240xf32, #tpu.memory_space<hbm>> -> memref<1x10240xf32, #tpu.memory_space<hbm>>
      %dma_start3A_118 = arith.constant 0 : i32
      %dma_start3A_119 = tpu.memref_slice %arg7[%add3A, %dma_start3A_118] : memref<32x10240xf32, #tpu.memory_space<hbm>> -> memref<1x10240xf32, #tpu.memory_space<hbm>>
      tpu.enqueue_dma source(%arg23 : memref<1x10240xf32, #tpu.memory_space<vmem>>) target(%dma_start3A_119 : memref<1x10240xf32, #tpu.memory_space<hbm>>) target_semaphore(%run_scoped3A : memref<!tpu.dma_semaphore, #tpu.memory_space<semaphore_mem>>)
      %dma_wait3A_120 = arith.constant 0 : i32
      %dma_wait3A_121 = tpu.memref_slice %arg7[%add3A, %dma_wait3A_120] : memref<32x10240xf32, #tpu.memory_space<hbm>> -> memref<1x10240xf32, #tpu.memory_space<hbm>>
      %dma_wait3A_122 = arith.constant 0 : i32
      %dma_wait3A_123 = tpu.memref_slice %arg7[%add3A, %dma_wait3A_122] : memref<32x10240xf32, #tpu.memory_space<hbm>> -> memref<1x10240xf32, #tpu.memory_space<hbm>>
      tpu.wait_dma2 semaphore(%run_scoped3A : memref<!tpu.dma_semaphore, #tpu.memory_space<semaphore_mem>>) src(%arg23 : memref<1x10240xf32, #tpu.memory_space<vmem>>) dst(%dma_wait3A_123 : memref<1x10240xf32, #tpu.memory_space<hbm>>)
      tpu.yield
    }) : () -> ()
    return
  }
}

#map = affine_map<(d0, d1) -> (0, 0)>
#map1 = affine_map<(d0, d1) -> (0)>
#map2 = affine_map<(d0, d1) -> (0, 0, 0)>
module attributes {stable_mosaic.version = 14 : i64} {
  func.func @k(%arg0: i32, %arg1: i32, %arg2: memref<10240x128xf32, #tpu.memory_space<hbm>>, %arg3: memref<337920xi32, #tpu.memory_space<hbm>>, %arg4: memref<337920xi32, #tpu.memory_space<hbm>>, %arg5: memref<80x128xf32, #tpu.memory_space<hbm>>, %arg6: memref<2x10240x128xf32, #tpu.memory_space<hbm>>, %arg7: memref<32x10240xf32, #tpu.memory_space<hbm>>, %arg8: memref<80xi32, #tpu.memory_space<vmem>>, %arg9: memref<80xi32, #tpu.memory_space<vmem>>, %arg10: memref<80xi32, #tpu.memory_space<vmem>>, %arg11: memref<80xi32, #tpu.memory_space<vmem>>, %arg12: memref<80xi32, #tpu.memory_space<vmem>>, %arg13: memref<80xi32, #tpu.memory_space<vmem>>, %arg14: memref<80xi32, #tpu.memory_space<vmem>>, %arg15: memref<80xi32, #tpu.memory_space<vmem>>, %arg16: memref<80xi32, #tpu.memory_space<vmem>>, %arg17: memref<80xi32, #tpu.memory_space<vmem>>, %arg18: memref<80xi32, #tpu.memory_space<vmem>>, %arg19: memref<80xi32, #tpu.memory_space<vmem>>, %arg20: memref<80x128xf32, #tpu.memory_space<vmem>>, %arg21: memref<80x128xf32, #tpu.memory_space<vmem>>, %arg22: memref<80x128xf32, #tpu.memory_space<vmem>>, %arg23: memref<1x10240xf32, #tpu.memory_space<vmem>>, %arg24: memref<10240x128xf32, #tpu.memory_space<vmem_shared>>, %arg25: memref<!tpu.dma_semaphore, #tpu.memory_space<semaphore_mem>>, %arg26: memref<!tpu.dma_semaphore, #tpu.memory_space<semaphore_mem>>, %arg27: memref<!tpu.dma_semaphore, #tpu.memory_space<semaphore_mem>>, %arg28: memref<!tpu.dma_semaphore, #tpu.memory_space<semaphore_mem>>, %arg29: memref<!tpu.dma_semaphore, #tpu.memory_space<semaphore_mem>>, %arg30: memref<!tpu.dma_semaphore, #tpu.memory_space<semaphore_mem>>, %arg31: memref<!tpu.dma_semaphore, #tpu.memory_space<semaphore_mem>>, %arg32: memref<!tpu.dma_semaphore, #tpu.memory_space<semaphore_mem>>) attributes {dimension_semantics = [#tpu.dimension_semantics<core_parallel>, #tpu.dimension_semantics<subcore_parallel>], iteration_bounds = array<i64: 2, 16>, scalar_prefetch = 0 : i64, scratch_operands = 25 : i64, tpu.core_type = #tpu.core_type<sc_vector_subcore>, window_params = [{transform_indices = #map}, {transform_indices = #map1}, {transform_indices = #map1}, {transform_indices = #map}, {transform_indices = #map2}, {transform_indices = #map}]} {
    %mul3A = arith.constant 2 : i32
    %mul3A_0 = arith.muli %arg1, %mul3A : i32
    %add3A = arith.addi %mul3A_0, %arg0 : i32
    %mul3A_1 = arith.constant 640 : i32
    %mul3A_2 = arith.muli %arg1, %mul3A_1 : i32
    "tpu.region"() ({
      %run_scoped3A = tpu.sem_alloc : memref<!tpu.dma_semaphore, #tpu.memory_space<semaphore_mem>>
      tpu.enqueue_dma source(%arg5 : memref<80x128xf32, #tpu.memory_space<hbm>>) target(%arg20 : memref<80x128xf32, #tpu.memory_space<vmem>>) target_semaphore(%run_scoped3A : memref<!tpu.dma_semaphore, #tpu.memory_space<semaphore_mem>>)
      tpu.wait_dma2 semaphore(%run_scoped3A : memref<!tpu.dma_semaphore, #tpu.memory_space<semaphore_mem>>) src(%arg5 : memref<80x128xf32, #tpu.memory_space<hbm>>) dst(%arg20 : memref<80x128xf32, #tpu.memory_space<vmem>>)
      tpu.yield
    }) : () -> ()
    %scan3A = arith.constant 0 : i32
    %scan3A_3 = arith.constant 0 : i32
    %scan3A_4 = arith.constant 8 : i32
    %scan3A_5 = arith.addi %scan3A_3, %scan3A_4 : i32
    %scan3A_6 = arith.constant 1 : i32
    %scan3A_7 = scf.for %scan3A_107 = %scan3A_3 to %scan3A_5 step %scan3A_6 iter_args(%scan3A_108 = %scan3A) -> (i32)  : i32 {
      %mul3A_109 = arith.constant 80 : i32
      %mul3A_110 = arith.muli %scan3A_107, %mul3A_109 : i32
      %add3A_111 = arith.addi %mul3A_2, %mul3A_110 : i32
      "tpu.region"() ({
        %run_scoped3A = tpu.sem_alloc : memref<!tpu.dma_semaphore, #tpu.memory_space<semaphore_mem>>
        %dma_start3A_113 = arith.constant 0 : i32
        %dma_start3A_114 = tpu.memref_slice %arg24[%add3A_111, %dma_start3A_113] : memref<10240x128xf32, #tpu.memory_space<vmem_shared>> -> memref<80x128xf32, #tpu.memory_space<vmem_shared>>
        %dma_start3A_115 = arith.constant 0 : i32
        %dma_start3A_116 = tpu.memref_slice %arg24[%add3A_111, %dma_start3A_115] : memref<10240x128xf32, #tpu.memory_space<vmem_shared>> -> memref<80x128xf32, #tpu.memory_space<vmem_shared>>
        tpu.enqueue_dma source(%arg20 : memref<80x128xf32, #tpu.memory_space<vmem>>) target(%dma_start3A_116 : memref<80x128xf32, #tpu.memory_space<vmem_shared>>) target_semaphore(%run_scoped3A : memref<!tpu.dma_semaphore, #tpu.memory_space<semaphore_mem>>)
        %dma_wait3A_117 = arith.constant 0 : i32
        %dma_wait3A_118 = tpu.memref_slice %arg24[%add3A_111, %dma_wait3A_117] : memref<10240x128xf32, #tpu.memory_space<vmem_shared>> -> memref<80x128xf32, #tpu.memory_space<vmem_shared>>
        %dma_wait3A_119 = arith.constant 0 : i32
        %dma_wait3A_120 = tpu.memref_slice %arg24[%add3A_111, %dma_wait3A_119] : memref<10240x128xf32, #tpu.memory_space<vmem_shared>> -> memref<80x128xf32, #tpu.memory_space<vmem_shared>>
        tpu.wait_dma2 semaphore(%run_scoped3A : memref<!tpu.dma_semaphore, #tpu.memory_space<semaphore_mem>>) src(%arg20 : memref<80x128xf32, #tpu.memory_space<vmem>>) dst(%dma_wait3A_120 : memref<80x128xf32, #tpu.memory_space<vmem_shared>>)
        tpu.yield
      }) : () -> ()
      %scan3A_112 = arith.constant 0 : i32
      scf.yield %scan3A_112 : i32
    }
    %scan3A_8 = arith.constant 8 : i32
    %barrier3A = arith.constant 0 : index
    tpu.barrier barrier_id(%barrier3A)
    %mul3A_9 = arith.constant 126 : i32
    %mul3A_10 = arith.muli %add3A, %mul3A_9 : i32
    %mul3A_11 = arith.constant 80 : i32
    %mul3A_12 = arith.muli %mul3A_10, %mul3A_11 : i32
    %broadcast_in_dim3A = arith.constant 1.000000e+00 : f32
    %broadcast_in_dim3A_13 = vector.broadcast %broadcast_in_dim3A : f32 to vector<16xf32>
    %broadcast_in_dim3A_14 = arith.constant 0 : i32
    %broadcast_in_dim3A_15 = vector.broadcast %broadcast_in_dim3A_14 : i32 to vector<16xi32>
    %add3A_16 = arith.constant 0 : i32
    %add3A_17 = arith.addi %mul3A_12, %add3A_16 : i32
    %dma_start3A = tpu.memref_slice %arg3[%add3A_17] : memref<337920xi32, #tpu.memory_space<hbm>> -> memref<80xi32, #tpu.memory_space<hbm>>
    %dma_start3A_18 = tpu.memref_slice %arg3[%add3A_17] : memref<337920xi32, #tpu.memory_space<hbm>> -> memref<80xi32, #tpu.memory_space<hbm>>
    tpu.enqueue_dma source(%dma_start3A_18 : memref<80xi32, #tpu.memory_space<hbm>>) target(%arg8 : memref<80xi32, #tpu.memory_space<vmem>>) target_semaphore(%arg25 : memref<!tpu.dma_semaphore, #tpu.memory_space<semaphore_mem>>)
    %dma_start3A_19 = tpu.memref_slice %arg4[%add3A_17] : memref<337920xi32, #tpu.memory_space<hbm>> -> memref<80xi32, #tpu.memory_space<hbm>>
    %dma_start3A_20 = tpu.memref_slice %arg4[%add3A_17] : memref<337920xi32, #tpu.memory_space<hbm>> -> memref<80xi32, #tpu.memory_space<hbm>>
    tpu.enqueue_dma source(%dma_start3A_20 : memref<80xi32, #tpu.memory_space<hbm>>) target(%arg11 : memref<80xi32, #tpu.memory_space<vmem>>) target_semaphore(%arg25 : memref<!tpu.dma_semaphore, #tpu.memory_space<semaphore_mem>>)
    %add3A_21 = arith.constant 80 : i32
    %add3A_22 = arith.addi %mul3A_12, %add3A_21 : i32
    %dma_start3A_23 = tpu.memref_slice %arg3[%add3A_22] : memref<337920xi32, #tpu.memory_space<hbm>> -> memref<80xi32, #tpu.memory_space<hbm>>
    %dma_start3A_24 = tpu.memref_slice %arg3[%add3A_22] : memref<337920xi32, #tpu.memory_space<hbm>> -> memref<80xi32, #tpu.memory_space<hbm>>
    tpu.enqueue_dma source(%dma_start3A_24 : memref<80xi32, #tpu.memory_space<hbm>>) target(%arg9 : memref<80xi32, #tpu.memory_space<vmem>>) target_semaphore(%arg25 : memref<!tpu.dma_semaphore, #tpu.memory_space<semaphore_mem>>)
    %dma_start3A_25 = tpu.memref_slice %arg4[%add3A_22] : memref<337920xi32, #tpu.memory_space<hbm>> -> memref<80xi32, #tpu.memory_space<hbm>>
    %dma_start3A_26 = tpu.memref_slice %arg4[%add3A_22] : memref<337920xi32, #tpu.memory_space<hbm>> -> memref<80xi32, #tpu.memory_space<hbm>>
    tpu.enqueue_dma source(%dma_start3A_26 : memref<80xi32, #tpu.memory_space<hbm>>) target(%arg12 : memref<80xi32, #tpu.memory_space<vmem>>) target_semaphore(%arg25 : memref<!tpu.dma_semaphore, #tpu.memory_space<semaphore_mem>>)
    %add3A_27 = arith.constant 160 : i32
    %add3A_28 = arith.addi %mul3A_12, %add3A_27 : i32
    %dma_start3A_29 = tpu.memref_slice %arg3[%add3A_28] : memref<337920xi32, #tpu.memory_space<hbm>> -> memref<80xi32, #tpu.memory_space<hbm>>
    %dma_start3A_30 = tpu.memref_slice %arg3[%add3A_28] : memref<337920xi32, #tpu.memory_space<hbm>> -> memref<80xi32, #tpu.memory_space<hbm>>
    tpu.enqueue_dma source(%dma_start3A_30 : memref<80xi32, #tpu.memory_space<hbm>>) target(%arg10 : memref<80xi32, #tpu.memory_space<vmem>>) target_semaphore(%arg25 : memref<!tpu.dma_semaphore, #tpu.memory_space<semaphore_mem>>)
    %dma_start3A_31 = tpu.memref_slice %arg4[%add3A_28] : memref<337920xi32, #tpu.memory_space<hbm>> -> memref<80xi32, #tpu.memory_space<hbm>>
    %dma_start3A_32 = tpu.memref_slice %arg4[%add3A_28] : memref<337920xi32, #tpu.memory_space<hbm>> -> memref<80xi32, #tpu.memory_space<hbm>>
    tpu.enqueue_dma source(%dma_start3A_32 : memref<80xi32, #tpu.memory_space<hbm>>) target(%arg13 : memref<80xi32, #tpu.memory_space<vmem>>) target_semaphore(%arg25 : memref<!tpu.dma_semaphore, #tpu.memory_space<semaphore_mem>>)
    %add3A_33 = arith.constant 240 : i32
    %add3A_34 = arith.addi %mul3A_12, %add3A_33 : i32
    %dma_start3A_35 = tpu.memref_slice %arg3[%add3A_34] : memref<337920xi32, #tpu.memory_space<hbm>> -> memref<80xi32, #tpu.memory_space<hbm>>
    %dma_start3A_36 = tpu.memref_slice %arg3[%add3A_34] : memref<337920xi32, #tpu.memory_space<hbm>> -> memref<80xi32, #tpu.memory_space<hbm>>
    tpu.enqueue_dma source(%dma_start3A_36 : memref<80xi32, #tpu.memory_space<hbm>>) target(%arg14 : memref<80xi32, #tpu.memory_space<vmem>>) target_semaphore(%arg26 : memref<!tpu.dma_semaphore, #tpu.memory_space<semaphore_mem>>)
    %dma_start3A_37 = tpu.memref_slice %arg4[%add3A_34] : memref<337920xi32, #tpu.memory_space<hbm>> -> memref<80xi32, #tpu.memory_space<hbm>>
    %dma_start3A_38 = tpu.memref_slice %arg4[%add3A_34] : memref<337920xi32, #tpu.memory_space<hbm>> -> memref<80xi32, #tpu.memory_space<hbm>>
    tpu.enqueue_dma source(%dma_start3A_38 : memref<80xi32, #tpu.memory_space<hbm>>) target(%arg17 : memref<80xi32, #tpu.memory_space<vmem>>) target_semaphore(%arg26 : memref<!tpu.dma_semaphore, #tpu.memory_space<semaphore_mem>>)
    %add3A_39 = arith.constant 320 : i32
    %add3A_40 = arith.addi %mul3A_12, %add3A_39 : i32
    %dma_start3A_41 = tpu.memref_slice %arg3[%add3A_40] : memref<337920xi32, #tpu.memory_space<hbm>> -> memref<80xi32, #tpu.memory_space<hbm>>
    %dma_start3A_42 = tpu.memref_slice %arg3[%add3A_40] : memref<337920xi32, #tpu.memory_space<hbm>> -> memref<80xi32, #tpu.memory_space<hbm>>
    tpu.enqueue_dma source(%dma_start3A_42 : memref<80xi32, #tpu.memory_space<hbm>>) target(%arg15 : memref<80xi32, #tpu.memory_space<vmem>>) target_semaphore(%arg26 : memref<!tpu.dma_semaphore, #tpu.memory_space<semaphore_mem>>)
    %dma_start3A_43 = tpu.memref_slice %arg4[%add3A_40] : memref<337920xi32, #tpu.memory_space<hbm>> -> memref<80xi32, #tpu.memory_space<hbm>>
    %dma_start3A_44 = tpu.memref_slice %arg4[%add3A_40] : memref<337920xi32, #tpu.memory_space<hbm>> -> memref<80xi32, #tpu.memory_space<hbm>>
    tpu.enqueue_dma source(%dma_start3A_44 : memref<80xi32, #tpu.memory_space<hbm>>) target(%arg18 : memref<80xi32, #tpu.memory_space<vmem>>) target_semaphore(%arg26 : memref<!tpu.dma_semaphore, #tpu.memory_space<semaphore_mem>>)
    %add3A_45 = arith.constant 400 : i32
    %add3A_46 = arith.addi %mul3A_12, %add3A_45 : i32
    %dma_start3A_47 = tpu.memref_slice %arg3[%add3A_46] : memref<337920xi32, #tpu.memory_space<hbm>> -> memref<80xi32, #tpu.memory_space<hbm>>
    %dma_start3A_48 = tpu.memref_slice %arg3[%add3A_46] : memref<337920xi32, #tpu.memory_space<hbm>> -> memref<80xi32, #tpu.memory_space<hbm>>
    tpu.enqueue_dma source(%dma_start3A_48 : memref<80xi32, #tpu.memory_space<hbm>>) target(%arg16 : memref<80xi32, #tpu.memory_space<vmem>>) target_semaphore(%arg26 : memref<!tpu.dma_semaphore, #tpu.memory_space<semaphore_mem>>)
    %dma_start3A_49 = tpu.memref_slice %arg4[%add3A_46] : memref<337920xi32, #tpu.memory_space<hbm>> -> memref<80xi32, #tpu.memory_space<hbm>>
    %dma_start3A_50 = tpu.memref_slice %arg4[%add3A_46] : memref<337920xi32, #tpu.memory_space<hbm>> -> memref<80xi32, #tpu.memory_space<hbm>>
    tpu.enqueue_dma source(%dma_start3A_50 : memref<80xi32, #tpu.memory_space<hbm>>) target(%arg19 : memref<80xi32, #tpu.memory_space<vmem>>) target_semaphore(%arg26 : memref<!tpu.dma_semaphore, #tpu.memory_space<semaphore_mem>>)
    %dma_wait3A = tpu.memref_slice %arg3[%mul3A_12] : memref<337920xi32, #tpu.memory_space<hbm>> -> memref<80xi32, #tpu.memory_space<hbm>>
    %dma_wait3A_51 = tpu.memref_slice %arg3[%mul3A_12] : memref<337920xi32, #tpu.memory_space<hbm>> -> memref<80xi32, #tpu.memory_space<hbm>>
    tpu.wait_dma2 semaphore(%arg25 : memref<!tpu.dma_semaphore, #tpu.memory_space<semaphore_mem>>) src(%dma_wait3A_51 : memref<80xi32, #tpu.memory_space<hbm>>) dst(%arg8 : memref<80xi32, #tpu.memory_space<vmem>>)
    %dma_wait3A_52 = tpu.memref_slice %arg4[%mul3A_12] : memref<337920xi32, #tpu.memory_space<hbm>> -> memref<80xi32, #tpu.memory_space<hbm>>
    %dma_wait3A_53 = tpu.memref_slice %arg4[%mul3A_12] : memref<337920xi32, #tpu.memory_space<hbm>> -> memref<80xi32, #tpu.memory_space<hbm>>
    tpu.wait_dma2 semaphore(%arg25 : memref<!tpu.dma_semaphore, #tpu.memory_space<semaphore_mem>>) src(%dma_wait3A_53 : memref<80xi32, #tpu.memory_space<hbm>>) dst(%arg11 : memref<80xi32, #tpu.memory_space<vmem>>)
    %dma_start3A_54 = arith.constant 0 : i32
    %dma_start3A_55 = arith.constant 0 : i32
    %dma_start3A_56 = tpu.memref_slice %arg2[%dma_start3A_54, %dma_start3A_55] : memref<10240x128xf32, #tpu.memory_space<hbm>> -> memref<10240x128xf32, #tpu.memory_space<hbm>>
    tpu.enqueue_indirect_dma source(%dma_start3A_56 : memref<10240x128xf32, #tpu.memory_space<hbm>>) target(%arg20 : memref<80x128xf32, #tpu.memory_space<vmem>>) offsets(%arg8 : memref<80xi32, #tpu.memory_space<vmem>>) semaphore(%arg27 : memref<!tpu.dma_semaphore, #tpu.memory_space<semaphore_mem>>)
    %dma_wait3A_57 = tpu.memref_slice %arg3[%mul3A_12] : memref<337920xi32, #tpu.memory_space<hbm>> -> memref<80xi32, #tpu.memory_space<hbm>>
    %dma_wait3A_58 = tpu.memref_slice %arg3[%mul3A_12] : memref<337920xi32, #tpu.memory_space<hbm>> -> memref<80xi32, #tpu.memory_space<hbm>>
    tpu.wait_dma2 semaphore(%arg25 : memref<!tpu.dma_semaphore, #tpu.memory_space<semaphore_mem>>) src(%dma_wait3A_58 : memref<80xi32, #tpu.memory_space<hbm>>) dst(%arg9 : memref<80xi32, #tpu.memory_space<vmem>>)
    %dma_wait3A_59 = tpu.memref_slice %arg4[%mul3A_12] : memref<337920xi32, #tpu.memory_space<hbm>> -> memref<80xi32, #tpu.memory_space<hbm>>
    %dma_wait3A_60 = tpu.memref_slice %arg4[%mul3A_12] : memref<337920xi32, #tpu.memory_space<hbm>> -> memref<80xi32, #tpu.memory_space<hbm>>
    tpu.wait_dma2 semaphore(%arg25 : memref<!tpu.dma_semaphore, #tpu.memory_space<semaphore_mem>>) src(%dma_wait3A_60 : memref<80xi32, #tpu.memory_space<hbm>>) dst(%arg12 : memref<80xi32, #tpu.memory_space<vmem>>)
    %dma_start3A_61 = arith.constant 0 : i32
    %dma_start3A_62 = arith.constant 0 : i32
    %dma_start3A_63 = tpu.memref_slice %arg2[%dma_start3A_61, %dma_start3A_62] : memref<10240x128xf32, #tpu.memory_space<hbm>> -> memref<10240x128xf32, #tpu.memory_space<hbm>>
    tpu.enqueue_indirect_dma source(%dma_start3A_63 : memref<10240x128xf32, #tpu.memory_space<hbm>>) target(%arg21 : memref<80x128xf32, #tpu.memory_space<vmem>>) offsets(%arg9 : memref<80xi32, #tpu.memory_space<vmem>>) semaphore(%arg28 : memref<!tpu.dma_semaphore, #tpu.memory_space<semaphore_mem>>)
    %dma_wait3A_64 = tpu.memref_slice %arg3[%mul3A_12] : memref<337920xi32, #tpu.memory_space<hbm>> -> memref<80xi32, #tpu.memory_space<hbm>>
    %dma_wait3A_65 = tpu.memref_slice %arg3[%mul3A_12] : memref<337920xi32, #tpu.memory_space<hbm>> -> memref<80xi32, #tpu.memory_space<hbm>>
    tpu.wait_dma2 semaphore(%arg25 : memref<!tpu.dma_semaphore, #tpu.memory_space<semaphore_mem>>) src(%dma_wait3A_65 : memref<80xi32, #tpu.memory_space<hbm>>) dst(%arg10 : memref<80xi32, #tpu.memory_space<vmem>>)
    %dma_wait3A_66 = tpu.memref_slice %arg4[%mul3A_12] : memref<337920xi32, #tpu.memory_space<hbm>> -> memref<80xi32, #tpu.memory_space<hbm>>
    %dma_wait3A_67 = tpu.memref_slice %arg4[%mul3A_12] : memref<337920xi32, #tpu.memory_space<hbm>> -> memref<80xi32, #tpu.memory_space<hbm>>
    tpu.wait_dma2 semaphore(%arg25 : memref<!tpu.dma_semaphore, #tpu.memory_space<semaphore_mem>>) src(%dma_wait3A_67 : memref<80xi32, #tpu.memory_space<hbm>>) dst(%arg13 : memref<80xi32, #tpu.memory_space<vmem>>)
    %dma_start3A_68 = arith.constant 0 : i32
    %dma_start3A_69 = arith.constant 0 : i32
    %dma_start3A_70 = tpu.memref_slice %arg2[%dma_start3A_68, %dma_start3A_69] : memref<10240x128xf32, #tpu.memory_space<hbm>> -> memref<10240x128xf32, #tpu.memory_space<hbm>>
    tpu.enqueue_indirect_dma source(%dma_start3A_70 : memref<10240x128xf32, #tpu.memory_space<hbm>>) target(%arg22 : memref<80x128xf32, #tpu.memory_space<vmem>>) offsets(%arg10 : memref<80xi32, #tpu.memory_space<vmem>>) semaphore(%arg29 : memref<!tpu.dma_semaphore, #tpu.memory_space<semaphore_mem>>)
    %scan3A_71 = arith.constant 0 : i32
    %scan3A_72 = arith.constant 0 : i32
    %scan3A_73 = arith.constant 21 : i32
    %scan3A_74 = arith.addi %scan3A_72, %scan3A_73 : i32
    %scan3A_75 = arith.constant 1 : i32
    %scan3A_76 = scf.for %scan3A_107 = %scan3A_72 to %scan3A_74 step %scan3A_75 iter_args(%scan3A_108 = %scan3A_71) -> (i32)  : i32 {
      %mul3A_109 = arith.constant 2 : i32
      %mul3A_110 = arith.muli %mul3A_109, %scan3A_107 : i32
      %dma_wait3A_111 = arith.constant 0 : i32
      %dma_wait3A_112 = arith.constant 0 : i32
      %dma_wait3A_113 = tpu.memref_slice %arg2[%dma_wait3A_111, %dma_wait3A_112] : memref<10240x128xf32, #tpu.memory_space<hbm>> -> memref<10240x128xf32, #tpu.memory_space<hbm>>
      tpu.wait_indirect_dma semaphore(%arg27 : memref<!tpu.dma_semaphore, #tpu.memory_space<semaphore_mem>>) src(%dma_wait3A_113 : memref<10240x128xf32, #tpu.memory_space<hbm>>) dst(%arg20 : memref<80x128xf32, #tpu.memory_space<vmem>>)
      %dma_start3A_114 = arith.constant 0 : i32
      %dma_start3A_115 = arith.constant 0 : i32
      %dma_start3A_116 = tpu.memref_slice %arg24[%dma_start3A_114, %dma_start3A_115] : memref<10240x128xf32, #tpu.memory_space<vmem_shared>> -> memref<10240x128xf32, #tpu.memory_space<vmem_shared>>
      tpu.enqueue_indirect_dma source(%arg20 : memref<80x128xf32, #tpu.memory_space<vmem>>) target(%dma_start3A_116 : memref<10240x128xf32, #tpu.memory_space<vmem_shared>>) offsets(%arg11 : memref<80xi32, #tpu.memory_space<vmem>>) semaphore(%arg30 : memref<!tpu.dma_semaphore, #tpu.memory_space<semaphore_mem>>) {add = true}
      %dma_wait3A_117 = arith.constant 0 : i32
      %dma_wait3A_118 = arith.constant 0 : i32
      %dma_wait3A_119 = tpu.memref_slice %arg2[%dma_wait3A_117, %dma_wait3A_118] : memref<10240x128xf32, #tpu.memory_space<hbm>> -> memref<10240x128xf32, #tpu.memory_space<hbm>>
      tpu.wait_indirect_dma semaphore(%arg28 : memref<!tpu.dma_semaphore, #tpu.memory_space<semaphore_mem>>) src(%dma_wait3A_119 : memref<10240x128xf32, #tpu.memory_space<hbm>>) dst(%arg21 : memref<80x128xf32, #tpu.memory_space<vmem>>)
      %dma_start3A_120 = arith.constant 0 : i32
      %dma_start3A_121 = arith.constant 0 : i32
      %dma_start3A_122 = tpu.memref_slice %arg24[%dma_start3A_120, %dma_start3A_121] : memref<10240x128xf32, #tpu.memory_space<vmem_shared>> -> memref<10240x128xf32, #tpu.memory_space<vmem_shared>>
      tpu.enqueue_indirect_dma source(%arg21 : memref<80x128xf32, #tpu.memory_space<vmem>>) target(%dma_start3A_122 : memref<10240x128xf32, #tpu.memory_space<vmem_shared>>) offsets(%arg12 : memref<80xi32, #tpu.memory_space<vmem>>) semaphore(%arg31 : memref<!tpu.dma_semaphore, #tpu.memory_space<semaphore_mem>>) {add = true}
      %dma_wait3A_123 = arith.constant 0 : i32
      %dma_wait3A_124 = arith.constant 0 : i32
      %dma_wait3A_125 = tpu.memref_slice %arg2[%dma_wait3A_123, %dma_wait3A_124] : memref<10240x128xf32, #tpu.memory_space<hbm>> -> memref<10240x128xf32, #tpu.memory_space<hbm>>
      tpu.wait_indirect_dma semaphore(%arg29 : memref<!tpu.dma_semaphore, #tpu.memory_space<semaphore_mem>>) src(%dma_wait3A_125 : memref<10240x128xf32, #tpu.memory_space<hbm>>) dst(%arg22 : memref<80x128xf32, #tpu.memory_space<vmem>>)
      %dma_start3A_126 = arith.constant 0 : i32
      %dma_start3A_127 = arith.constant 0 : i32
      %dma_start3A_128 = tpu.memref_slice %arg24[%dma_start3A_126, %dma_start3A_127] : memref<10240x128xf32, #tpu.memory_space<vmem_shared>> -> memref<10240x128xf32, #tpu.memory_space<vmem_shared>>
      tpu.enqueue_indirect_dma source(%arg22 : memref<80x128xf32, #tpu.memory_space<vmem>>) target(%dma_start3A_128 : memref<10240x128xf32, #tpu.memory_space<vmem_shared>>) offsets(%arg13 : memref<80xi32, #tpu.memory_space<vmem>>) semaphore(%arg32 : memref<!tpu.dma_semaphore, #tpu.memory_space<semaphore_mem>>) {add = true}
      %dma_wait3A_129 = arith.constant 0 : i32
      %dma_wait3A_130 = arith.constant 0 : i32
      %dma_wait3A_131 = tpu.memref_slice %arg24[%dma_wait3A_129, %dma_wait3A_130] : memref<10240x128xf32, #tpu.memory_space<vmem_shared>> -> memref<10240x128xf32, #tpu.memory_space<vmem_shared>>
      tpu.wait_indirect_dma semaphore(%arg30 : memref<!tpu.dma_semaphore, #tpu.memory_space<semaphore_mem>>) src(%arg20 : memref<80x128xf32, #tpu.memory_space<vmem>>) dst(%dma_wait3A_131 : memref<10240x128xf32, #tpu.memory_space<vmem_shared>>)
      %dma_wait3A_132 = tpu.memref_slice %arg3[%mul3A_12] : memref<337920xi32, #tpu.memory_space<hbm>> -> memref<80xi32, #tpu.memory_space<hbm>>
      %dma_wait3A_133 = tpu.memref_slice %arg3[%mul3A_12] : memref<337920xi32, #tpu.memory_space<hbm>> -> memref<80xi32, #tpu.memory_space<hbm>>
      tpu.wait_dma2 semaphore(%arg26 : memref<!tpu.dma_semaphore, #tpu.memory_space<semaphore_mem>>) src(%dma_wait3A_133 : memref<80xi32, #tpu.memory_space<hbm>>) dst(%arg14 : memref<80xi32, #tpu.memory_space<vmem>>)
      %dma_wait3A_134 = tpu.memref_slice %arg4[%mul3A_12] : memref<337920xi32, #tpu.memory_space<hbm>> -> memref<80xi32, #tpu.memory_space<hbm>>
      %dma_wait3A_135 = tpu.memref_slice %arg4[%mul3A_12] : memref<337920xi32, #tpu.memory_space<hbm>> -> memref<80xi32, #tpu.memory_space<hbm>>
      tpu.wait_dma2 semaphore(%arg26 : memref<!tpu.dma_semaphore, #tpu.memory_space<semaphore_mem>>) src(%dma_wait3A_135 : memref<80xi32, #tpu.memory_space<hbm>>) dst(%arg17 : memref<80xi32, #tpu.memory_space<vmem>>)
      %dma_start3A_136 = arith.constant 0 : i32
      %dma_start3A_137 = arith.constant 0 : i32
      %dma_start3A_138 = tpu.memref_slice %arg2[%dma_start3A_136, %dma_start3A_137] : memref<10240x128xf32, #tpu.memory_space<hbm>> -> memref<10240x128xf32, #tpu.memory_space<hbm>>
      tpu.enqueue_indirect_dma source(%dma_start3A_138 : memref<10240x128xf32, #tpu.memory_space<hbm>>) target(%arg20 : memref<80x128xf32, #tpu.memory_space<vmem>>) offsets(%arg14 : memref<80xi32, #tpu.memory_space<vmem>>) semaphore(%arg27 : memref<!tpu.dma_semaphore, #tpu.memory_space<semaphore_mem>>)
      %dma_wait3A_139 = arith.constant 0 : i32
      %dma_wait3A_140 = arith.constant 0 : i32
      %dma_wait3A_141 = tpu.memref_slice %arg24[%dma_wait3A_139, %dma_wait3A_140] : memref<10240x128xf32, #tpu.memory_space<vmem_shared>> -> memref<10240x128xf32, #tpu.memory_space<vmem_shared>>
      tpu.wait_indirect_dma semaphore(%arg31 : memref<!tpu.dma_semaphore, #tpu.memory_space<semaphore_mem>>) src(%arg21 : memref<80x128xf32, #tpu.memory_space<vmem>>) dst(%dma_wait3A_141 : memref<10240x128xf32, #tpu.memory_space<vmem_shared>>)
      %dma_wait3A_142 = tpu.memref_slice %arg3[%mul3A_12] : memref<337920xi32, #tpu.memory_space<hbm>> -> memref<80xi32, #tpu.memory_space<hbm>>
      %dma_wait3A_143 = tpu.memref_slice %arg3[%mul3A_12] : memref<337920xi32, #tpu.memory_space<hbm>> -> memref<80xi32, #tpu.memory_space<hbm>>
      tpu.wait_dma2 semaphore(%arg26 : memref<!tpu.dma_semaphore, #tpu.memory_space<semaphore_mem>>) src(%dma_wait3A_143 : memref<80xi32, #tpu.memory_space<hbm>>) dst(%arg15 : memref<80xi32, #tpu.memory_space<vmem>>)
      %dma_wait3A_144 = tpu.memref_slice %arg4[%mul3A_12] : memref<337920xi32, #tpu.memory_space<hbm>> -> memref<80xi32, #tpu.memory_space<hbm>>
      %dma_wait3A_145 = tpu.memref_slice %arg4[%mul3A_12] : memref<337920xi32, #tpu.memory_space<hbm>> -> memref<80xi32, #tpu.memory_space<hbm>>
      tpu.wait_dma2 semaphore(%arg26 : memref<!tpu.dma_semaphore, #tpu.memory_space<semaphore_mem>>) src(%dma_wait3A_145 : memref<80xi32, #tpu.memory_space<hbm>>) dst(%arg18 : memref<80xi32, #tpu.memory_space<vmem>>)
      %dma_start3A_146 = arith.constant 0 : i32
      %dma_start3A_147 = arith.constant 0 : i32
      %dma_start3A_148 = tpu.memref_slice %arg2[%dma_start3A_146, %dma_start3A_147] : memref<10240x128xf32, #tpu.memory_space<hbm>> -> memref<10240x128xf32, #tpu.memory_space<hbm>>
      tpu.enqueue_indirect_dma source(%dma_start3A_148 : memref<10240x128xf32, #tpu.memory_space<hbm>>) target(%arg21 : memref<80x128xf32, #tpu.memory_space<vmem>>) offsets(%arg15 : memref<80xi32, #tpu.memory_space<vmem>>) semaphore(%arg28 : memref<!tpu.dma_semaphore, #tpu.memory_space<semaphore_mem>>)
      %dma_wait3A_149 = arith.constant 0 : i32
      %dma_wait3A_150 = arith.constant 0 : i32
      %dma_wait3A_151 = tpu.memref_slice %arg24[%dma_wait3A_149, %dma_wait3A_150] : memref<10240x128xf32, #tpu.memory_space<vmem_shared>> -> memref<10240x128xf32, #tpu.memory_space<vmem_shared>>
      tpu.wait_indirect_dma semaphore(%arg32 : memref<!tpu.dma_semaphore, #tpu.memory_space<semaphore_mem>>) src(%arg22 : memref<80x128xf32, #tpu.memory_space<vmem>>) dst(%dma_wait3A_151 : memref<10240x128xf32, #tpu.memory_space<vmem_shared>>)
      %dma_wait3A_152 = tpu.memref_slice %arg3[%mul3A_12] : memref<337920xi32, #tpu.memory_space<hbm>> -> memref<80xi32, #tpu.memory_space<hbm>>
      %dma_wait3A_153 = tpu.memref_slice %arg3[%mul3A_12] : memref<337920xi32, #tpu.memory_space<hbm>> -> memref<80xi32, #tpu.memory_space<hbm>>
      tpu.wait_dma2 semaphore(%arg26 : memref<!tpu.dma_semaphore, #tpu.memory_space<semaphore_mem>>) src(%dma_wait3A_153 : memref<80xi32, #tpu.memory_space<hbm>>) dst(%arg16 : memref<80xi32, #tpu.memory_space<vmem>>)
      %dma_wait3A_154 = tpu.memref_slice %arg4[%mul3A_12] : memref<337920xi32, #tpu.memory_space<hbm>> -> memref<80xi32, #tpu.memory_space<hbm>>
      %dma_wait3A_155 = tpu.memref_slice %arg4[%mul3A_12] : memref<337920xi32, #tpu.memory_space<hbm>> -> memref<80xi32, #tpu.memory_space<hbm>>
      tpu.wait_dma2 semaphore(%arg26 : memref<!tpu.dma_semaphore, #tpu.memory_space<semaphore_mem>>) src(%dma_wait3A_155 : memref<80xi32, #tpu.memory_space<hbm>>) dst(%arg19 : memref<80xi32, #tpu.memory_space<vmem>>)
      %dma_start3A_156 = arith.constant 0 : i32
      %dma_start3A_157 = arith.constant 0 : i32
      %dma_start3A_158 = tpu.memref_slice %arg2[%dma_start3A_156, %dma_start3A_157] : memref<10240x128xf32, #tpu.memory_space<hbm>> -> memref<10240x128xf32, #tpu.memory_space<hbm>>
      tpu.enqueue_indirect_dma source(%dma_start3A_158 : memref<10240x128xf32, #tpu.memory_space<hbm>>) target(%arg22 : memref<80x128xf32, #tpu.memory_space<vmem>>) offsets(%arg16 : memref<80xi32, #tpu.memory_space<vmem>>) semaphore(%arg29 : memref<!tpu.dma_semaphore, #tpu.memory_space<semaphore_mem>>)
      %add3A_159 = arith.constant 2 : i32
      %add3A_160 = arith.addi %mul3A_110, %add3A_159 : i32
      %mul3A_161 = arith.constant 3 : i32
      %mul3A_162 = arith.muli %add3A_160, %mul3A_161 : i32
      %add3A_163 = arith.constant 0 : i32
      %add3A_164 = arith.addi %mul3A_162, %add3A_163 : i32
      %mul3A_165 = arith.constant 80 : i32
      %mul3A_166 = arith.muli %add3A_164, %mul3A_165 : i32
      %add3A_167 = arith.addi %mul3A_12, %mul3A_166 : i32
      %dma_start3A_168 = tpu.memref_slice %arg3[%add3A_167] : memref<337920xi32, #tpu.memory_space<hbm>> -> memref<80xi32, #tpu.memory_space<hbm>>
      %dma_start3A_169 = tpu.memref_slice %arg3[%add3A_167] : memref<337920xi32, #tpu.memory_space<hbm>> -> memref<80xi32, #tpu.memory_space<hbm>>
      tpu.enqueue_dma source(%dma_start3A_169 : memref<80xi32, #tpu.memory_space<hbm>>) target(%arg8 : memref<80xi32, #tpu.memory_space<vmem>>) target_semaphore(%arg25 : memref<!tpu.dma_semaphore, #tpu.memory_space<semaphore_mem>>)
      %dma_start3A_170 = tpu.memref_slice %arg4[%add3A_167] : memref<337920xi32, #tpu.memory_space<hbm>> -> memref<80xi32, #tpu.memory_space<hbm>>
      %dma_start3A_171 = tpu.memref_slice %arg4[%add3A_167] : memref<337920xi32, #tpu.memory_space<hbm>> -> memref<80xi32, #tpu.memory_space<hbm>>
      tpu.enqueue_dma source(%dma_start3A_171 : memref<80xi32, #tpu.memory_space<hbm>>) target(%arg11 : memref<80xi32, #tpu.memory_space<vmem>>) target_semaphore(%arg25 : memref<!tpu.dma_semaphore, #tpu.memory_space<semaphore_mem>>)
      %mul3A_172 = arith.constant 3 : i32
      %mul3A_173 = arith.muli %add3A_160, %mul3A_172 : i32
      %add3A_174 = arith.constant 1 : i32
      %add3A_175 = arith.addi %mul3A_173, %add3A_174 : i32
      %mul3A_176 = arith.constant 80 : i32
      %mul3A_177 = arith.muli %add3A_175, %mul3A_176 : i32
      %add3A_178 = arith.addi %mul3A_12, %mul3A_177 : i32
      %dma_start3A_179 = tpu.memref_slice %arg3[%add3A_178] : memref<337920xi32, #tpu.memory_space<hbm>> -> memref<80xi32, #tpu.memory_space<hbm>>
      %dma_start3A_180 = tpu.memref_slice %arg3[%add3A_178] : memref<337920xi32, #tpu.memory_space<hbm>> -> memref<80xi32, #tpu.memory_space<hbm>>
      tpu.enqueue_dma source(%dma_start3A_180 : memref<80xi32, #tpu.memory_space<hbm>>) target(%arg9 : memref<80xi32, #tpu.memory_space<vmem>>) target_semaphore(%arg25 : memref<!tpu.dma_semaphore, #tpu.memory_space<semaphore_mem>>)
      %dma_start3A_181 = tpu.memref_slice %arg4[%add3A_178] : memref<337920xi32, #tpu.memory_space<hbm>> -> memref<80xi32, #tpu.memory_space<hbm>>
      %dma_start3A_182 = tpu.memref_slice %arg4[%add3A_178] : memref<337920xi32, #tpu.memory_space<hbm>> -> memref<80xi32, #tpu.memory_space<hbm>>
      tpu.enqueue_dma source(%dma_start3A_182 : memref<80xi32, #tpu.memory_space<hbm>>) target(%arg12 : memref<80xi32, #tpu.memory_space<vmem>>) target_semaphore(%arg25 : memref<!tpu.dma_semaphore, #tpu.memory_space<semaphore_mem>>)
      %mul3A_183 = arith.constant 3 : i32
      %mul3A_184 = arith.muli %add3A_160, %mul3A_183 : i32
      %add3A_185 = arith.constant 2 : i32
      %add3A_186 = arith.addi %mul3A_184, %add3A_185 : i32
      %mul3A_187 = arith.constant 80 : i32
      %mul3A_188 = arith.muli %add3A_186, %mul3A_187 : i32
      %add3A_189 = arith.addi %mul3A_12, %mul3A_188 : i32
      %dma_start3A_190 = tpu.memref_slice %arg3[%add3A_189] : memref<337920xi32, #tpu.memory_space<hbm>> -> memref<80xi32, #tpu.memory_space<hbm>>
      %dma_start3A_191 = tpu.memref_slice %arg3[%add3A_189] : memref<337920xi32, #tpu.memory_space<hbm>> -> memref<80xi32, #tpu.memory_space<hbm>>
      tpu.enqueue_dma source(%dma_start3A_191 : memref<80xi32, #tpu.memory_space<hbm>>) target(%arg10 : memref<80xi32, #tpu.memory_space<vmem>>) target_semaphore(%arg25 : memref<!tpu.dma_semaphore, #tpu.memory_space<semaphore_mem>>)
      %dma_start3A_192 = tpu.memref_slice %arg4[%add3A_189] : memref<337920xi32, #tpu.memory_space<hbm>> -> memref<80xi32, #tpu.memory_space<hbm>>
      %dma_start3A_193 = tpu.memref_slice %arg4[%add3A_189] : memref<337920xi32, #tpu.memory_space<hbm>> -> memref<80xi32, #tpu.memory_space<hbm>>
      tpu.enqueue_dma source(%dma_start3A_193 : memref<80xi32, #tpu.memory_space<hbm>>) target(%arg13 : memref<80xi32, #tpu.memory_space<vmem>>) target_semaphore(%arg25 : memref<!tpu.dma_semaphore, #tpu.memory_space<semaphore_mem>>)
      %mul3A_194 = arith.constant 2 : i32
      %mul3A_195 = arith.muli %mul3A_194, %scan3A_107 : i32
      %add3A_196 = arith.constant 1 : i32
      %add3A_197 = arith.addi %mul3A_195, %add3A_196 : i32
      %dma_wait3A_198 = arith.constant 0 : i32
      %dma_wait3A_199 = arith.constant 0 : i32
      %dma_wait3A_200 = tpu.memref_slice %arg2[%dma_wait3A_198, %dma_wait3A_199] : memref<10240x128xf32, #tpu.memory_space<hbm>> -> memref<10240x128xf32, #tpu.memory_space<hbm>>
      tpu.wait_indirect_dma semaphore(%arg27 : memref<!tpu.dma_semaphore, #tpu.memory_space<semaphore_mem>>) src(%dma_wait3A_200 : memref<10240x128xf32, #tpu.memory_space<hbm>>) dst(%arg20 : memref<80x128xf32, #tpu.memory_space<vmem>>)
      %dma_start3A_201 = arith.constant 0 : i32
      %dma_start3A_202 = arith.constant 0 : i32
      %dma_start3A_203 = tpu.memref_slice %arg24[%dma_start3A_201, %dma_start3A_202] : memref<10240x128xf32, #tpu.memory_space<vmem_shared>> -> memref<10240x128xf32, #tpu.memory_space<vmem_shared>>
      tpu.enqueue_indirect_dma source(%arg20 : memref<80x128xf32, #tpu.memory_space<vmem>>) target(%dma_start3A_203 : memref<10240x128xf32, #tpu.memory_space<vmem_shared>>) offsets(%arg17 : memref<80xi32, #tpu.memory_space<vmem>>) semaphore(%arg30 : memref<!tpu.dma_semaphore, #tpu.memory_space<semaphore_mem>>) {add = true}
      %dma_wait3A_204 = arith.constant 0 : i32
      %dma_wait3A_205 = arith.constant 0 : i32
      %dma_wait3A_206 = tpu.memref_slice %arg2[%dma_wait3A_204, %dma_wait3A_205] : memref<10240x128xf32, #tpu.memory_space<hbm>> -> memref<10240x128xf32, #tpu.memory_space<hbm>>
      tpu.wait_indirect_dma semaphore(%arg28 : memref<!tpu.dma_semaphore, #tpu.memory_space<semaphore_mem>>) src(%dma_wait3A_206 : memref<10240x128xf32, #tpu.memory_space<hbm>>) dst(%arg21 : memref<80x128xf32, #tpu.memory_space<vmem>>)
      %dma_start3A_207 = arith.constant 0 : i32
      %dma_start3A_208 = arith.constant 0 : i32
      %dma_start3A_209 = tpu.memref_slice %arg24[%dma_start3A_207, %dma_start3A_208] : memref<10240x128xf32, #tpu.memory_space<vmem_shared>> -> memref<10240x128xf32, #tpu.memory_space<vmem_shared>>
      tpu.enqueue_indirect_dma source(%arg21 : memref<80x128xf32, #tpu.memory_space<vmem>>) target(%dma_start3A_209 : memref<10240x128xf32, #tpu.memory_space<vmem_shared>>) offsets(%arg18 : memref<80xi32, #tpu.memory_space<vmem>>) semaphore(%arg31 : memref<!tpu.dma_semaphore, #tpu.memory_space<semaphore_mem>>) {add = true}
      %dma_wait3A_210 = arith.constant 0 : i32
      %dma_wait3A_211 = arith.constant 0 : i32
      %dma_wait3A_212 = tpu.memref_slice %arg2[%dma_wait3A_210, %dma_wait3A_211] : memref<10240x128xf32, #tpu.memory_space<hbm>> -> memref<10240x128xf32, #tpu.memory_space<hbm>>
      tpu.wait_indirect_dma semaphore(%arg29 : memref<!tpu.dma_semaphore, #tpu.memory_space<semaphore_mem>>) src(%dma_wait3A_212 : memref<10240x128xf32, #tpu.memory_space<hbm>>) dst(%arg22 : memref<80x128xf32, #tpu.memory_space<vmem>>)
      %dma_start3A_213 = arith.constant 0 : i32
      %dma_start3A_214 = arith.constant 0 : i32
      %dma_start3A_215 = tpu.memref_slice %arg24[%dma_start3A_213, %dma_start3A_214] : memref<10240x128xf32, #tpu.memory_space<vmem_shared>> -> memref<10240x128xf32, #tpu.memory_space<vmem_shared>>
      tpu.enqueue_indirect_dma source(%arg22 : memref<80x128xf32, #tpu.memory_space<vmem>>) target(%dma_start3A_215 : memref<10240x128xf32, #tpu.memory_space<vmem_shared>>) offsets(%arg19 : memref<80xi32, #tpu.memory_space<vmem>>) semaphore(%arg32 : memref<!tpu.dma_semaphore, #tpu.memory_space<semaphore_mem>>) {add = true}
      %dma_wait3A_216 = arith.constant 0 : i32
      %dma_wait3A_217 = arith.constant 0 : i32
      %dma_wait3A_218 = tpu.memref_slice %arg24[%dma_wait3A_216, %dma_wait3A_217] : memref<10240x128xf32, #tpu.memory_space<vmem_shared>> -> memref<10240x128xf32, #tpu.memory_space<vmem_shared>>
      tpu.wait_indirect_dma semaphore(%arg30 : memref<!tpu.dma_semaphore, #tpu.memory_space<semaphore_mem>>) src(%arg20 : memref<80x128xf32, #tpu.memory_space<vmem>>) dst(%dma_wait3A_218 : memref<10240x128xf32, #tpu.memory_space<vmem_shared>>)
      %dma_wait3A_219 = tpu.memref_slice %arg3[%mul3A_12] : memref<337920xi32, #tpu.memory_space<hbm>> -> memref<80xi32, #tpu.memory_space<hbm>>
      %dma_wait3A_220 = tpu.memref_slice %arg3[%mul3A_12] : memref<337920xi32, #tpu.memory_space<hbm>> -> memref<80xi32, #tpu.memory_space<hbm>>
      tpu.wait_dma2 semaphore(%arg25 : memref<!tpu.dma_semaphore, #tpu.memory_space<semaphore_mem>>) src(%dma_wait3A_220 : memref<80xi32, #tpu.memory_space<hbm>>) dst(%arg8 : memref<80xi32, #tpu.memory_space<vmem>>)
      %dma_wait3A_221 = tpu.memref_slice %arg4[%mul3A_12] : memref<337920xi32, #tpu.memory_space<hbm>> -> memref<80xi32, #tpu.memory_space<hbm>>
      %dma_wait3A_222 = tpu.memref_slice %arg4[%mul3A_12] : memref<337920xi32, #tpu.memory_space<hbm>> -> memref<80xi32, #tpu.memory_space<hbm>>
      tpu.wait_dma2 semaphore(%arg25 : memref<!tpu.dma_semaphore, #tpu.memory_space<semaphore_mem>>) src(%dma_wait3A_222 : memref<80xi32, #tpu.memory_space<hbm>>) dst(%arg11 : memref<80xi32, #tpu.memory_space<vmem>>)
      %dma_start3A_223 = arith.constant 0 : i32
      %dma_start3A_224 = arith.constant 0 : i32
      %dma_start3A_225 = tpu.memref_slice %arg2[%dma_start3A_223, %dma_start3A_224] : memref<10240x128xf32, #tpu.memory_space<hbm>> -> memref<10240x128xf32, #tpu.memory_space<hbm>>
      tpu.enqueue_indirect_dma source(%dma_start3A_225 : memref<10240x128xf32, #tpu.memory_space<hbm>>) target(%arg20 : memref<80x128xf32, #tpu.memory_space<vmem>>) offsets(%arg8 : memref<80xi32, #tpu.memory_space<vmem>>) semaphore(%arg27 : memref<!tpu.dma_semaphore, #tpu.memory_space<semaphore_mem>>)
      %dma_wait3A_226 = arith.constant 0 : i32
      %dma_wait3A_227 = arith.constant 0 : i32
      %dma_wait3A_228 = tpu.memref_slice %arg24[%dma_wait3A_226, %dma_wait3A_227] : memref<10240x128xf32, #tpu.memory_space<vmem_shared>> -> memref<10240x128xf32, #tpu.memory_space<vmem_shared>>
      tpu.wait_indirect_dma semaphore(%arg31 : memref<!tpu.dma_semaphore, #tpu.memory_space<semaphore_mem>>) src(%arg21 : memref<80x128xf32, #tpu.memory_space<vmem>>) dst(%dma_wait3A_228 : memref<10240x128xf32, #tpu.memory_space<vmem_shared>>)
      %dma_wait3A_229 = tpu.memref_slice %arg3[%mul3A_12] : memref<337920xi32, #tpu.memory_space<hbm>> -> memref<80xi32, #tpu.memory_space<hbm>>
      %dma_wait3A_230 = tpu.memref_slice %arg3[%mul3A_12] : memref<337920xi32, #tpu.memory_space<hbm>> -> memref<80xi32, #tpu.memory_space<hbm>>
      tpu.wait_dma2 semaphore(%arg25 : memref<!tpu.dma_semaphore, #tpu.memory_space<semaphore_mem>>) src(%dma_wait3A_230 : memref<80xi32, #tpu.memory_space<hbm>>) dst(%arg9 : memref<80xi32, #tpu.memory_space<vmem>>)
      %dma_wait3A_231 = tpu.memref_slice %arg4[%mul3A_12] : memref<337920xi32, #tpu.memory_space<hbm>> -> memref<80xi32, #tpu.memory_space<hbm>>
      %dma_wait3A_232 = tpu.memref_slice %arg4[%mul3A_12] : memref<337920xi32, #tpu.memory_space<hbm>> -> memref<80xi32, #tpu.memory_space<hbm>>
      tpu.wait_dma2 semaphore(%arg25 : memref<!tpu.dma_semaphore, #tpu.memory_space<semaphore_mem>>) src(%dma_wait3A_232 : memref<80xi32, #tpu.memory_space<hbm>>) dst(%arg12 : memref<80xi32, #tpu.memory_space<vmem>>)
      %dma_start3A_233 = arith.constant 0 : i32
      %dma_start3A_234 = arith.constant 0 : i32
      %dma_start3A_235 = tpu.memref_slice %arg2[%dma_start3A_233, %dma_start3A_234] : memref<10240x128xf32, #tpu.memory_space<hbm>> -> memref<10240x128xf32, #tpu.memory_space<hbm>>
      tpu.enqueue_indirect_dma source(%dma_start3A_235 : memref<10240x128xf32, #tpu.memory_space<hbm>>) target(%arg21 : memref<80x128xf32, #tpu.memory_space<vmem>>) offsets(%arg9 : memref<80xi32, #tpu.memory_space<vmem>>) semaphore(%arg28 : memref<!tpu.dma_semaphore, #tpu.memory_space<semaphore_mem>>)
      %dma_wait3A_236 = arith.constant 0 : i32
      %dma_wait3A_237 = arith.constant 0 : i32
      %dma_wait3A_238 = tpu.memref_slice %arg24[%dma_wait3A_236, %dma_wait3A_237] : memref<10240x128xf32, #tpu.memory_space<vmem_shared>> -> memref<10240x128xf32, #tpu.memory_space<vmem_shared>>
      tpu.wait_indirect_dma semaphore(%arg32 : memref<!tpu.dma_semaphore, #tpu.memory_space<semaphore_mem>>) src(%arg22 : memref<80x128xf32, #tpu.memory_space<vmem>>) dst(%dma_wait3A_238 : memref<10240x128xf32, #tpu.memory_space<vmem_shared>>)
      %dma_wait3A_239 = tpu.memref_slice %arg3[%mul3A_12] : memref<337920xi32, #tpu.memory_space<hbm>> -> memref<80xi32, #tpu.memory_space<hbm>>
      %dma_wait3A_240 = tpu.memref_slice %arg3[%mul3A_12] : memref<337920xi32, #tpu.memory_space<hbm>> -> memref<80xi32, #tpu.memory_space<hbm>>
      tpu.wait_dma2 semaphore(%arg25 : memref<!tpu.dma_semaphore, #tpu.memory_space<semaphore_mem>>) src(%dma_wait3A_240 : memref<80xi32, #tpu.memory_space<hbm>>) dst(%arg10 : memref<80xi32, #tpu.memory_space<vmem>>)
      %dma_wait3A_241 = tpu.memref_slice %arg4[%mul3A_12] : memref<337920xi32, #tpu.memory_space<hbm>> -> memref<80xi32, #tpu.memory_space<hbm>>
      %dma_wait3A_242 = tpu.memref_slice %arg4[%mul3A_12] : memref<337920xi32, #tpu.memory_space<hbm>> -> memref<80xi32, #tpu.memory_space<hbm>>
      tpu.wait_dma2 semaphore(%arg25 : memref<!tpu.dma_semaphore, #tpu.memory_space<semaphore_mem>>) src(%dma_wait3A_242 : memref<80xi32, #tpu.memory_space<hbm>>) dst(%arg13 : memref<80xi32, #tpu.memory_space<vmem>>)
      %dma_start3A_243 = arith.constant 0 : i32
      %dma_start3A_244 = arith.constant 0 : i32
      %dma_start3A_245 = tpu.memref_slice %arg2[%dma_start3A_243, %dma_start3A_244] : memref<10240x128xf32, #tpu.memory_space<hbm>> -> memref<10240x128xf32, #tpu.memory_space<hbm>>
      tpu.enqueue_indirect_dma source(%dma_start3A_245 : memref<10240x128xf32, #tpu.memory_space<hbm>>) target(%arg22 : memref<80x128xf32, #tpu.memory_space<vmem>>) offsets(%arg10 : memref<80xi32, #tpu.memory_space<vmem>>) semaphore(%arg29 : memref<!tpu.dma_semaphore, #tpu.memory_space<semaphore_mem>>)
      %add3A_246 = arith.constant 2 : i32
      %add3A_247 = arith.addi %add3A_197, %add3A_246 : i32
      %mul3A_248 = arith.constant 3 : i32
      %mul3A_249 = arith.muli %add3A_247, %mul3A_248 : i32
      %add3A_250 = arith.constant 0 : i32
      %add3A_251 = arith.addi %mul3A_249, %add3A_250 : i32
      %mul3A_252 = arith.constant 80 : i32
      %mul3A_253 = arith.muli %add3A_251, %mul3A_252 : i32
      %add3A_254 = arith.addi %mul3A_12, %mul3A_253 : i32
      %dma_start3A_255 = tpu.memref_slice %arg3[%add3A_254] : memref<337920xi32, #tpu.memory_space<hbm>> -> memref<80xi32, #tpu.memory_space<hbm>>
      %dma_start3A_256 = tpu.memref_slice %arg3[%add3A_254] : memref<337920xi32, #tpu.memory_space<hbm>> -> memref<80xi32, #tpu.memory_space<hbm>>
      tpu.enqueue_dma source(%dma_start3A_256 : memref<80xi32, #tpu.memory_space<hbm>>) target(%arg14 : memref<80xi32, #tpu.memory_space<vmem>>) target_semaphore(%arg26 : memref<!tpu.dma_semaphore, #tpu.memory_space<semaphore_mem>>)
      %dma_start3A_257 = tpu.memref_slice %arg4[%add3A_254] : memref<337920xi32, #tpu.memory_space<hbm>> -> memref<80xi32, #tpu.memory_space<hbm>>
      %dma_start3A_258 = tpu.memref_slice %arg4[%add3A_254] : memref<337920xi32, #tpu.memory_space<hbm>> -> memref<80xi32, #tpu.memory_space<hbm>>
      tpu.enqueue_dma source(%dma_start3A_258 : memref<80xi32, #tpu.memory_space<hbm>>) target(%arg17 : memref<80xi32, #tpu.memory_space<vmem>>) target_semaphore(%arg26 : memref<!tpu.dma_semaphore, #tpu.memory_space<semaphore_mem>>)
      %mul3A_259 = arith.constant 3 : i32
      %mul3A_260 = arith.muli %add3A_247, %mul3A_259 : i32
      %add3A_261 = arith.constant 1 : i32
      %add3A_262 = arith.addi %mul3A_260, %add3A_261 : i32
      %mul3A_263 = arith.constant 80 : i32
      %mul3A_264 = arith.muli %add3A_262, %mul3A_263 : i32
      %add3A_265 = arith.addi %mul3A_12, %mul3A_264 : i32
      %dma_start3A_266 = tpu.memref_slice %arg3[%add3A_265] : memref<337920xi32, #tpu.memory_space<hbm>> -> memref<80xi32, #tpu.memory_space<hbm>>
      %dma_start3A_267 = tpu.memref_slice %arg3[%add3A_265] : memref<337920xi32, #tpu.memory_space<hbm>> -> memref<80xi32, #tpu.memory_space<hbm>>
      tpu.enqueue_dma source(%dma_start3A_267 : memref<80xi32, #tpu.memory_space<hbm>>) target(%arg15 : memref<80xi32, #tpu.memory_space<vmem>>) target_semaphore(%arg26 : memref<!tpu.dma_semaphore, #tpu.memory_space<semaphore_mem>>)
      %dma_start3A_268 = tpu.memref_slice %arg4[%add3A_265] : memref<337920xi32, #tpu.memory_space<hbm>> -> memref<80xi32, #tpu.memory_space<hbm>>
      %dma_start3A_269 = tpu.memref_slice %arg4[%add3A_265] : memref<337920xi32, #tpu.memory_space<hbm>> -> memref<80xi32, #tpu.memory_space<hbm>>
      tpu.enqueue_dma source(%dma_start3A_269 : memref<80xi32, #tpu.memory_space<hbm>>) target(%arg18 : memref<80xi32, #tpu.memory_space<vmem>>) target_semaphore(%arg26 : memref<!tpu.dma_semaphore, #tpu.memory_space<semaphore_mem>>)
      %mul3A_270 = arith.constant 3 : i32
      %mul3A_271 = arith.muli %add3A_247, %mul3A_270 : i32
      %add3A_272 = arith.constant 2 : i32
      %add3A_273 = arith.addi %mul3A_271, %add3A_272 : i32
      %mul3A_274 = arith.constant 80 : i32
      %mul3A_275 = arith.muli %add3A_273, %mul3A_274 : i32
      %add3A_276 = arith.addi %mul3A_12, %mul3A_275 : i32
      %dma_start3A_277 = tpu.memref_slice %arg3[%add3A_276] : memref<337920xi32, #tpu.memory_space<hbm>> -> memref<80xi32, #tpu.memory_space<hbm>>
      %dma_start3A_278 = tpu.memref_slice %arg3[%add3A_276] : memref<337920xi32, #tpu.memory_space<hbm>> -> memref<80xi32, #tpu.memory_space<hbm>>
      tpu.enqueue_dma source(%dma_start3A_278 : memref<80xi32, #tpu.memory_space<hbm>>) target(%arg16 : memref<80xi32, #tpu.memory_space<vmem>>) target_semaphore(%arg26 : memref<!tpu.dma_semaphore, #tpu.memory_space<semaphore_mem>>)
      %dma_start3A_279 = tpu.memref_slice %arg4[%add3A_276] : memref<337920xi32, #tpu.memory_space<hbm>> -> memref<80xi32, #tpu.memory_space<hbm>>
      %dma_start3A_280 = tpu.memref_slice %arg4[%add3A_276] : memref<337920xi32, #tpu.memory_space<hbm>> -> memref<80xi32, #tpu.memory_space<hbm>>
      tpu.enqueue_dma source(%dma_start3A_280 : memref<80xi32, #tpu.memory_space<hbm>>) target(%arg19 : memref<80xi32, #tpu.memory_space<vmem>>) target_semaphore(%arg26 : memref<!tpu.dma_semaphore, #tpu.memory_space<semaphore_mem>>)
      %scan3A_281 = arith.constant 0 : i32
      scf.yield %scan3A_281 : i32
    }
    %scan3A_77 = arith.constant 21 : i32
    %dma_wait3A_78 = arith.constant 0 : i32
    %dma_wait3A_79 = arith.constant 0 : i32
    %dma_wait3A_80 = tpu.memref_slice %arg2[%dma_wait3A_78, %dma_wait3A_79] : memref<10240x128xf32, #tpu.memory_space<hbm>> -> memref<10240x128xf32, #tpu.memory_space<hbm>>
    tpu.wait_indirect_dma semaphore(%arg27 : memref<!tpu.dma_semaphore, #tpu.memory_space<semaphore_mem>>) src(%dma_wait3A_80 : memref<10240x128xf32, #tpu.memory_space<hbm>>) dst(%arg20 : memref<80x128xf32, #tpu.memory_space<vmem>>)
    %dma_wait3A_81 = tpu.memref_slice %arg3[%mul3A_12] : memref<337920xi32, #tpu.memory_space<hbm>> -> memref<80xi32, #tpu.memory_space<hbm>>
    %dma_wait3A_82 = tpu.memref_slice %arg3[%mul3A_12] : memref<337920xi32, #tpu.memory_space<hbm>> -> memref<80xi32, #tpu.memory_space<hbm>>
    tpu.wait_dma2 semaphore(%arg26 : memref<!tpu.dma_semaphore, #tpu.memory_space<semaphore_mem>>) src(%dma_wait3A_82 : memref<80xi32, #tpu.memory_space<hbm>>) dst(%arg14 : memref<80xi32, #tpu.memory_space<vmem>>)
    %dma_wait3A_83 = tpu.memref_slice %arg4[%mul3A_12] : memref<337920xi32, #tpu.memory_space<hbm>> -> memref<80xi32, #tpu.memory_space<hbm>>
    %dma_wait3A_84 = tpu.memref_slice %arg4[%mul3A_12] : memref<337920xi32, #tpu.memory_space<hbm>> -> memref<80xi32, #tpu.memory_space<hbm>>
    tpu.wait_dma2 semaphore(%arg26 : memref<!tpu.dma_semaphore, #tpu.memory_space<semaphore_mem>>) src(%dma_wait3A_84 : memref<80xi32, #tpu.memory_space<hbm>>) dst(%arg17 : memref<80xi32, #tpu.memory_space<vmem>>)
    %dma_wait3A_85 = arith.constant 0 : i32
    %dma_wait3A_86 = arith.constant 0 : i32
    %dma_wait3A_87 = tpu.memref_slice %arg2[%dma_wait3A_85, %dma_wait3A_86] : memref<10240x128xf32, #tpu.memory_space<hbm>> -> memref<10240x128xf32, #tpu.memory_space<hbm>>
    tpu.wait_indirect_dma semaphore(%arg28 : memref<!tpu.dma_semaphore, #tpu.memory_space<semaphore_mem>>) src(%dma_wait3A_87 : memref<10240x128xf32, #tpu.memory_space<hbm>>) dst(%arg21 : memref<80x128xf32, #tpu.memory_space<vmem>>)
    %dma_wait3A_88 = tpu.memref_slice %arg3[%mul3A_12] : memref<337920xi32, #tpu.memory_space<hbm>> -> memref<80xi32, #tpu.memory_space<hbm>>
    %dma_wait3A_89 = tpu.memref_slice %arg3[%mul3A_12] : memref<337920xi32, #tpu.memory_space<hbm>> -> memref<80xi32, #tpu.memory_space<hbm>>
    tpu.wait_dma2 semaphore(%arg26 : memref<!tpu.dma_semaphore, #tpu.memory_space<semaphore_mem>>) src(%dma_wait3A_89 : memref<80xi32, #tpu.memory_space<hbm>>) dst(%arg15 : memref<80xi32, #tpu.memory_space<vmem>>)
    %dma_wait3A_90 = tpu.memref_slice %arg4[%mul3A_12] : memref<337920xi32, #tpu.memory_space<hbm>> -> memref<80xi32, #tpu.memory_space<hbm>>
    %dma_wait3A_91 = tpu.memref_slice %arg4[%mul3A_12] : memref<337920xi32, #tpu.memory_space<hbm>> -> memref<80xi32, #tpu.memory_space<hbm>>
    tpu.wait_dma2 semaphore(%arg26 : memref<!tpu.dma_semaphore, #tpu.memory_space<semaphore_mem>>) src(%dma_wait3A_91 : memref<80xi32, #tpu.memory_space<hbm>>) dst(%arg18 : memref<80xi32, #tpu.memory_space<vmem>>)
    %dma_wait3A_92 = arith.constant 0 : i32
    %dma_wait3A_93 = arith.constant 0 : i32
    %dma_wait3A_94 = tpu.memref_slice %arg2[%dma_wait3A_92, %dma_wait3A_93] : memref<10240x128xf32, #tpu.memory_space<hbm>> -> memref<10240x128xf32, #tpu.memory_space<hbm>>
    tpu.wait_indirect_dma semaphore(%arg29 : memref<!tpu.dma_semaphore, #tpu.memory_space<semaphore_mem>>) src(%dma_wait3A_94 : memref<10240x128xf32, #tpu.memory_space<hbm>>) dst(%arg22 : memref<80x128xf32, #tpu.memory_space<vmem>>)
    %dma_wait3A_95 = tpu.memref_slice %arg3[%mul3A_12] : memref<337920xi32, #tpu.memory_space<hbm>> -> memref<80xi32, #tpu.memory_space<hbm>>
    %dma_wait3A_96 = tpu.memref_slice %arg3[%mul3A_12] : memref<337920xi32, #tpu.memory_space<hbm>> -> memref<80xi32, #tpu.memory_space<hbm>>
    tpu.wait_dma2 semaphore(%arg26 : memref<!tpu.dma_semaphore, #tpu.memory_space<semaphore_mem>>) src(%dma_wait3A_96 : memref<80xi32, #tpu.memory_space<hbm>>) dst(%arg16 : memref<80xi32, #tpu.memory_space<vmem>>)
    %dma_wait3A_97 = tpu.memref_slice %arg4[%mul3A_12] : memref<337920xi32, #tpu.memory_space<hbm>> -> memref<80xi32, #tpu.memory_space<hbm>>
    %dma_wait3A_98 = tpu.memref_slice %arg4[%mul3A_12] : memref<337920xi32, #tpu.memory_space<hbm>> -> memref<80xi32, #tpu.memory_space<hbm>>
    tpu.wait_dma2 semaphore(%arg26 : memref<!tpu.dma_semaphore, #tpu.memory_space<semaphore_mem>>) src(%dma_wait3A_98 : memref<80xi32, #tpu.memory_space<hbm>>) dst(%arg19 : memref<80xi32, #tpu.memory_space<vmem>>)
    %barrier3A_99 = arith.constant 0 : index
    tpu.barrier barrier_id(%barrier3A_99)
    %scan3A_100 = arith.constant 0 : i32
    %scan3A_101 = arith.constant 0 : i32
    %scan3A_102 = arith.constant 8 : i32
    %scan3A_103 = arith.addi %scan3A_101, %scan3A_102 : i32
    %scan3A_104 = arith.constant 1 : i32
    %scan3A_105 = scf.for %scan3A_107 = %scan3A_101 to %scan3A_103 step %scan3A_104 iter_args(%scan3A_108 = %scan3A_100) -> (i32)  : i32 {
      %mul3A_109 = arith.constant 80 : i32
      %mul3A_110 = arith.muli %scan3A_107, %mul3A_109 : i32
      %add3A_111 = arith.addi %mul3A_2, %mul3A_110 : i32
      "tpu.region"() ({
        %run_scoped3A = tpu.sem_alloc : memref<!tpu.dma_semaphore, #tpu.memory_space<semaphore_mem>>
        %dma_start3A_113 = arith.constant 0 : i32
        %dma_start3A_114 = tpu.memref_slice %arg24[%add3A_111, %dma_start3A_113] : memref<10240x128xf32, #tpu.memory_space<vmem_shared>> -> memref<80x128xf32, #tpu.memory_space<vmem_shared>>
        %dma_start3A_115 = arith.constant 0 : i32
        %dma_start3A_116 = tpu.memref_slice %arg24[%add3A_111, %dma_start3A_115] : memref<10240x128xf32, #tpu.memory_space<vmem_shared>> -> memref<80x128xf32, #tpu.memory_space<vmem_shared>>
        tpu.enqueue_dma source(%dma_start3A_116 : memref<80x128xf32, #tpu.memory_space<vmem_shared>>) target(%arg20 : memref<80x128xf32, #tpu.memory_space<vmem>>) target_semaphore(%run_scoped3A : memref<!tpu.dma_semaphore, #tpu.memory_space<semaphore_mem>>)
        %dma_wait3A_117 = arith.constant 0 : i32
        %dma_wait3A_118 = tpu.memref_slice %arg24[%add3A_111, %dma_wait3A_117] : memref<10240x128xf32, #tpu.memory_space<vmem_shared>> -> memref<80x128xf32, #tpu.memory_space<vmem_shared>>
        %dma_wait3A_119 = arith.constant 0 : i32
        %dma_wait3A_120 = tpu.memref_slice %arg24[%add3A_111, %dma_wait3A_119] : memref<10240x128xf32, #tpu.memory_space<vmem_shared>> -> memref<80x128xf32, #tpu.memory_space<vmem_shared>>
        tpu.wait_dma2 semaphore(%run_scoped3A : memref<!tpu.dma_semaphore, #tpu.memory_space<semaphore_mem>>) src(%dma_wait3A_120 : memref<80x128xf32, #tpu.memory_space<vmem_shared>>) dst(%arg20 : memref<80x128xf32, #tpu.memory_space<vmem>>)
        tpu.yield
      }) : () -> ()
      "tpu.region"() ({
        %run_scoped3A = tpu.sem_alloc : memref<!tpu.dma_semaphore, #tpu.memory_space<semaphore_mem>>
        %dma_start3A_113 = arith.constant 0 : i32
        %dma_start3A_114 = tpu.memref_slice %arg6[%arg0, %add3A_111, %dma_start3A_113] : memref<2x10240x128xf32, #tpu.memory_space<hbm>> -> memref<1x80x128xf32, #tpu.memory_space<hbm>>
        %dma_start3A_115 = tpu.memref_squeeze %dma_start3A_114 : memref<1x80x128xf32, #tpu.memory_space<hbm>> -> memref<80x128xf32, #tpu.memory_space<hbm>>
        %dma_start3A_116 = arith.constant 0 : i32
        %dma_start3A_117 = tpu.memref_slice %arg6[%arg0, %add3A_111, %dma_start3A_116] : memref<2x10240x128xf32, #tpu.memory_space<hbm>> -> memref<1x80x128xf32, #tpu.memory_space<hbm>>
        %dma_start3A_118 = tpu.memref_squeeze %dma_start3A_117 : memref<1x80x128xf32, #tpu.memory_space<hbm>> -> memref<80x128xf32, #tpu.memory_space<hbm>>
        tpu.enqueue_dma source(%arg20 : memref<80x128xf32, #tpu.memory_space<vmem>>) target(%dma_start3A_118 : memref<80x128xf32, #tpu.memory_space<hbm>>) target_semaphore(%run_scoped3A : memref<!tpu.dma_semaphore, #tpu.memory_space<semaphore_mem>>)
        %dma_wait3A_119 = arith.constant 0 : i32
        %dma_wait3A_120 = tpu.memref_slice %arg6[%arg0, %add3A_111, %dma_wait3A_119] : memref<2x10240x128xf32, #tpu.memory_space<hbm>> -> memref<1x80x128xf32, #tpu.memory_space<hbm>>
        %dma_wait3A_121 = tpu.memref_squeeze %dma_wait3A_120 : memref<1x80x128xf32, #tpu.memory_space<hbm>> -> memref<80x128xf32, #tpu.memory_space<hbm>>
        %dma_wait3A_122 = arith.constant 0 : i32
        %dma_wait3A_123 = tpu.memref_slice %arg6[%arg0, %add3A_111, %dma_wait3A_122] : memref<2x10240x128xf32, #tpu.memory_space<hbm>> -> memref<1x80x128xf32, #tpu.memory_space<hbm>>
        %dma_wait3A_124 = tpu.memref_squeeze %dma_wait3A_123 : memref<1x80x128xf32, #tpu.memory_space<hbm>> -> memref<80x128xf32, #tpu.memory_space<hbm>>
        tpu.wait_dma2 semaphore(%run_scoped3A : memref<!tpu.dma_semaphore, #tpu.memory_space<semaphore_mem>>) src(%arg20 : memref<80x128xf32, #tpu.memory_space<vmem>>) dst(%dma_wait3A_124 : memref<80x128xf32, #tpu.memory_space<hbm>>)
        tpu.yield
      }) : () -> ()
      %scan3A_112 = arith.constant 0 : i32
      scf.yield %scan3A_112 : i32
    }
    %scan3A_106 = arith.constant 8 : i32
    return
  }
}

module attributes {stable_mosaic.version = 14 : i64} {
  func.func @body(%arg0: i32, %arg1: memref<2x256x128xf32, #tpu.memory_space<vmem>>, %arg2: memref<256x32xf32, #tpu.memory_space<vmem>>, %arg3: memref<256x128xf32, #tpu.memory_space<vmem>>, %arg4: memref<128x128xf32, #tpu.memory_space<vmem>>, %arg5: memref<1x128xf32, #tpu.memory_space<vmem>>, %arg6: memref<128x128xf32, #tpu.memory_space<vmem>>, %arg7: memref<1x128xf32, #tpu.memory_space<vmem>>, %arg8: memref<1x128xf32, #tpu.memory_space<vmem>>, %arg9: memref<256x128xf32, #tpu.memory_space<vmem>>) attributes {dimension_semantics = [#tpu.dimension_semantics<arbitrary>], iteration_bounds = array<i64: 40>, scalar_prefetch = 0 : i64, scratch_operands = 0 : i64, tpu.core_type = #tpu.core_type<tc>, window_params = [{transform_indices = @transform_0, window_bounds = array<i64: 2, 256, 128>}, {transform_indices = @transform_1, window_bounds = array<i64: 256, 32>}, {transform_indices = @transform_2, window_bounds = array<i64: 256, 128>}, {pipeline_mode = #tpu.pipeline_mode<synchronous>, transform_indices = @transform_3, window_bounds = array<i64: 128, 128>}, {pipeline_mode = #tpu.pipeline_mode<synchronous>, transform_indices = @transform_4, window_bounds = array<i64: 1, 128>}, {pipeline_mode = #tpu.pipeline_mode<synchronous>, transform_indices = @transform_5, window_bounds = array<i64: 128, 128>}, {pipeline_mode = #tpu.pipeline_mode<synchronous>, transform_indices = @transform_6, window_bounds = array<i64: 1, 128>}, {pipeline_mode = #tpu.pipeline_mode<synchronous>, transform_indices = @transform_7, window_bounds = array<i64: 1, 128>}, {transform_indices = @transform_8, window_bounds = array<i64: 256, 128>}]} {
    %get3A = arith.constant 0 : index
    %get3A_0 = arith.constant 0 : index
    %get3A_1 = arith.constant 0 : index
    %get3A_2 = vector.load %arg1[%get3A, %get3A_0, %get3A_1] : memref<2x256x128xf32, #tpu.memory_space<vmem>>, vector<1x256x128xf32>
    %get3A_3 = vector.shape_cast %get3A_2 : vector<1x256x128xf32> to vector<256x128xf32>
    %get3A_4 = arith.constant 1 : index
    %get3A_5 = arith.constant 0 : index
    %get3A_6 = arith.constant 0 : index
    %get3A_7 = vector.load %arg1[%get3A_4, %get3A_5, %get3A_6] : memref<2x256x128xf32, #tpu.memory_space<vmem>>, vector<1x256x128xf32>
    %get3A_8 = vector.shape_cast %get3A_7 : vector<1x256x128xf32> to vector<256x128xf32>
    %add3A = arith.addf %get3A_3, %get3A_8 : vector<256x128xf32>
    %get3A_9 = arith.constant 0 : index
    %get3A_10 = arith.constant 0 : index
    %get3A_11 = vector.load %arg2[%get3A_9, %get3A_10] : memref<256x32xf32, #tpu.memory_space<vmem>>, vector<256x32xf32>
    %reduce_sum3A = arith.constant dense<0.000000e+00> : vector<256xf32>
    %reduce_sum3A_12 = vector.multi_reduction <add>, %get3A_11, %reduce_sum3A [1] : vector<256x32xf32> to vector<256xf32>
    %broadcast_in_dim3A = vector.shape_cast %reduce_sum3A_12 : vector<256xf32> to vector<256x1xf32>
    %max3A = arith.constant 1.000000e+00 : f32
    %max3A_13 = vector.broadcast %max3A : f32 to vector<256x1xf32>
    %max3A_14 = arith.maximumf %broadcast_in_dim3A, %max3A_13 : vector<256x1xf32>
    %div3A = vector.broadcast %max3A_14 : vector<256x1xf32> to vector<256x128xf32>
    %div3A_15 = arith.divf %add3A, %div3A : vector<256x128xf32>
    %get3A_16 = arith.constant 0 : index
    %get3A_17 = arith.constant 0 : index
    %get3A_18 = vector.load %arg4[%get3A_16, %get3A_17] : memref<128x128xf32, #tpu.memory_space<vmem>>, vector<128x128xf32>
    %dot_general3A = arith.constant dense<0.000000e+00> : vector<256x128xf32>
    %dot_general3A_19 = tpu.matmul %div3A_15, %get3A_18, %dot_general3A {dimension_numbers = #tpu.dot_dimension_numbers<[1], [0], [0], [1], [0, 0, 1, 1], [], []>, transpose_lhs_hint = false} : vector<256x128xf32>, vector<128x128xf32>, vector<256x128xf32> -> vector<256x128xf32>
    %get3A_20 = arith.constant 0 : index
    %get3A_21 = arith.constant 0 : index
    %get3A_22 = vector.load %arg5[%get3A_20, %get3A_21] : memref<1x128xf32, #tpu.memory_space<vmem>>, vector<1x128xf32>
    %add3A_23 = vector.broadcast %get3A_22 : vector<1x128xf32> to vector<256x128xf32>
    %add3A_24 = arith.addf %dot_general3A_19, %add3A_23 : vector<256x128xf32>
    %get3A_25 = arith.constant 0 : index
    %get3A_26 = arith.constant 0 : index
    %get3A_27 = vector.load %arg3[%get3A_25, %get3A_26] : memref<256x128xf32, #tpu.memory_space<vmem>>, vector<256x128xf32>
    %get3A_28 = arith.constant 0 : index
    %get3A_29 = arith.constant 0 : index
    %get3A_30 = vector.load %arg6[%get3A_28, %get3A_29] : memref<128x128xf32, #tpu.memory_space<vmem>>, vector<128x128xf32>
    %dot_general3A_31 = arith.constant dense<0.000000e+00> : vector<256x128xf32>
    %dot_general3A_32 = tpu.matmul %get3A_27, %get3A_30, %dot_general3A_31 {dimension_numbers = #tpu.dot_dimension_numbers<[1], [0], [0], [1], [0, 0, 1, 1], [], []>, transpose_lhs_hint = false} : vector<256x128xf32>, vector<128x128xf32>, vector<256x128xf32> -> vector<256x128xf32>
    %add3A_33 = arith.addf %add3A_24, %dot_general3A_32 : vector<256x128xf32>
    %get3A_34 = arith.constant 0 : index
    %get3A_35 = arith.constant 0 : index
    %get3A_36 = vector.load %arg7[%get3A_34, %get3A_35] : memref<1x128xf32, #tpu.memory_space<vmem>>, vector<1x128xf32>
    %rsqrt3A = arith.constant 1.000010e+00 : f32
    %rsqrt3A_37 = math.rsqrt %rsqrt3A : f32
    %mul3A = vector.broadcast %rsqrt3A_37 : f32 to vector<1x128xf32>
    %mul3A_38 = arith.mulf %get3A_36, %mul3A : vector<1x128xf32>
    %mul3A_39 = vector.broadcast %mul3A_38 : vector<1x128xf32> to vector<256x128xf32>
    %mul3A_40 = arith.mulf %add3A_33, %mul3A_39 : vector<256x128xf32>
    %get3A_41 = arith.constant 0 : index
    %get3A_42 = arith.constant 0 : index
    %get3A_43 = vector.load %arg8[%get3A_41, %get3A_42] : memref<1x128xf32, #tpu.memory_space<vmem>>, vector<1x128xf32>
    %add3A_44 = vector.broadcast %get3A_43 : vector<1x128xf32> to vector<256x128xf32>
    %add3A_45 = arith.addf %mul3A_40, %add3A_44 : vector<256x128xf32>
    %max3A_46 = arith.constant 0.000000e+00 : f32
    %max3A_47 = vector.broadcast %max3A_46 : f32 to vector<256x128xf32>
    %max3A_48 = arith.maximumf %add3A_45, %max3A_47 : vector<256x128xf32>
    %swap3A = arith.constant 0 : index
    %swap3A_49 = arith.constant 0 : index
    %swap3A_50 = vector.load %arg9[%swap3A, %swap3A_49] : memref<256x128xf32, #tpu.memory_space<vmem>>, vector<256x128xf32>
    tpu.vector_store %arg9[%swap3A, %swap3A_49], %max3A_48 {strides = array<i32>} : memref<256x128xf32, #tpu.memory_space<vmem>>, vector<256x128xf32>,
    return
  }
  func.func @transform_0(%arg0: i32) -> (i32, i32, i32) {
    %c0_i32 = arith.constant 0 : i32
    %c0_i32_0 = arith.constant 0 : i32
    %c0_i32_1 = arith.constant 0 : i32
    return %c0_i32, %arg0, %c0_i32_0 : i32, i32, i32
  }
  func.func @transform_1(%arg0: i32) -> (i32, i32) {
    %c0_i32 = arith.constant 0 : i32
    %c0_i32_0 = arith.constant 0 : i32
    return %arg0, %c0_i32 : i32, i32
  }
  func.func @transform_2(%arg0: i32) -> (i32, i32) {
    %c0_i32 = arith.constant 0 : i32
    %c0_i32_0 = arith.constant 0 : i32
    return %arg0, %c0_i32 : i32, i32
  }
  func.func @transform_3(%arg0: i32) -> (i32, i32) {
    %c0_i32 = arith.constant 0 : i32
    %c0_i32_0 = arith.constant 0 : i32
    %c0_i32_1 = arith.constant 0 : i32
    return %c0_i32, %c0_i32_0 : i32, i32
  }
  func.func @transform_4(%arg0: i32) -> (i32, i32) {
    %c0_i32 = arith.constant 0 : i32
    %c0_i32_0 = arith.constant 0 : i32
    %c0_i32_1 = arith.constant 0 : i32
    return %c0_i32, %c0_i32_0 : i32, i32
  }
  func.func @transform_5(%arg0: i32) -> (i32, i32) {
    %c0_i32 = arith.constant 0 : i32
    %c0_i32_0 = arith.constant 0 : i32
    %c0_i32_1 = arith.constant 0 : i32
    return %c0_i32, %c0_i32_0 : i32, i32
  }
  func.func @transform_6(%arg0: i32) -> (i32, i32) {
    %c0_i32 = arith.constant 0 : i32
    %c0_i32_0 = arith.constant 0 : i32
    %c0_i32_1 = arith.constant 0 : i32
    return %c0_i32, %c0_i32_0 : i32, i32
  }
  func.func @transform_7(%arg0: i32) -> (i32, i32) {
    %c0_i32 = arith.constant 0 : i32
    %c0_i32_0 = arith.constant 0 : i32
    %c0_i32_1 = arith.constant 0 : i32
    return %c0_i32, %c0_i32_0 : i32, i32
  }
  func.func @transform_8(%arg0: i32) -> (i32, i32) {
    %c0_i32 = arith.constant 0 : i32
    %c0_i32_0 = arith.constant 0 : i32
    return %arg0, %c0_i32 : i32, i32
  }
}

module attributes {stable_mosaic.version = 14 : i64} {
  func.func @body(%arg0: i32, %arg1: memref<2x256x128xf32, #tpu.memory_space<vmem>>, %arg2: memref<256x32xf32, #tpu.memory_space<vmem>>, %arg3: memref<256x128xf32, #tpu.memory_space<vmem>>, %arg4: memref<128x128xf32, #tpu.memory_space<vmem>>, %arg5: memref<1x128xf32, #tpu.memory_space<vmem>>, %arg6: memref<128x128xf32, #tpu.memory_space<vmem>>, %arg7: memref<1x128xf32, #tpu.memory_space<vmem>>, %arg8: memref<1x128xf32, #tpu.memory_space<vmem>>, %arg9: memref<256x128xf32, #tpu.memory_space<vmem>>) attributes {dimension_semantics = [#tpu.dimension_semantics<arbitrary>], iteration_bounds = array<i64: 40>, scalar_prefetch = 0 : i64, scratch_operands = 0 : i64, tpu.core_type = #tpu.core_type<tc>, window_params = [{transform_indices = @transform_0, window_bounds = array<i64: 2, 256, 128>}, {transform_indices = @transform_1, window_bounds = array<i64: 256, 32>}, {transform_indices = @transform_2, window_bounds = array<i64: 256, 128>}, {pipeline_mode = #tpu.pipeline_mode<synchronous>, transform_indices = @transform_3, window_bounds = array<i64: 128, 128>}, {pipeline_mode = #tpu.pipeline_mode<synchronous>, transform_indices = @transform_4, window_bounds = array<i64: 1, 128>}, {pipeline_mode = #tpu.pipeline_mode<synchronous>, transform_indices = @transform_5, window_bounds = array<i64: 128, 128>}, {pipeline_mode = #tpu.pipeline_mode<synchronous>, transform_indices = @transform_6, window_bounds = array<i64: 1, 128>}, {pipeline_mode = #tpu.pipeline_mode<synchronous>, transform_indices = @transform_7, window_bounds = array<i64: 1, 128>}, {transform_indices = @transform_8, window_bounds = array<i64: 256, 128>}]} {
    %get3A = arith.constant 0 : index
    %get3A_0 = arith.constant 0 : index
    %get3A_1 = arith.constant 0 : index
    %get3A_2 = vector.load %arg1[%get3A, %get3A_0, %get3A_1] : memref<2x256x128xf32, #tpu.memory_space<vmem>>, vector<1x256x128xf32>
    %get3A_3 = vector.shape_cast %get3A_2 : vector<1x256x128xf32> to vector<256x128xf32>
    %get3A_4 = arith.constant 1 : index
    %get3A_5 = arith.constant 0 : index
    %get3A_6 = arith.constant 0 : index
    %get3A_7 = vector.load %arg1[%get3A_4, %get3A_5, %get3A_6] : memref<2x256x128xf32, #tpu.memory_space<vmem>>, vector<1x256x128xf32>
    %get3A_8 = vector.shape_cast %get3A_7 : vector<1x256x128xf32> to vector<256x128xf32>
    %add3A = arith.addf %get3A_3, %get3A_8 : vector<256x128xf32>
    %get3A_9 = arith.constant 0 : index
    %get3A_10 = arith.constant 0 : index
    %get3A_11 = vector.load %arg2[%get3A_9, %get3A_10] : memref<256x32xf32, #tpu.memory_space<vmem>>, vector<256x32xf32>
    %reduce_sum3A = arith.constant dense<0.000000e+00> : vector<256xf32>
    %reduce_sum3A_12 = vector.multi_reduction <add>, %get3A_11, %reduce_sum3A [1] : vector<256x32xf32> to vector<256xf32>
    %broadcast_in_dim3A = vector.shape_cast %reduce_sum3A_12 : vector<256xf32> to vector<256x1xf32>
    %max3A = arith.constant 1.000000e+00 : f32
    %max3A_13 = vector.broadcast %max3A : f32 to vector<256x1xf32>
    %max3A_14 = arith.maximumf %broadcast_in_dim3A, %max3A_13 : vector<256x1xf32>
    %div3A = vector.broadcast %max3A_14 : vector<256x1xf32> to vector<256x128xf32>
    %div3A_15 = arith.divf %add3A, %div3A : vector<256x128xf32>
    %get3A_16 = arith.constant 0 : index
    %get3A_17 = arith.constant 0 : index
    %get3A_18 = vector.load %arg4[%get3A_16, %get3A_17] : memref<128x128xf32, #tpu.memory_space<vmem>>, vector<128x128xf32>
    %dot_general3A = arith.constant dense<0.000000e+00> : vector<256x128xf32>
    %dot_general3A_19 = tpu.matmul %div3A_15, %get3A_18, %dot_general3A {dimension_numbers = #tpu.dot_dimension_numbers<[1], [0], [0], [1], [0, 0, 1, 1], [], []>, transpose_lhs_hint = false} : vector<256x128xf32>, vector<128x128xf32>, vector<256x128xf32> -> vector<256x128xf32>
    %get3A_20 = arith.constant 0 : index
    %get3A_21 = arith.constant 0 : index
    %get3A_22 = vector.load %arg5[%get3A_20, %get3A_21] : memref<1x128xf32, #tpu.memory_space<vmem>>, vector<1x128xf32>
    %add3A_23 = vector.broadcast %get3A_22 : vector<1x128xf32> to vector<256x128xf32>
    %add3A_24 = arith.addf %dot_general3A_19, %add3A_23 : vector<256x128xf32>
    %get3A_25 = arith.constant 0 : index
    %get3A_26 = arith.constant 0 : index
    %get3A_27 = vector.load %arg3[%get3A_25, %get3A_26] : memref<256x128xf32, #tpu.memory_space<vmem>>, vector<256x128xf32>
    %get3A_28 = arith.constant 0 : index
    %get3A_29 = arith.constant 0 : index
    %get3A_30 = vector.load %arg6[%get3A_28, %get3A_29] : memref<128x128xf32, #tpu.memory_space<vmem>>, vector<128x128xf32>
    %dot_general3A_31 = arith.constant dense<0.000000e+00> : vector<256x128xf32>
    %dot_general3A_32 = tpu.matmul %get3A_27, %get3A_30, %dot_general3A_31 {dimension_numbers = #tpu.dot_dimension_numbers<[1], [0], [0], [1], [0, 0, 1, 1], [], []>, transpose_lhs_hint = false} : vector<256x128xf32>, vector<128x128xf32>, vector<256x128xf32> -> vector<256x128xf32>
    %add3A_33 = arith.addf %add3A_24, %dot_general3A_32 : vector<256x128xf32>
    %swap3A = arith.constant 0 : index
    %swap3A_34 = arith.constant 0 : index
    %swap3A_35 = vector.load %arg9[%swap3A, %swap3A_34] : memref<256x128xf32, #tpu.memory_space<vmem>>, vector<256x128xf32>
    tpu.vector_store %arg9[%swap3A, %swap3A_34], %add3A_33 {strides = array<i32>} : memref<256x128xf32, #tpu.memory_space<vmem>>, vector<256x128xf32>,
    return
  }
  func.func @transform_0(%arg0: i32) -> (i32, i32, i32) {
    %c0_i32 = arith.constant 0 : i32
    %c0_i32_0 = arith.constant 0 : i32
    %c0_i32_1 = arith.constant 0 : i32
    return %c0_i32, %arg0, %c0_i32_0 : i32, i32, i32
  }
  func.func @transform_1(%arg0: i32) -> (i32, i32) {
    %c0_i32 = arith.constant 0 : i32
    %c0_i32_0 = arith.constant 0 : i32
    return %arg0, %c0_i32 : i32, i32
  }
  func.func @transform_2(%arg0: i32) -> (i32, i32) {
    %c0_i32 = arith.constant 0 : i32
    %c0_i32_0 = arith.constant 0 : i32
    return %arg0, %c0_i32 : i32, i32
  }
  func.func @transform_3(%arg0: i32) -> (i32, i32) {
    %c0_i32 = arith.constant 0 : i32
    %c0_i32_0 = arith.constant 0 : i32
    %c0_i32_1 = arith.constant 0 : i32
    return %c0_i32, %c0_i32_0 : i32, i32
  }
  func.func @transform_4(%arg0: i32) -> (i32, i32) {
    %c0_i32 = arith.constant 0 : i32
    %c0_i32_0 = arith.constant 0 : i32
    %c0_i32_1 = arith.constant 0 : i32
    return %c0_i32, %c0_i32_0 : i32, i32
  }
  func.func @transform_5(%arg0: i32) -> (i32, i32) {
    %c0_i32 = arith.constant 0 : i32
    %c0_i32_0 = arith.constant 0 : i32
    %c0_i32_1 = arith.constant 0 : i32
    return %c0_i32, %c0_i32_0 : i32, i32
  }
  func.func @transform_6(%arg0: i32) -> (i32, i32) {
    %c0_i32 = arith.constant 0 : i32
    %c0_i32_0 = arith.constant 0 : i32
    %c0_i32_1 = arith.constant 0 : i32
    return %c0_i32, %c0_i32_0 : i32, i32
  }
  func.func @transform_7(%arg0: i32) -> (i32, i32) {
    %c0_i32 = arith.constant 0 : i32
    %c0_i32_0 = arith.constant 0 : i32
    %c0_i32_1 = arith.constant 0 : i32
    return %c0_i32, %c0_i32_0 : i32, i32
  }
  func.func @transform_8(%arg0: i32) -> (i32, i32) {
    %c0_i32 = arith.constant 0 : i32
    %c0_i32_0 = arith.constant 0 : i32
    return %arg0, %c0_i32 : i32, i32
  }
}

</mosaic_0001>

<sc_bundles>
// kernel: kernel.6.cloned.1.call-start
scs
__scs_entry_jumppad:
0x0: {  	(pc) =	sbr.rel $0x88, $3  }
0x1: {  	(tag) =	ssettag $0x0;
	lr =	simm.s32 $0x1  }
0x2: {  	[smem:$0x3F97] =	sst lr;
	_ =	strace $0xD0000000  }
0x3: {  	_ = 	snop  }
0x4: {  	_ = 	snop  }
0x5: {  	_ = 	snop  }
0x6: {  	_ = 	snop  }
0x7: {  	_ = 	snop  }
__scs_overlays_trampoline_lowered:
0x8: {  	[smem:$0x3FA6] =	sst s0  }
0x9: {  	[smem:$0x3FA7] =	sst s1  }
0xa: {  	[smem:$0x3FA8] =	sst s2  }
0xb: {  	[smem:$0x3FA9] =	sst s3  }
0xc: {  	[smem:$0x3FAA] =	sst s4  }
0xd: {  	[smem:$0x3FAB] =	sst s5  }
0xe: {  	[smem:$0x3FAC] =	sst s6  }
0xf: {  	[smem:$0x3FAD] =	sst s7  }
0x10: {  	[smem:$0x3FAE] =	sst s8  }
0x11: {  	[smem:$0x3FAF] =	sst s9;
	s0 =	simm.s32 @!p0 $0x0  }
0x12: {  	s1 =	sld [smem:$0x3F95];
	s0 =	simm.s32 @p0 $0x1  }
0x13: {  	[smem:$0x3FB0] =	sst s0;
	s0 =	simm.s32 @!p1 $0x0  }
0x14: {  	s2 =	sld [smem:$0x3F94];
	s0 =	simm.s32 @p1 $0x1  }
0x15: {  	[smem:$0x3FB1] =	sst s0;
	s0 =	simm.s32 @!p2 $0x0  }
0x16: {  	s3 =	sld [smem:$0x3FDB];
	s0 =	simm.s32 @p2 $0x1  }
0x17: {  	s4 =	simm.s32 $0x1BF5;
	[smem:$0x3FB3] =	sst s0  }
0x18: {  	s0 =	sld [smem:$0x3F96];
	_ =	swait.ge [sflag:s4], $0x0  }
0x19: {  	s7 =	sld [smem:$0x3F97]  }
0x1a: {  	s8 =	sadd.s32 $0xFFFFE003, lr  }
0x1b: {  	s9 =	sadd.s32 $0xFFFFFEF7, lr;
	s5 =	simm.s32 $0xFFFFFFFF;
	p2 =	slt.u32 s8, $0xFFFFF086  }
0x1c: {  	p1 =	slt.u32 s9, $0xF7A;
	s5 =	simm.s32 @!p2 $0x0  }
0x1d: {  	s5 =	simm.s32 @p1 $0x1;
	p0 =	seq.s32 s7, s2  }
0x1e: {  	s7 =	smul.u32 @!p0 $0xF7A, s2;
	p2 =	seq.s32 @!p0 s5, $0x0  }
0x1f: {  	s9 =	smul.u32 $0xF7A, s1;
	s8 =	simm.s32 @!p0 $0x1BF5;
	p2 =	por !p2, p0  }
0x20: {  	[sflag:s8] =	ssyncset.s32 @!p0 $0xFFFFF086;
	s6 =	sadd.s32 @!p0 s3, s7;
	s7 =	simm.s32 @!p0 $0x108  }
0x21: {  	s3 =	sadd.s32 s3, s9;
	s6 =	sadd.s32 @!p0 $0x88, s6;
	s7 =	simm.s32 @p2 $0x1082  }
0x22: {  	[simem:s7], [sflag:s8] =	dma.local @!p0 [hbm:s6], $0xF7A  }
0x23: {  	s9 =	sor.u32 $0xD0000000, s2;
	s6 =	simm.s32 $0x108;
	_ =	swait.ge @!p0 [sflag:s8], $0x0  }
0x24: {  	s3 =	sadd.s32 $0x88, s3;
	s6 =	simm.s32 @!p1 $0x1082;
	[sflag:s4] =	ssyncset.s32 $0xFFFFF086  }
0x25: {  	[simem:s6], [sflag:s4] =	dma.local [hbm:s3], $0xF7A  }
0x26: {  	[smem:$0x3F97] =	sst s1;
	(tag) =	ssettag s2;
	_ =	strace s9  }
0x27: {  	s1 =	sld [smem:$0x3FA7]  }
0x28: {  	s2 =	sld [smem:$0x3FA8]  }
0x29: {  	s4 =	sld [smem:$0x3FAA]  }
0x2a: {  	p0 =	seq.s32 s5, $0x0;
	s5 =	sld [smem:$0x3FAB]  }
0x2b: {  	s6 =	sld [smem:$0x3FAC]  }
0x2c: {  	s7 =	sld [smem:$0x3FAD]  }
0x2d: {  	s3 =	simm.s32 $0x108;
	s8 =	sld [smem:$0x3FAE]  }
0x2e: {  	s3 =	simm.s32 @!p0 $0x1082;
	s9 =	sld [smem:$0x3FAF]  }
0x2f: {  	lr =	sadd.s32 s0, s3;
	s0 =	sld [smem:$0x3FA6]  }
0x30: {  	s3 =	sld [smem:$0x3FA9]  }
0x31: {  	[smem:$0x3FB2] =	sst s10  }
0x32: {  	s10 =	sld [smem:$0x3FB0];
	_ =	sdelay $0x3  }
0x33: {  	p0 =	seq.s32 s10, $0x1;
	s10 =	sld [smem:$0x3FB2];
	_ =	sdelay $0x3  }
0x34: {  	[smem:$0x3FB2] =	sst s10  }
0x35: {  	s10 =	sld [smem:$0x3FB1];
	_ =	sdelay $0x3  }
0x36: {  	p1 =	seq.s32 s10, $0x1;
	s10 =	sld [smem:$0x3FB2];
	_ =	sdelay $0x3  }
0x37: {  	[smem:$0x3FB2] =	sst s10  }
0x38: {  	s10 =	sld [smem:$0x3FB3]  }
0x39: {  	_ = 	snop;
	(pc) =	sbr.ind lr, $3  }
0x3a: {  	_ = 	snop  }
0x3b: {  	_ = 	snop  }
0x3c: {  	p2 =	seq.s32 s10, $0x1;
	s10 =	sld [smem:$0x3FB2]  }
0x3d: {  	_ =	shalt  }
0x3e: {  	_ =	shalt  }
0x3f: {  	_ =	shalt  }
0x40: {  	_ =	shalt  }
0x41: {  	_ =	shalt  }
0x42: {  	_ =	shalt  }
0x43: {  	_ =	shalt  }
0x44: {  	_ =	shalt  }
0x45: {  	_ =	shalt  }
0x46: {  	_ =	shalt  }
0x47: {  	_ =	shalt  }
0x48: {  	_ =	shalt  }
0x49: {  	_ =	shalt  }
0x4a: {  	_ =	shalt  }
0x4b: {  	_ =	shalt  }
0x4c: {  	_ =	shalt  }
0x4d: {  	_ =	shalt  }
0x4e: {  	_ =	shalt  }
0x4f: {  	_ =	shalt  }
0x50: {  	_ =	shalt  }
0x51: {  	_ =	shalt  }
0x52: {  	_ =	shalt  }
0x53: {  	_ =	shalt  }
0x54: {  	_ =	shalt  }
0x55: {  	_ =	shalt  }
0x56: {  	_ =	shalt  }
0x57: {  	_ =	shalt  }
0x58: {  	_ =	shalt  }
0x59: {  	_ =	shalt  }
0x5a: {  	_ =	shalt  }
0x5b: {  	_ =	shalt  }
0x5c: {  	_ =	shalt  }
0x5d: {  	_ =	shalt  }
0x5e: {  	_ =	shalt  }
0x5f: {  	_ =	shalt  }
0x60: {  	_ =	shalt  }
0x61: {  	_ =	shalt  }
0x62: {  	_ =	shalt  }
0x63: {  	_ =	shalt  }
0x64: {  	_ =	shalt  }
0x65: {  	_ =	shalt  }
0x66: {  	_ =	shalt  }
0x67: {  	_ =	shalt  }
0x68: {  	_ =	shalt  }
0x69: {  	_ =	shalt  }
0x6a: {  	_ =	shalt  }
0x6b: {  	_ =	shalt  }
0x6c: {  	_ =	shalt  }
0x6d: {  	_ =	shalt  }
0x6e: {  	_ =	shalt  }
0x6f: {  	_ =	shalt  }
0x70: {  	_ =	shalt  }
0x71: {  	_ =	shalt  }
0x72: {  	_ =	shalt  }
0x73: {  	_ =	shalt  }
0x74: {  	_ =	shalt  }
0x75: {  	_ =	shalt  }
0x76: {  	_ =	shalt  }
0x77: {  	_ =	shalt  }
0x78: {  	_ =	shalt  }
0x79: {  	_ =	shalt  }
0x7a: {  	_ =	shalt  }
0x7b: {  	_ =	shalt  }
0x7c: {  	_ =	shalt  }
0x7d: {  	_ =	shalt  }
0x7e: {  	_ =	shalt  }
0x7f: {  	_ =	shalt  }
0x80: {  	_ =	shalt  }
0x81: {  	_ =	shalt  }
0x82: {  	_ =	shalt  }
0x83: {  	_ =	shalt  }
0x84: {  	_ =	shalt  }
0x85: {  	_ =	shalt  }
0x86: {  	_ =	shalt  }
0x87: {  	_ =	shalt  }
.Lfunc_end0:
.L_simem_size_0:
called_computation_lowered:
.L_overlay_start_0:
0x88: {  	s2 =	sld [smem:$0x3FD9]  }
0x89: {  	s3 =	sld [smem:$0x3FFE];
	_ =	sdelay $0x1  }
0x8a: {  	s1 =	srdreg.scid  }
0x8b: {  	s0 =	sand.u32 $0x1, s1  }
0x8c: {  	s17 =	sshll.u32 s0, $0xA;
	s2 =	sadd.s32 s3, s2  }
0x8d: {  	s2 =	sadd.s32 s2, s17  }
0x8e: {  	[smem:$0x3FBE] =	sst s2  }
0x8f: {  	_ = 	snop  }
0x90: {  	s2 =	sld [smem:$0x3FD0];
	(tm) =	ssettm $0x1  }
0x91: {  	s18 =	sld [smem:$0x3FFB];
	_ =	sdelay $0x3  }
0x92: {  	_ =	strace s18  }
0x93: {  	s3 =	sld [smem:$0x3FFC];
	_ =	sdelay $0x3  }
0x94: {  	_ =	strace s3  }
0x95: {  	s3 =	sld [smem:$0x3FFD];
	_ =	sdelay $0x3  }
0x96: {  	_ =	strace s3  }
0x97: {  	_ =	strace $0x8FFFFFFF  }
0x98: {  	s19 =	sld [smem:$0x3FDB];
	_ =	sdelay $0x1  }
0x99: {  	s4 =	simm.s32 $_scs_section_size  }
0x9a: {  	s5 =	simm.s32 $_size__tile_overlayer_lowered;
	s6 =	simm.s32 $_tile_overlayer_lowered  }
0x9b: {  	s22 =	simm.s32 $0x1BFF;
	s21 =	sshll.u32 s6, $0x1;
	s3 =	sadd.s32 s4, s19  }
0x9c: {  	s7 =	simm.s32 $0x0;
	s20 =	sshll.u32 s5, $0x1;
	s5 =	sadd.s32 s21, s3  }
0x9d: {  	[timem:s7], [sflag:s22] =	dma.local [hbm:s5], s20  }
0x9e: {  	_ =	swait.ge [sflag:s22], s20  }
0x9f: {  	s4 =	ssub.s32 $0x0, s20;
	[sflag:s22] =	ssyncset.done $0x0  }
0xa0: {  	[sflag:s22] =	ssyncadd.s32 s4;
	_ =	sdelay $0x1  }
0xa1: {  	s23 =	simm.s32 $0x1B8B  }
0xa2: {  	_ =	swait.ge [sflag:s23], $0x1  }
0xa3: {  	[sflag:s23] =	ssyncset.done $0x0  }
0xa4: {  	s25 =	simm.s32 $0x1B8E;
	s24 =	sld [smem:$0x3FFE];
	[sflag:s23] =	ssyncadd.s32 $0xFFFFFFFF  }
0xa5: {  	s26 =	simm.s32 $execute0_lowered;
	[smem:$0x3FD2] =	sst s25  }
0xa6: {  	s5 =	sshll.u32 s26, $0x1;
	_ =	strace $0x80000046;
	[dreg:$0x1] =	wrdreg $0xFFFFFFFF  }
0xa7: {  	s28 =	simm.s32 $_size_execute0_lowered;
	s3 =	sadd.s32 s3, s5;
	[dreg:$0x0] =	wrdreg $0x0  }
0xa8: {  	s5 =	sshll.u32 s28, $0x1;
	[dreg:$0x2] =	wrdreg s3  }
0xa9: {  	[dreg:$0x3] =	wrdreg s5  }
0xaa: {  	[dreg:$0x4] =	wrdreg $0xC0  }
0xab: {  	_ =	task [dreg:s7], $0x5FFFF  }
0xac: {  	[dreg:$0x1] =	wrdreg $0xFFFFFFFF  }
0xad: {  	[dreg:$0x0] =	wrdreg $0x60  }
0xae: {  	[dreg:$0x2] =	wrdreg s24  }
0xaf: {  	[dreg:$0x3] =	wrdreg s2  }
0xb0: {  	[dreg:$0x4] =	wrdreg $0xA6000  }
0xb1: {  	[dreg:$0x5] =	wrdreg $0x9  }
0xb2: {  	_ =	task.clear_ibuf [dreg:s7], $0x6FFFF;
	_ =	strace $0x90000046  }
0xb3: {  	s29 =	simm.s32 $0x9;
	_ =	strace $0x80000048  }
0xb4: {  	_ =	swait.ge [sflag:s29], $0x1  }
0xb5: {  	[sflag:s29] =	ssyncadd.s32 $0xFFFFFFFF  }
0xb6: {  	_ =	strace $0x90000048  }
0xb7: {  	_ =	sfence  }
0xb8: {  	s30 =	sld [smem:$0x0];
	_ =	sdelay $0x2  }
0xb9: {  	s31 =	sshll.u32 s1, $0xD;
	s1 =	sshrl.u32 s1, $0x2  }
0xba: {  	s3 =	sand.u32 $0x4000, s31;
	s1 =	sadd.s32 s1, s30  }
0xbb: {  	s0 =	sor.u32 s3, s0;
	s1 =	sshll.u32 s1, $0x11  }
0xbc: {  	s0 =	sor.u32 s1, s0  }
0xbd: {  	s0 =	sadd.s32 $0x8F2B, s0  }
0xbe: {  	[sflag:s0] =	ssyncadd.remote.s32 $0x1  }
0xbf: {  	_ =	sfence.sel $0xFFFF  }
0xc0: {  	[dreg:$0x0] =	wrdreg $0xFFFFFFFF;
	(pc) =	sbr.abs _section_cstart, $3  }
0xc1: {  	[dreg:$0x1] =	wrdreg $0xFFFFFFFF  }
0xc2: {  	_ =	task.clear_ibuf [dreg:s7], $0x2FFFF;
	_ =	strace $0x9FFFFFFF  }
0xc3: {  	(tm) =	ssettm $0x7FFFFFFF  }
tec
execute0_lowered:
.L_overlay_start_1:
0x0: {  	(tag) =	ssettag $0x1  }
0x1: {  	s0 =	rddreg [dreg:$0x0]  }
0x2: {  	s5 =	rddreg [dreg:$0x1]  }
0x3: {  	s2 =	rddreg [dreg:$0x2];
	s4 =	simm.s32 $0x0  }
0x4: {  	s1 =	srdreg.scid;
	s20 =	stileid.u32;
	s28 =	simm.s32 $0x50  }
0x5: {  	s29 =	simm.s32 $0x2E00;
	[smem:$0x7FF] =	sst s4;
	s11 =	smul.u32 $0x14000, s20  }
0x6: {  	s21 =	sadd.s32 $0x2600, s0;
	s22 =	sshrl.u32 s20, $0x2;
	s12 =	smul.u32 $0x4EC0, s20  }
0x7: {  	s10 =	sand.u32 $0x1, s1;
	s19 =	sshll.u32 s20, $0x1;
	s1 =	smul.u32 $0x14000, s22  }
0x8: {  	s13 =	sadd.s32 $0x3F200, s0;
	_ =	strace $0x80000047;
	s16 =	smul.u32 $0x140000, s10  }
0x9: {  	s3 =	sor.u32 s10, s19;
	s7 =	ssub.s32 $0x2, s10;
	s18 =	smul.u32 $0x2760, s10  }
0xa: {  	[dreg:$0xe] =	wrdreg s21;
	s6 =	sshll.u32 s3, $0x7;
	s8 =	sshrl.u32 s7, $0x1  }
0xb: {  	s15 =	smul.u32 $0x2760, s3;
	s3 =	sor.u32 $0x2800, s11;
	s9 =	sadd.s32 $0xC800, s11  }
0xc: {  	s10 =	sadd.s32 $0xF000, s11;
	s6 =	sand.u32 $0x380, s6;
	s17 =	sadd.s32 s16, s11  }
0xd: {  	s23 =	sadd.s32 s16, s3;
	s12 =	sadd.s32 s18, s12;
	s14 =	sor.u32 s1, s6  }
0xe: {  	s1 =	ssub.s32 s7, s8;
	s6 =	sadd.s32 $0x5000, s11;
	s7 =	sadd.s32 $0x7800, s11  }
0xf: {  	s17 =	sshrl.u32 s17, $0x3;
	s19 =	sadd.s32 $0x2D0, s12;
	s22 =	sadd.s32 $0x320, s12  }
0x10: {  	s17 =	sadd.s32 s13, s17;
	s24 =	sadd.s32 s16, s6;
	s26 =	sshrl.u32 s19, $0x3  }
0x11: {  	[dreg:$0xf] =	wrdreg s17;
	s17 =	sshrl.u32 s23, $0x3;
	s19 =	sadd.s32 s26, s21  }
0x12: {  	s25 =	sshrl.u32 s24, $0x3;
	s23 =	sadd.s32 s26, s5;
	[dreg:$0x4] =	wrdreg s19  }
0x13: {  	s24 =	sshrl.u32 s22, $0x3;
	s17 =	sadd.s32 s13, s17;
	[dreg:$0x5] =	wrdreg s23  }
0x14: {  	s8 =	sadd.s32 $0xA000, s11;
	s18 =	sadd.s32 s24, s5;
	[dreg:$0x10] =	wrdreg s17  }
0x15: {  	s26 =	sadd.s32 $0x370, s12;
	s17 =	sadd.s32 s13, s25;
	[dreg:$0x7] =	wrdreg s18  }
0x16: {  	s22 =	sshrl.u32 s26, $0x3;
	s25 =	sadd.s32 s24, s21;
	[dreg:$0x11] =	wrdreg s17  }
0x17: {  	s11 =	sadd.s32 $0x11800, s11;
	s23 =	sadd.s32 s22, s21;
	[dreg:$0x6] =	wrdreg s25  }
0x18: {  	s15 =	sshrl.u32 s15, $0x3;
	s24 =	sadd.s32 $0x280, s12;
	[dreg:$0x8] =	wrdreg s23  }
0x19: {  	s25 =	sadd.s32 s22, s5;
	s26 =	sshrl.u32 s24, $0x3;
	s22 =	sadd.s32 s16, s7  }
0x1a: {  	[dreg:$0x9] =	wrdreg s25;
	s23 =	sadd.s32 s26, s21;
	s19 =	sshrl.u32 s22, $0x3  }
0x1b: {  	s24 =	sadd.s32 s26, s5;
	s25 =	sadd.s32 s16, s8;
	[dreg:$0xa] =	wrdreg s23  }
0x1c: {  	s26 =	sadd.s32 s16, s9;
	[dreg:$0xb] =	wrdreg s24;
	s19 =	sadd.s32 s13, s19  }
0x1d: {  	s18 =	sshrl.u32 s25, $0x3;
	s17 =	sshrl.u32 s26, $0x3;
	s25 =	sadd.s32 $0xA, s15  }
0x1e: {  	[dreg:$0x12] =	wrdreg s19;
	s18 =	sadd.s32 s13, s18;
	s17 =	sadd.s32 s13, s17  }
0x1f: {  	s19 =	sadd.s32 s16, s10;
	s16 =	sadd.s32 s16, s11;
	[dreg:$0x13] =	wrdreg s18  }
0x20: {  	s26 =	sadd.s32 s5, s25;
	[dreg:$0x14] =	wrdreg s17;
	s18 =	sadd.s32 $0x230, s12  }
0x21: {  	[dreg:$0x18] =	wrdreg s26;
	s26 =	sadd.s32 s21, s15;
	s17 =	sshrl.u32 s18, $0x3  }
0x22: {  	s18 =	sshrl.u32 s19, $0x3;
	[dreg:$0x1f] =	wrdreg s26;
	s26 =	sadd.s32 $0x1E0, s12  }
0x23: {  	s16 =	sshrl.u32 s16, $0x3;
	s18 =	sadd.s32 s13, s18;
	[smem:$0x7F5] =	sst s26  }
0x24: {  	s31 =	simm.s32 $0x5600;
	s13 =	sadd.s32 s13, s16;
	[dreg:$0x15] =	wrdreg s18  }
0x25: {  	s30 =	simm.s32 $0x7E00;
	s22 =	sadd.s32 s17, s21;
	[dreg:$0x16] =	wrdreg s13  }
0x26: {  	s23 =	sshrl.u32 s14, $0x3;
	s24 =	sadd.s32 s17, s5;
	[dreg:$0xc] =	wrdreg s22  }
0x27: {  	s14 =	sadd.s32 $0xCC00, s0;
	s17 =	sadd.s32 s21, s25;
	[dreg:$0xd] =	wrdreg s24  }
0x28: {  	s19 =	sadd.s32 $0x1E, s15;
	s25 =	sadd.s32 s5, s15;
	[dreg:$0x19] =	wrdreg s17  }
0x29: {  	s13 =	sadd.s32 s23, s0;
	s0 =	sadd.s32 $0x34C00, s0;
	[dreg:$0x1e] =	wrdreg s25  }
0x2a: {  	s12 =	simm.s32 $0x600;
	s23 =	sadd.s32 s5, s19;
	[dreg:$0x17] =	wrdreg s0  }
0x2b: {  	s16 =	sadd.s32 $0x28, s15;
	s24 =	sadd.s32 s21, s19;
	[dreg:$0x1c] =	wrdreg s23  }
0x2c: {  	s18 =	sadd.s32 $0x14, s15;
	s19 =	sadd.s32 s5, s16;
	[dreg:$0x1d] =	wrdreg s24  }
0x2d: {  	s26 =	simm.s32 $0x1;
	s22 =	sadd.s32 s5, s18;
	[smem:$0x7EF] =	sst s19  }
0x2e: {  	s15 =	sadd.s32 $0x32, s15;
	s0 =	sadd.s32 s21, s18;
	[dreg:$0x1a] =	wrdreg s22  }
0x2f: {  	s18 =	smul.u32 $0x50000, s20;
	s20 =	sadd.s32 s5, s15;
	[dreg:$0x1b] =	wrdreg s0  }
0x30: {  	s25 =	sadd.s32 s8, s2;
	s24 =	smax.u32 s1, $0x1;
	[smem:$0x7F1] =	sst s20  }
0x31: {  	s8 =	simm.s32 $0x7;
	s19 =	sadd.s32 s7, s2;
	[smem:$0x7F4] =	sst s24  }
0x32: {  	s5 =	sadd.s32 s9, s2;
	s7 =	simm.s32 $0x2;
	[smem:$0x7F9] =	sst s19  }
0x33: {  	s9 =	simm.s32 $0x8;
	s0 =	sadd.s32 s21, s16;
	[smem:$0x7FB] =	sst s5  }
0x34: {  	s21 =	sadd.s32 s21, s15;
	s22 =	sadd.s32 $0x35200, s13;
	[smem:$0x7F0] =	sst s0  }
0x35: {  	s24 =	sadd.s32 s6, s2;
	s15 =	sadd.s32 s10, s2;
	[smem:$0x7F2] =	sst s21  }
0x36: {  	s10 =	smov.u32 s25;
	s13 =	simm.s32 $0x9;
	[smem:$0x7F3] =	sst s22  }
0x37: {  	s16 =	simm.s32 $0x80;
	s6 =	simm.s32 $0x6;
	[smem:$0x7F8] =	sst s24  }
0x38: {  	s20 =	simm.s32 $0x0;
	s25 =	simm.s32 $0x100;
	[smem:$0x7FA] =	sst s10  }
0x39: {  	s23 =	sshrl.u32 s18, $0x2;
	s21 =	sadd.s32 s11, s2;
	[smem:$0x7FC] =	sst s15  }
0x3a: {  	s18 =	simm.s32 $0x100;
	s22 =	sadd.s32 s23, s2;
	[smem:$0x7FD] =	sst s21  }
0x3b: {  	s11 =	simm.s32 $0x3;
	s23 =	sadd.s32 s3, s2;
	[smem:$0x7F6] =	sst s22  }
0x3c: {  	v0 =	vimm.f32 $0.0e+00;
	v1 =	vimm.f32 $1.000000000e+00;
	s0 =	simm.s32 $0x4;
	s3 =	simm.s32 $0x5;
	[smem:$0x7F7] =	sst s23  }
.LBB2_1:
0x3d: {  	[smem:$0x7EE] =	sst s20  }
0x3e: {  	s1 =	rddreg [dreg:$0x17]  }
0x3f: {  	[tilespmem:s12], [sflag:$0x9] =	stream.linear.gather [hbm4b:s1+s4], $0x2800, $0x38;
	[tilespmem:$0x1E600] =	vst v63  }
0x40: {  	_ =	swait.ge [sflag:s13], $0x2800  }
0x41: {  	[sflag:s13] =	ssyncset.done $0x0  }
0x42: {  	[sflag:s13] =	ssyncadd.s32 $0xFFFFD800  }
0x43: {  	[spmem:s22] =	stream.linear.scatter [tilespmem:s12], [sflag:$0x9], $0x2800, $0x38;
	[tilespmem:$0x1E600] =	vst v63  }
0x44: {  	_ =	swait.ge [sflag:s13], $0x2800  }
0x45: {  	[sflag:s13] =	ssyncset.done $0x0  }
0x46: {  	[sflag:s13] =	ssyncadd.s32 $0xFFFFD800  }
0x47: {  	[spmem:s23] =	stream.linear.scatter [tilespmem:s12], [sflag:$0x9], $0x2800, $0x38;
	[tilespmem:$0x1E600] =	vst v63  }
0x48: {  	_ =	swait.ge [sflag:s13], $0x2800  }
0x49: {  	[sflag:s13] =	ssyncset.done $0x0  }
0x4a: {  	[sflag:s13] =	ssyncadd.s32 $0xFFFFD800  }
0x4b: {  	[spmem:s24] =	stream.linear.scatter [tilespmem:s12], [sflag:$0x9], $0x2800, $0x38;
	[tilespmem:$0x1E600] =	vst v63  }
0x4c: {  	_ =	swait.ge [sflag:s13], $0x2800  }
0x4d: {  	[sflag:s13] =	ssyncset.done $0x0  }
0x4e: {  	[sflag:s13] =	ssyncadd.s32 $0xFFFFD800  }
0x4f: {  	[spmem:s19] =	stream.linear.scatter [tilespmem:s12], [sflag:$0x9], $0x2800, $0x38;
	[tilespmem:$0x1E600] =	vst v63  }
0x50: {  	_ =	swait.ge [sflag:s13], $0x2800  }
0x51: {  	[sflag:s13] =	ssyncset.done $0x0  }
0x52: {  	[sflag:s13] =	ssyncadd.s32 $0xFFFFD800  }
0x53: {  	[spmem:s10] =	stream.linear.scatter [tilespmem:s12], [sflag:$0x9], $0x2800, $0x38;
	[tilespmem:$0x1E600] =	vst v63  }
0x54: {  	_ =	swait.ge [sflag:s13], $0x2800  }
0x55: {  	[sflag:s13] =	ssyncset.done $0x0  }
0x56: {  	[sflag:s13] =	ssyncadd.s32 $0xFFFFD800  }
0x57: {  	[spmem:s5] =	stream.linear.scatter [tilespmem:s12], [sflag:$0x9], $0x2800, $0x38;
	[tilespmem:$0x1E600] =	vst v63  }
0x58: {  	_ =	swait.ge [sflag:s13], $0x2800  }
0x59: {  	[sflag:s13] =	ssyncset.done $0x0  }
0x5a: {  	[sflag:s13] =	ssyncadd.s32 $0xFFFFD800  }
0x5b: {  	[spmem:s15] =	stream.linear.scatter [tilespmem:s12], [sflag:$0x9], $0x2800, $0x38;
	[tilespmem:$0x1E600] =	vst v63  }
0x5c: {  	_ =	swait.ge [sflag:s13], $0x2800  }
0x5d: {  	[sflag:s13] =	ssyncset.done $0x0  }
0x5e: {  	[sflag:s13] =	ssyncadd.s32 $0xFFFFD800  }
0x5f: {  	[spmem:s21] =	stream.linear.scatter [tilespmem:s12], [sflag:$0x9], $0x2800, $0x38;
	[tilespmem:$0x1E600] =	vst v63  }
0x60: {  	_ =	swait.ge [sflag:s13], $0x2800  }
0x61: {  	[sflag:s13] =	ssyncset.done $0x0  }
0x62: {  	s1 =	simm.s32 $0x40;
	s10 =	simm.s32 $0x0;
	[sflag:s13] =	ssyncadd.s32 $0xFFFFD800  }
.LBB2_2:
0x63: {  	p0 =	sne.s32 s1, $0x9FC0;
	[tilespmem:s10+$0x7E00] =	vst v0;
	s10 =	smov.u32 s1;
	s1 =	sadd.s32 $0x40, s1  }
.Ltmp0:
0x64: {  	(pc) =	sbr.rel @p0 .LBB2_2-.Ltmp0, $2  }
0x65: {  	_ =	sdelay $0x2  }
0x66: {  	s10 =	sshra.s32 s10, $0x2  }
0x67: {  	[tilespmem:s10+$0x7E00] =	vst v0  }
0x68: {  	[bflag:$0x0] =	sbarrier.arrive $0xFFFF  }
0x69: {  	s1 =	rddreg [dreg:$0x1e]  }
0x6a: {  	s10 =	simm.s32 $0x0;
	s20 =	rddreg [dreg:$0x1f]  }
0x6b: {  	[tilespmem:s10], [sflag:$0x1] =	stream.linear.gather [hbm4b:s1+s10], $0x50, $0x38;
	[tilespmem:$0x1E600] =	vst v63  }
0x6c: {  	s5 =	simm.s32 $0x180;
	s21 =	rddreg [dreg:$0x18]  }
0x6d: {  	[tilespmem:s5], [sflag:$0x1] =	stream.linear.gather [hbm4b:s20+s10], $0x50, $0x38;
	[tilespmem:$0x1E600] =	vst v63  }
0x6e: {  	s22 =	rddreg [dreg:$0x19]  }
0x6f: {  	[tilespmem:s16], [sflag:$0x1] =	stream.linear.gather [hbm4b:s21+s10], $0x50, $0x38;
	[tilespmem:$0x1E600] =	vst v63  }
0x70: {  	s23 =	simm.s32 $0x200;
	s24 =	rddreg [dreg:$0x1a]  }
0x71: {  	[tilespmem:s23], [sflag:$0x1] =	stream.linear.gather [hbm4b:s22+s10], $0x50, $0x38;
	[tilespmem:$0x1E600] =	vst v63  }
0x72: {  	s15 =	rddreg [dreg:$0x1c]  }
0x73: {  	[tilespmem:s18], [sflag:$0x1] =	stream.linear.gather [hbm4b:s24+s10], $0x50, $0x38;
	[tilespmem:$0x1E600] =	vst v63  }
0x74: {  	s13 =	simm.s32 $0x280;
	s5 =	rddreg [dreg:$0x1b]  }
0x75: {  	[tilespmem:s13], [sflag:$0x1] =	stream.linear.gather [hbm4b:s5+s10], $0x50, $0x38;
	[tilespmem:$0x1E600] =	vst v63  }
0x76: {  	s17 =	rddreg [dreg:$0x1d];
	s16 =	simm.s32 $0x300  }
0x77: {  	[tilespmem:s16], [sflag:$0x2] =	stream.linear.gather [hbm4b:s15+s10], $0x50, $0x38;
	[tilespmem:$0x1E600] =	vst v63  }
0x78: {  	s19 =	sld [smem:$0x7EF];
	s18 =	simm.s32 $0x480  }
0x79: {  	[tilespmem:s18], [sflag:$0x2] =	stream.linear.gather [hbm4b:s17+s10], $0x50, $0x38;
	[tilespmem:$0x1E600] =	vst v63  }
0x7a: {  	s21 =	sld [smem:$0x7F0];
	s16 =	simm.s32 $0x380  }
0x7b: {  	[tilespmem:s16], [sflag:$0x2] =	stream.linear.gather [hbm4b:s19+s10], $0x50, $0x38;
	[tilespmem:$0x1E600] =	vst v63  }
0x7c: {  	s22 =	sld [smem:$0x7F1];
	s13 =	simm.s32 $0x500  }
0x7d: {  	[tilespmem:s13], [sflag:$0x2] =	stream.linear.gather [hbm4b:s21+s10], $0x50, $0x38;
	[tilespmem:$0x1E600] =	vst v63  }
0x7e: {  	s23 =	sld [smem:$0x7F2];
	s15 =	simm.s32 $0x400  }
0x7f: {  	[tilespmem:s15], [sflag:$0x2] =	stream.linear.gather [hbm4b:s22+s10], $0x50, $0x38;
	[tilespmem:$0x1E600] =	vst v63  }
0x80: {  	s24 =	simm.s32 $0x580  }
0x81: {  	[tilespmem:s24], [sflag:$0x2] =	stream.linear.gather [hbm4b:s23+s10], $0x50, $0x38;
	[tilespmem:$0x1E600] =	vst v63  }
0x82: {  	_ =	swait.ge [sflag:s26], $0x50  }
0x83: {  	[sflag:s26] =	ssyncset.done $0x0  }
0x84: {  	[sflag:s26] =	ssyncadd.s32 $0xFFFFFFB0  }
0x85: {  	_ =	swait.ge [sflag:s26], $0x50  }
0x86: {  	[sflag:s26] =	ssyncset.done $0x0  }
0x87: {  	[sflag:s26] =	ssyncadd.s32 $0xFFFFFFB0  }
0x88: {  	[tilespmem:s12], [sflag:$0x3] =	stream.indirect.gather [hbm4b:s14+s28], $0x80, s10, s28, $0xb8;
	[tilespmem:$0x1E600] =	vst v63  }
0x89: {  	_ =	swait.ge [sflag:s26], $0x50  }
0x8a: {  	[sflag:s26] =	ssyncset.done $0x0  }
0x8b: {  	[sflag:s26] =	ssyncadd.s32 $0xFFFFFFB0  }
0x8c: {  	_ =	swait.ge [sflag:s26], $0x50  }
0x8d: {  	[sflag:s26] =	ssyncset.done $0x0  }
0x8e: {  	s20 =	simm.s32 $0x80;
	[sflag:s26] =	ssyncadd.s32 $0xFFFFFFB0  }
0x8f: {  	[tilespmem:s29], [sflag:$0x4] =	stream.indirect.gather [hbm4b:s14+s28], $0x80, s20, s28, $0xb8;
	[tilespmem:$0x1E600] =	vst v63  }
0x90: {  	_ =	swait.ge [sflag:s26], $0x50  }
0x91: {  	[sflag:s26] =	ssyncset.done $0x0  }
0x92: {  	[sflag:s26] =	ssyncadd.s32 $0xFFFFFFB0  }
0x93: {  	_ =	swait.ge [sflag:s26], $0x50  }
0x94: {  	[sflag:s26] =	ssyncset.done $0x0;
	s1 =	sld [smem:$0x7F5]  }
0x95: {  	s19 =	rddreg [dreg:$0xe];
	[sflag:s26] =	ssyncadd.s32 $0xFFFFFFB0  }
0x96: {  	[tilespmem:s31], [sflag:$0x5] =	stream.indirect.gather [hbm4b:s14+s28], $0x80, s25, s28, $0xb8;
	[tilespmem:$0x1E600] =	vst v63  }
.LBB2_4:
0x97: {  	_ =	swait.ge [sflag:s11], $0x2800  }
0x98: {  	[sflag:s11] =	ssyncset.done $0x0  }
0x99: {  	s17 =	simm.s32 $0x180;
	[sflag:s11] =	ssyncadd.s32 $0xFFFFD800  }
0x9a: {  	[spmem:s2] =	stream.indirect.scatter.add.f32 [tilespmem:s12], [sflag:$0x6], $0x80, s17, s28, $0xb8;
	[tilespmem:$0x1E600] =	vst v63  }
0x9b: {  	v2 =	vld [tilespmem:$0x180];
	_ =	sdelay $0x7  }
0x9c: {  	[tilespmem:v2+s30+$0x0] =	vst.idx.add.f32.msk $0xffff, v1  }
0x9d: {  	v2 =	vld [tilespmem:$0x190];
	_ =	sdelay $0x7  }
0x9e: {  	[tilespmem:v2+s30+$0x0] =	vst.idx.add.f32.msk $0xffff, v1  }
0x9f: {  	v2 =	vld [tilespmem:$0x1A0];
	_ =	sdelay $0x7  }
0xa0: {  	[tilespmem:v2+s30+$0x0] =	vst.idx.add.f32.msk $0xffff, v1  }
0xa1: {  	v2 =	vld [tilespmem:$0x1B0];
	_ =	sdelay $0x7  }
0xa2: {  	[tilespmem:v2+s30+$0x0] =	vst.idx.add.f32.msk $0xffff, v1  }
0xa3: {  	v2 =	vld [tilespmem:$0x1C0];
	_ =	sdelay $0x7  }
0xa4: {  	[tilespmem:v2+s30+$0x0] =	vst.idx.add.f32.msk $0xffff, v1  }
0xa5: {  	_ =	swait.ge [sflag:s0], $0x2800  }
0xa6: {  	[sflag:s0] =	ssyncset.done $0x0  }
0xa7: {  	s22 =	simm.s32 $0x200;
	[sflag:s0] =	ssyncadd.s32 $0xFFFFD800  }
0xa8: {  	[spmem:s2] =	stream.indirect.scatter.add.f32 [tilespmem:s29], [sflag:$0x7], $0x80, s22, s28, $0xb8;
	[tilespmem:$0x1E600] =	vst v63  }
0xa9: {  	v2 =	vld [tilespmem:$0x200];
	_ =	sdelay $0x7  }
0xaa: {  	[tilespmem:v2+s30+$0x0] =	vst.idx.add.f32.msk $0xffff, v1  }
0xab: {  	v2 =	vld [tilespmem:$0x210];
	_ =	sdelay $0x7  }
0xac: {  	[tilespmem:v2+s30+$0x0] =	vst.idx.add.f32.msk $0xffff, v1  }
0xad: {  	v2 =	vld [tilespmem:$0x220];
	_ =	sdelay $0x7  }
0xae: {  	[tilespmem:v2+s30+$0x0] =	vst.idx.add.f32.msk $0xffff, v1  }
0xaf: {  	v2 =	vld [tilespmem:$0x230];
	_ =	sdelay $0x7  }
0xb0: {  	[tilespmem:v2+s30+$0x0] =	vst.idx.add.f32.msk $0xffff, v1  }
0xb1: {  	v2 =	vld [tilespmem:$0x240];
	_ =	sdelay $0x7  }
0xb2: {  	[tilespmem:v2+s30+$0x0] =	vst.idx.add.f32.msk $0xffff, v1  }
0xb3: {  	_ =	swait.ge [sflag:s3], $0x2800  }
0xb4: {  	[sflag:s3] =	ssyncset.done $0x0  }
0xb5: {  	s23 =	simm.s32 $0x280;
	[sflag:s3] =	ssyncadd.s32 $0xFFFFD800  }
0xb6: {  	[spmem:s2] =	stream.indirect.scatter.add.f32 [tilespmem:s31], [sflag:$0x8], $0x80, s23, s28, $0xb8;
	[tilespmem:$0x1E600] =	vst v63  }
0xb7: {  	v2 =	vld [tilespmem:$0x280];
	_ =	sdelay $0x7  }
0xb8: {  	[tilespmem:v2+s30+$0x0] =	vst.idx.add.f32.msk $0xffff, v1  }
0xb9: {  	v2 =	vld [tilespmem:$0x290];
	_ =	sdelay $0x7  }
0xba: {  	[tilespmem:v2+s30+$0x0] =	vst.idx.add.f32.msk $0xffff, v1  }
0xbb: {  	v2 =	vld [tilespmem:$0x2A0];
	_ =	sdelay $0x7  }
0xbc: {  	[tilespmem:v2+s30+$0x0] =	vst.idx.add.f32.msk $0xffff, v1  }
0xbd: {  	v2 =	vld [tilespmem:$0x2B0];
	_ =	sdelay $0x7  }
0xbe: {  	[tilespmem:v2+s30+$0x0] =	vst.idx.add.f32.msk $0xffff, v1  }
0xbf: {  	v2 =	vld [tilespmem:$0x2C0];
	_ =	sdelay $0x7  }
0xc0: {  	[tilespmem:v2+s30+$0x0] =	vst.idx.add.f32.msk $0xffff, v1  }
0xc1: {  	_ =	swait.ge [sflag:s6], $0x2800  }
0xc2: {  	[sflag:s6] =	ssyncset.done $0x0  }
0xc3: {  	[sflag:s6] =	ssyncadd.s32 $0xFFFFD800  }
0xc4: {  	_ =	swait.ge [sflag:s7], $0x50  }
0xc5: {  	[sflag:s7] =	ssyncset.done $0x0  }
0xc6: {  	[sflag:s7] =	ssyncadd.s32 $0xFFFFFFB0  }
0xc7: {  	_ =	swait.ge [sflag:s7], $0x50  }
0xc8: {  	[sflag:s7] =	ssyncset.done $0x0  }
0xc9: {  	s18 =	simm.s32 $0x300;
	[sflag:s7] =	ssyncadd.s32 $0xFFFFFFB0  }
0xca: {  	[tilespmem:s12], [sflag:$0x3] =	stream.indirect.gather [hbm4b:s14+s28], $0x80, s18, s28, $0xb8;
	[tilespmem:$0x1E600] =	vst v63  }
0xcb: {  	_ =	swait.ge [sflag:s8], $0x2800  }
0xcc: {  	[sflag:s8] =	ssyncset.done $0x0  }
0xcd: {  	[sflag:s8] =	ssyncadd.s32 $0xFFFFD800  }
0xce: {  	_ =	swait.ge [sflag:s7], $0x50  }
0xcf: {  	[sflag:s7] =	ssyncset.done $0x0  }
0xd0: {  	[sflag:s7] =	ssyncadd.s32 $0xFFFFFFB0  }
0xd1: {  	_ =	swait.ge [sflag:s7], $0x50  }
0xd2: {  	[sflag:s7] =	ssyncset.done $0x0  }
0xd3: {  	[sflag:s7] =	ssyncadd.s32 $0xFFFFFFB0  }
0xd4: {  	[tilespmem:s29], [sflag:$0x4] =	stream.indirect.gather [hbm4b:s14+s28], $0x80, s16, s28, $0xb8;
	[tilespmem:$0x1E600] =	vst v63  }
0xd5: {  	_ =	swait.ge [sflag:s9], $0x2800  }
0xd6: {  	[sflag:s9] =	ssyncset.done $0x0  }
0xd7: {  	[sflag:s9] =	ssyncadd.s32 $0xFFFFD800  }
0xd8: {  	_ =	swait.ge [sflag:s7], $0x50  }
0xd9: {  	[sflag:s7] =	ssyncset.done $0x0  }
0xda: {  	[sflag:s7] =	ssyncadd.s32 $0xFFFFFFB0  }
0xdb: {  	_ =	swait.ge [sflag:s7], $0x50  }
0xdc: {  	[sflag:s7] =	ssyncset.done $0x0  }
0xdd: {  	s21 =	simm.s32 $0x400;
	[sflag:s7] =	ssyncadd.s32 $0xFFFFFFB0  }
0xde: {  	[tilespmem:s31], [sflag:$0x5] =	stream.indirect.gather [hbm4b:s14+s28], $0x80, s21, s28, $0xb8;
	[tilespmem:$0x1E600] =	vst v63  }
0xdf: {  	s5 =	sshrl.u32 s1, $0x3;
	s15 =	rddreg [dreg:$0x1]  }
0xe0: {  	s15 =	sadd.s32 s15, s5  }
0xe1: {  	[tilespmem:s4], [sflag:$0x1] =	stream.linear.gather [hbm4b:s15+s4], $0x50, $0x38;
	[tilespmem:$0x1E600] =	vst v63  }
0xe2: {  	s20 =	rddreg [dreg:$0xd];
	s5 =	sadd.s32 s19, s5  }
0xe3: {  	[tilespmem:s17], [sflag:$0x1] =	stream.linear.gather [hbm4b:s5+s4], $0x50, $0x38;
	[tilespmem:$0x1E600] =	vst v63  }
0xe4: {  	s15 =	sadd.s32 s10, s20;
	s20 =	simm.s32 $0x80;
	s17 =	rddreg [dreg:$0xc]  }
0xe5: {  	[tilespmem:s20], [sflag:$0x1] =	stream.linear.gather [hbm4b:s15+s4], $0x50, $0x38;
	[tilespmem:$0x1E600] =	vst v63  }
0xe6: {  	s5 =	sadd.s32 s10, s17;
	s15 =	rddreg [dreg:$0xb]  }
0xe7: {  	[tilespmem:s22], [sflag:$0x1] =	stream.linear.gather [hbm4b:s5+s4], $0x50, $0x38;
	[tilespmem:$0x1E600] =	vst v63  }
0xe8: {  	s17 =	rddreg [dreg:$0xa];
	s15 =	sadd.s32 s10, s15  }
0xe9: {  	[tilespmem:s25], [sflag:$0x1] =	stream.linear.gather [hbm4b:s15+s4], $0x50, $0x38;
	[tilespmem:$0x1E600] =	vst v63  }
0xea: {  	s5 =	sadd.s32 s10, s17  }
0xeb: {  	[tilespmem:s23], [sflag:$0x1] =	stream.linear.gather [hbm4b:s5+s4], $0x50, $0x38;
	[tilespmem:$0x1E600] =	vst v63  }
0xec: {  	_ =	swait.ge [sflag:s11], $0x2800  }
0xed: {  	[sflag:s11] =	ssyncset.done $0x0  }
0xee: {  	s22 =	simm.s32 $0x480;
	[sflag:s11] =	ssyncadd.s32 $0xFFFFD800  }
0xef: {  	[spmem:s2] =	stream.indirect.scatter.add.f32 [tilespmem:s12], [sflag:$0x6], $0x80, s22, s28, $0xb8;
	[tilespmem:$0x1E600] =	vst v63  }
0xf0: {  	v2 =	vld [tilespmem:$0x480];
	_ =	sdelay $0x7  }
0xf1: {  	[tilespmem:v2+s30+$0x0] =	vst.idx.add.f32.msk $0xffff, v1  }
0xf2: {  	v2 =	vld [tilespmem:$0x490];
	_ =	sdelay $0x7  }
0xf3: {  	[tilespmem:v2+s30+$0x0] =	vst.idx.add.f32.msk $0xffff, v1  }
0xf4: {  	v2 =	vld [tilespmem:$0x4A0];
	_ =	sdelay $0x7  }
0xf5: {  	[tilespmem:v2+s30+$0x0] =	vst.idx.add.f32.msk $0xffff, v1  }
0xf6: {  	v2 =	vld [tilespmem:$0x4B0];
	_ =	sdelay $0x7  }
0xf7: {  	[tilespmem:v2+s30+$0x0] =	vst.idx.add.f32.msk $0xffff, v1  }
0xf8: {  	v2 =	vld [tilespmem:$0x4C0];
	_ =	sdelay $0x7  }
0xf9: {  	[tilespmem:v2+s30+$0x0] =	vst.idx.add.f32.msk $0xffff, v1  }
0xfa: {  	_ =	swait.ge [sflag:s0], $0x2800  }
0xfb: {  	[sflag:s0] =	ssyncset.done $0x0  }
0xfc: {  	[sflag:s0] =	ssyncadd.s32 $0xFFFFD800  }
0xfd: {  	[spmem:s2] =	stream.indirect.scatter.add.f32 [tilespmem:s29], [sflag:$0x7], $0x80, s13, s28, $0xb8;
	[tilespmem:$0x1E600] =	vst v63  }
0xfe: {  	v2 =	vld [tilespmem:$0x500];
	_ =	sdelay $0x7  }
0xff: {  	[tilespmem:v2+s30+$0x0] =	vst.idx.add.f32.msk $0xffff, v1  }
0x100: {  	v2 =	vld [tilespmem:$0x510];
	_ =	sdelay $0x7  }
0x101: {  	[tilespmem:v2+s30+$0x0] =	vst.idx.add.f32.msk $0xffff, v1  }
0x102: {  	v2 =	vld [tilespmem:$0x520];
	_ =	sdelay $0x7  }
0x103: {  	[tilespmem:v2+s30+$0x0] =	vst.idx.add.f32.msk $0xffff, v1  }
0x104: {  	v2 =	vld [tilespmem:$0x530];
	_ =	sdelay $0x7  }
0x105: {  	[tilespmem:v2+s30+$0x0] =	vst.idx.add.f32.msk $0xffff, v1  }
0x106: {  	v2 =	vld [tilespmem:$0x540];
	_ =	sdelay $0x7  }
0x107: {  	[tilespmem:v2+s30+$0x0] =	vst.idx.add.f32.msk $0xffff, v1  }
0x108: {  	_ =	swait.ge [sflag:s3], $0x2800  }
0x109: {  	[sflag:s3] =	ssyncset.done $0x0  }
0x10a: {  	[sflag:s3] =	ssyncadd.s32 $0xFFFFD800  }
0x10b: {  	[spmem:s2] =	stream.indirect.scatter.add.f32 [tilespmem:s31], [sflag:$0x8], $0x80, s24, s28, $0xb8;
	[tilespmem:$0x1E600] =	vst v63  }
0x10c: {  	v2 =	vld [tilespmem:$0x580];
	_ =	sdelay $0x7  }
0x10d: {  	[tilespmem:v2+s30+$0x0] =	vst.idx.add.f32.msk $0xffff, v1  }
0x10e: {  	v2 =	vld [tilespmem:$0x590];
	_ =	sdelay $0x7  }
0x10f: {  	[tilespmem:v2+s30+$0x0] =	vst.idx.add.f32.msk $0xffff, v1  }
0x110: {  	v2 =	vld [tilespmem:$0x5A0];
	_ =	sdelay $0x7  }
0x111: {  	[tilespmem:v2+s30+$0x0] =	vst.idx.add.f32.msk $0xffff, v1  }
0x112: {  	v2 =	vld [tilespmem:$0x5B0];
	_ =	sdelay $0x7  }
0x113: {  	[tilespmem:v2+s30+$0x0] =	vst.idx.add.f32.msk $0xffff, v1  }
0x114: {  	v2 =	vld [tilespmem:$0x5C0];
	_ =	sdelay $0x7  }
0x115: {  	[tilespmem:v2+s30+$0x0] =	vst.idx.add.f32.msk $0xffff, v1  }
0x116: {  	_ =	swait.ge [sflag:s6], $0x2800  }
0x117: {  	[sflag:s6] =	ssyncset.done $0x0  }
0x118: {  	[sflag:s6] =	ssyncadd.s32 $0xFFFFD800  }
0x119: {  	_ =	swait.ge [sflag:s26], $0x50  }
0x11a: {  	[sflag:s26] =	ssyncset.done $0x0  }
0x11b: {  	[sflag:s26] =	ssyncadd.s32 $0xFFFFFFB0  }
0x11c: {  	_ =	swait.ge [sflag:s26], $0x50  }
0x11d: {  	[sflag:s26] =	ssyncset.done $0x0  }
0x11e: {  	[sflag:s26] =	ssyncadd.s32 $0xFFFFFFB0  }
0x11f: {  	[tilespmem:s12], [sflag:$0x3] =	stream.indirect.gather [hbm4b:s14+s28], $0x80, s4, s28, $0xb8;
	[tilespmem:$0x1E600] =	vst v63  }
0x120: {  	_ =	swait.ge [sflag:s8], $0x2800  }
0x121: {  	[sflag:s8] =	ssyncset.done $0x0  }
0x122: {  	[sflag:s8] =	ssyncadd.s32 $0xFFFFD800  }
0x123: {  	_ =	swait.ge [sflag:s26], $0x50  }
0x124: {  	[sflag:s26] =	ssyncset.done $0x0  }
0x125: {  	[sflag:s26] =	ssyncadd.s32 $0xFFFFFFB0  }
0x126: {  	_ =	swait.ge [sflag:s26], $0x50  }
0x127: {  	[sflag:s26] =	ssyncset.done $0x0  }
0x128: {  	[sflag:s26] =	ssyncadd.s32 $0xFFFFFFB0  }
0x129: {  	[tilespmem:s29], [sflag:$0x4] =	stream.indirect.gather [hbm4b:s14+s28], $0x80, s20, s28, $0xb8;
	[tilespmem:$0x1E600] =	vst v63  }
0x12a: {  	_ =	swait.ge [sflag:s9], $0x2800  }
0x12b: {  	[sflag:s9] =	ssyncset.done $0x0  }
0x12c: {  	[sflag:s9] =	ssyncadd.s32 $0xFFFFD800  }
0x12d: {  	_ =	swait.ge [sflag:s26], $0x50  }
0x12e: {  	[sflag:s26] =	ssyncset.done $0x0  }
0x12f: {  	[sflag:s26] =	ssyncadd.s32 $0xFFFFFFB0  }
0x130: {  	_ =	swait.ge [sflag:s26], $0x50  }
0x131: {  	[sflag:s26] =	ssyncset.done $0x0  }
0x132: {  	s20 =	rddreg [dreg:$0x5];
	[sflag:s26] =	ssyncadd.s32 $0xFFFFFFB0  }
0x133: {  	[tilespmem:s31], [sflag:$0x5] =	stream.indirect.gather [hbm4b:s14+s28], $0x80, s25, s28, $0xb8;
	[tilespmem:$0x1E600] =	vst v63  }
0x134: {  	s23 =	rddreg [dreg:$0x4];
	s5 =	sadd.s32 s10, s20  }
0x135: {  	[tilespmem:s18], [sflag:$0x2] =	stream.linear.gather [hbm4b:s5+s4], $0x50, $0x38;
	[tilespmem:$0x1E600] =	vst v63  }
0x136: {  	s15 =	sadd.s32 s10, s23;
	s18 =	rddreg [dreg:$0x7]  }
0x137: {  	[tilespmem:s22], [sflag:$0x2] =	stream.linear.gather [hbm4b:s15+s4], $0x50, $0x38;
	[tilespmem:$0x1E600] =	vst v63  }
0x138: {  	s20 =	rddreg [dreg:$0x6];
	s15 =	sadd.s32 s10, s18  }
0x139: {  	[tilespmem:s16], [sflag:$0x2] =	stream.linear.gather [hbm4b:s15+s4], $0x50, $0x38;
	[tilespmem:$0x1E600] =	vst v63  }
0x13a: {  	p0 =	sne.s32 s10, $0x4B0;
	s5 =	sadd.s32 s10, s20  }
0x13b: {  	[tilespmem:s13], [sflag:$0x2] =	stream.linear.gather [hbm4b:s5+s4], $0x50, $0x38;
	[tilespmem:$0x1E600] =	vst v63  }
.Ltmp1:
0x13c: {  	s1 =	sadd.s32 $0x1E0, s1;
	s22 =	rddreg [dreg:$0x9];
	(pc) =	sbr.rel @p0 .LBB2_4-.Ltmp1, $4  }
0x13d: {  	s17 =	simm.s32 $0x80;
	s23 =	rddreg [dreg:$0x8];
	s15 =	sadd.s32 s10, s22  }
0x13e: {  	[tilespmem:s21], [sflag:$0x2] =	stream.linear.gather [hbm4b:s15+s4], $0x50, $0x38;
	[tilespmem:$0x1E600] =	vst v63  }
0x13f: {  	s20 =	simm.s32 $0x400;
	s5 =	sadd.s32 s10, s23;
	s10 =	sadd.s32 $0x3C, s10  }
0x140: {  	[tilespmem:s24], [sflag:$0x2] =	stream.linear.gather [hbm4b:s5+s4], $0x50, $0x38;
	[tilespmem:$0x1E600] =	vst v63  }
0x141: {  	_ =	swait.ge [sflag:s11], $0x2800  }
0x142: {  	[sflag:s11] =	ssyncset.done $0x0  }
0x143: {  	[sflag:s11] =	ssyncadd.s32 $0xFFFFD800  }
0x144: {  	_ =	swait.ge [sflag:s7], $0x50  }
0x145: {  	[sflag:s7] =	ssyncset.done $0x0  }
0x146: {  	[sflag:s7] =	ssyncadd.s32 $0xFFFFFFB0  }
0x147: {  	_ =	swait.ge [sflag:s7], $0x50  }
0x148: {  	[sflag:s7] =	ssyncset.done $0x0  }
0x149: {  	[sflag:s7] =	ssyncadd.s32 $0xFFFFFFB0  }
0x14a: {  	_ =	swait.ge [sflag:s0], $0x2800  }
0x14b: {  	[sflag:s0] =	ssyncset.done $0x0  }
0x14c: {  	[sflag:s0] =	ssyncadd.s32 $0xFFFFD800  }
0x14d: {  	_ =	swait.ge [sflag:s7], $0x50  }
0x14e: {  	[sflag:s7] =	ssyncset.done $0x0  }
0x14f: {  	[sflag:s7] =	ssyncadd.s32 $0xFFFFFFB0  }
0x150: {  	_ =	swait.ge [sflag:s7], $0x50  }
0x151: {  	[sflag:s7] =	ssyncset.done $0x0  }
0x152: {  	[sflag:s7] =	ssyncadd.s32 $0xFFFFFFB0  }
0x153: {  	_ =	swait.ge [sflag:s3], $0x2800  }
0x154: {  	[sflag:s3] =	ssyncset.done $0x0  }
0x155: {  	[sflag:s3] =	ssyncadd.s32 $0xFFFFD800  }
0x156: {  	_ =	swait.ge [sflag:s7], $0x50  }
0x157: {  	[sflag:s7] =	ssyncset.done $0x0  }
0x158: {  	[sflag:s7] =	ssyncadd.s32 $0xFFFFFFB0  }
0x159: {  	_ =	swait.ge [sflag:s7], $0x50  }
0x15a: {  	[sflag:s7] =	ssyncset.done $0x0  }
0x15b: {  	[sflag:s7] =	ssyncadd.s32 $0xFFFFFFB0  }
0x15c: {  	[bflag:$0x0] =	sbarrier.arrive $0xFFFF  }
0x15d: {  	s22 =	sld [smem:$0x7F6];
	_ =	sdelay $0x1  }
0x15e: {  	s13 =	simm.s32 $0x9  }
0x15f: {  	[tilespmem:s12], [sflag:$0x9] =	stream.linear.gather [spmem:s22], $0x2800, $0x38;
	[tilespmem:$0x1E600] =	vst v63  }
0x160: {  	_ =	swait.ge [sflag:s13], $0x2800  }
0x161: {  	[sflag:s13] =	ssyncset.done $0x0  }
0x162: {  	s1 =	rddreg [dreg:$0xf];
	[sflag:s13] =	ssyncadd.s32 $0xFFFFD800  }
0x163: {  	[hbm4b:s1+s4] =	stream.linear.scatter [tilespmem:s12], [sflag:$0x9], $0x2800, $0x38;
	[tilespmem:$0x1E600] =	vst v63  }
0x164: {  	_ =	swait.ge [sflag:s13], $0x2800  }
0x165: {  	s23 =	sld [smem:$0x7F7]  }
0x166: {  	[sflag:s13] =	ssyncset.done $0x0  }
0x167: {  	[sflag:s13] =	ssyncadd.s32 $0xFFFFD800  }
0x168: {  	[tilespmem:s12], [sflag:$0x9] =	stream.linear.gather [spmem:s23], $0x2800, $0x38;
	[tilespmem:$0x1E600] =	vst v63  }
0x169: {  	_ =	swait.ge [sflag:s13], $0x2800  }
0x16a: {  	[sflag:s13] =	ssyncset.done $0x0  }
0x16b: {  	s18 =	rddreg [dreg:$0x10];
	[sflag:s13] =	ssyncadd.s32 $0xFFFFD800  }
0x16c: {  	[hbm4b:s18+s4] =	stream.linear.scatter [tilespmem:s12], [sflag:$0x9], $0x2800, $0x38;
	[tilespmem:$0x1E600] =	vst v63  }
0x16d: {  	_ =	swait.ge [sflag:s13], $0x2800  }
0x16e: {  	s24 =	sld [smem:$0x7F8]  }
0x16f: {  	[sflag:s13] =	ssyncset.done $0x0  }
0x170: {  	[sflag:s13] =	ssyncadd.s32 $0xFFFFD800  }
0x171: {  	[tilespmem:s12], [sflag:$0x9] =	stream.linear.gather [spmem:s24], $0x2800, $0x38;
	[tilespmem:$0x1E600] =	vst v63  }
0x172: {  	_ =	swait.ge [sflag:s13], $0x2800  }
0x173: {  	[sflag:s13] =	ssyncset.done $0x0  }
0x174: {  	s19 =	rddreg [dreg:$0x11];
	[sflag:s13] =	ssyncadd.s32 $0xFFFFD800  }
0x175: {  	[hbm4b:s19+s4] =	stream.linear.scatter [tilespmem:s12], [sflag:$0x9], $0x2800, $0x38;
	[tilespmem:$0x1E600] =	vst v63  }
0x176: {  	_ =	swait.ge [sflag:s13], $0x2800  }
0x177: {  	s19 =	sld [smem:$0x7F9]  }
0x178: {  	[sflag:s13] =	ssyncset.done $0x0  }
0x179: {  	[sflag:s13] =	ssyncadd.s32 $0xFFFFD800  }
0x17a: {  	[tilespmem:s12], [sflag:$0x9] =	stream.linear.gather [spmem:s19], $0x2800, $0x38;
	[tilespmem:$0x1E600] =	vst v63  }
0x17b: {  	_ =	swait.ge [sflag:s13], $0x2800  }
0x17c: {  	[sflag:s13] =	ssyncset.done $0x0  }
0x17d: {  	s21 =	rddreg [dreg:$0x12];
	[sflag:s13] =	ssyncadd.s32 $0xFFFFD800  }
0x17e: {  	[hbm4b:s21+s4] =	stream.linear.scatter [tilespmem:s12], [sflag:$0x9], $0x2800, $0x38;
	[tilespmem:$0x1E600] =	vst v63  }
0x17f: {  	_ =	swait.ge [sflag:s13], $0x2800  }
0x180: {  	s10 =	sld [smem:$0x7FA]  }
0x181: {  	[sflag:s13] =	ssyncset.done $0x0  }
0x182: {  	[sflag:s13] =	ssyncadd.s32 $0xFFFFD800  }
0x183: {  	[tilespmem:s12], [sflag:$0x9] =	stream.linear.gather [spmem:s10], $0x2800, $0x38;
	[tilespmem:$0x1E600] =	vst v63  }
0x184: {  	_ =	swait.ge [sflag:s13], $0x2800  }
0x185: {  	[sflag:s13] =	ssyncset.done $0x0  }
0x186: {  	s5 =	rddreg [dreg:$0x13];
	[sflag:s13] =	ssyncadd.s32 $0xFFFFD800  }
0x187: {  	[hbm4b:s5+s4] =	stream.linear.scatter [tilespmem:s12], [sflag:$0x9], $0x2800, $0x38;
	[tilespmem:$0x1E600] =	vst v63  }
0x188: {  	_ =	swait.ge [sflag:s13], $0x2800  }
0x189: {  	s5 =	sld [smem:$0x7FB]  }
0x18a: {  	[sflag:s13] =	ssyncset.done $0x0  }
0x18b: {  	[sflag:s13] =	ssyncadd.s32 $0xFFFFD800  }
0x18c: {  	[tilespmem:s12], [sflag:$0x9] =	stream.linear.gather [spmem:s5], $0x2800, $0x38;
	[tilespmem:$0x1E600] =	vst v63  }
0x18d: {  	_ =	swait.ge [sflag:s13], $0x2800  }
0x18e: {  	[sflag:s13] =	ssyncset.done $0x0  }
0x18f: {  	s15 =	rddreg [dreg:$0x14];
	[sflag:s13] =	ssyncadd.s32 $0xFFFFD800  }
0x190: {  	[hbm4b:s15+s4] =	stream.linear.scatter [tilespmem:s12], [sflag:$0x9], $0x2800, $0x38;
	[tilespmem:$0x1E600] =	vst v63  }
0x191: {  	_ =	swait.ge [sflag:s13], $0x2800  }
0x192: {  	s15 =	sld [smem:$0x7FC]  }
0x193: {  	[sflag:s13] =	ssyncset.done $0x0  }
0x194: {  	[sflag:s13] =	ssyncadd.s32 $0xFFFFD800  }
0x195: {  	[tilespmem:s12], [sflag:$0x9] =	stream.linear.gather [spmem:s15], $0x2800, $0x38;
	[tilespmem:$0x1E600] =	vst v63  }
0x196: {  	_ =	swait.ge [sflag:s13], $0x2800  }
0x197: {  	[sflag:s13] =	ssyncset.done $0x0  }
0x198: {  	s16 =	rddreg [dreg:$0x15];
	[sflag:s13] =	ssyncadd.s32 $0xFFFFD800  }
0x199: {  	[hbm4b:s16+s4] =	stream.linear.scatter [tilespmem:s12], [sflag:$0x9], $0x2800, $0x38;
	[tilespmem:$0x1E600] =	vst v63  }
0x19a: {  	_ =	swait.ge [sflag:s13], $0x2800  }
0x19b: {  	s21 =	sld [smem:$0x7FD]  }
0x19c: {  	[sflag:s13] =	ssyncset.done $0x0  }
0x19d: {  	[sflag:s13] =	ssyncadd.s32 $0xFFFFD800  }
0x19e: {  	[tilespmem:s12], [sflag:$0x9] =	stream.linear.gather [spmem:s21], $0x2800, $0x38;
	[tilespmem:$0x1E600] =	vst v63  }
0x19f: {  	_ =	swait.ge [sflag:s13], $0x2800  }
0x1a0: {  	[sflag:s13] =	ssyncset.done $0x0  }
0x1a1: {  	s18 =	rddreg [dreg:$0x16];
	[sflag:s13] =	ssyncadd.s32 $0xFFFFD800  }
0x1a2: {  	[hbm4b:s18+s4] =	stream.linear.scatter [tilespmem:s12], [sflag:$0x9], $0x2800, $0x38;
	[tilespmem:$0x1E600] =	vst v63  }
0x1a3: {  	_ =	swait.ge [sflag:s13], $0x2800  }
0x1a4: {  	s16 =	sld [smem:$0x7F3]  }
0x1a5: {  	[sflag:s13] =	ssyncset.done $0x0  }
0x1a6: {  	[sflag:s13] =	ssyncadd.s32 $0xFFFFD800  }
0x1a7: {  	[hbm4b:s16+s17] =	stream.strided.scatter [tilespmem:s30], [sflag:$0x9], $0x2800, s20, s17, $0x38;
	[tilespmem:$0x1E600] =	vst v63  }
0x1a8: {  	_ =	swait.ge [sflag:s13], $0x2800  }
0x1a9: {  	s17 =	sld [smem:$0x7EE]  }
0x1aa: {  	s18 =	sld [smem:$0x7F4];
	_ =	sdelay $0x1  }
0x1ab: {  	s20 =	sadd.s32 $0x1, s17  }
0x1ac: {  	p0 =	sne.s32 s20, s18  }
.Ltmp2:
0x1ad: {  	_ = 	snop;
	(pc) =	sbr.rel @p0 .LBB2_1-.Ltmp2, $3  }
0x1ae: {  	_ =	sdelay $0x1  }
0x1af: {  	[sflag:s13] =	ssyncset.done $0x0  }
0x1b0: {  	s16 =	simm.s32 $0x80;
	[sflag:s13] =	ssyncadd.s32 $0xFFFFD800;
	s18 =	simm.s32 $0x100  }
0x1b1: {  	_ =	sfence.sel $0x180000  }
0x1b2: {  	[bflag:$0x0] =	sbarrier.arrive $0xFFFF  }
0x1b3: {  	_ =	strace $0x90000047  }
0x1b4: {  	s0 =	stileid.u32;
	[bflag:$0x2] =	sbarrier.arrive $0xFFFF  }
0x1b5: {  	p0 =	sne.s32 s0, $0x0;
	s0 =	rddreg [dreg:$0x3]  }
0x1b6: {  	s0 =	sadd.s32 @!p0 $0x100000, s0  }
0x1b7: {  	[sflag:s0] =	ssyncadd.tile.s32 @!p0 $0x1;
	_ =	shalt  }
.Lfunc_end2:
_tile_overlayer_lowered:
.L_overlay_start_2:
0x1b8: {  	(tag) =	ssettag $0x2  }
0x1b9: {  	s0 =	rddreg [dreg:$0x0];
	s2 =	stileid.u32  }
0x1ba: {  	s1 =	rddreg [dreg:$0x1];
	p0 =	sne.s32 s2, $0x0  }
0x1bb: {  	s3 =	rddreg [dreg:$0x2];
	[bflag:$0x3] =	sbarrier.arrive $0xFFFF;
	s2 =	simm.s32 @!p0 $0x1C09  }
0x1bc: {  	[timem:s3], [sflag:s2] =	dma.local @!p0 [hbm:s0], s1  }
0x1bd: {  	s0 =	simm.s32 @!p0 $0x9  }
0x1be: {  	_ =	swait.ge @!p0 [sflag:s0], s1  }
0x1bf: {  	s1 =	ssub.s32 @!p0 $0x0, s1;
	[sflag:s0] =	ssyncset.done @!p0 $0x0  }
0x1c0: {  	[sflag:s0] =	ssyncadd.s32 @!p0 s1  }
0x1c1: {  	[bflag:$0x3] =	sbarrier.arrive $0xFFFF  }
0x1c2: {  	_ =	shalt  }

// kernel: kernel.9.cloned.1.call-start
scs
__scs_entry_jumppad:
0x0: {  	(pc) =	sbr.rel $0x88, $3  }
0x1: {  	(tag) =	ssettag $0x0;
	lr =	simm.s32 $0x1  }
0x2: {  	[smem:$0x3F97] =	sst lr;
	_ =	strace $0xD0000000  }
0x3: {  	_ = 	snop  }
0x4: {  	_ = 	snop  }
0x5: {  	_ = 	snop  }
0x6: {  	_ = 	snop  }
0x7: {  	_ = 	snop  }
__scs_overlays_trampoline_lowered:
0x8: {  	[smem:$0x3FA6] =	sst s0  }
0x9: {  	[smem:$0x3FA7] =	sst s1  }
0xa: {  	[smem:$0x3FA8] =	sst s2  }
0xb: {  	[smem:$0x3FA9] =	sst s3  }
0xc: {  	[smem:$0x3FAA] =	sst s4  }
0xd: {  	[smem:$0x3FAB] =	sst s5  }
0xe: {  	[smem:$0x3FAC] =	sst s6  }
0xf: {  	[smem:$0x3FAD] =	sst s7  }
0x10: {  	[smem:$0x3FAE] =	sst s8  }
0x11: {  	[smem:$0x3FAF] =	sst s9;
	s0 =	simm.s32 @!p0 $0x0  }
0x12: {  	s1 =	sld [smem:$0x3F95];
	s0 =	simm.s32 @p0 $0x1  }
0x13: {  	[smem:$0x3FB0] =	sst s0;
	s0 =	simm.s32 @!p1 $0x0  }
0x14: {  	s2 =	sld [smem:$0x3F94];
	s0 =	simm.s32 @p1 $0x1  }
0x15: {  	[smem:$0x3FB1] =	sst s0;
	s0 =	simm.s32 @!p2 $0x0  }
0x16: {  	s3 =	sld [smem:$0x3FDB];
	s0 =	simm.s32 @p2 $0x1  }
0x17: {  	s4 =	simm.s32 $0x1BF5;
	[smem:$0x3FB3] =	sst s0  }
0x18: {  	s0 =	sld [smem:$0x3F96];
	_ =	swait.ge [sflag:s4], $0x0  }
0x19: {  	s7 =	sld [smem:$0x3F97]  }
0x1a: {  	s8 =	sadd.s32 $0xFFFFE003, lr  }
0x1b: {  	s9 =	sadd.s32 $0xFFFFFEF7, lr;
	s5 =	simm.s32 $0xFFFFFFFF;
	p2 =	slt.u32 s8, $0xFFFFF086  }
0x1c: {  	p1 =	slt.u32 s9, $0xF7A;
	s5 =	simm.s32 @!p2 $0x0  }
0x1d: {  	s5 =	simm.s32 @p1 $0x1;
	p0 =	seq.s32 s7, s2  }
0x1e: {  	s7 =	smul.u32 @!p0 $0xF7A, s2;
	p2 =	seq.s32 @!p0 s5, $0x0  }
0x1f: {  	s9 =	smul.u32 $0xF7A, s1;
	s8 =	simm.s32 @!p0 $0x1BF5;
	p2 =	por !p2, p0  }
0x20: {  	[sflag:s8] =	ssyncset.s32 @!p0 $0xFFFFF086;
	s6 =	sadd.s32 @!p0 s3, s7;
	s7 =	simm.s32 @!p0 $0x108  }
0x21: {  	s3 =	sadd.s32 s3, s9;
	s6 =	sadd.s32 @!p0 $0x88, s6;
	s7 =	simm.s32 @p2 $0x1082  }
0x22: {  	[simem:s7], [sflag:s8] =	dma.local @!p0 [hbm:s6], $0xF7A  }
0x23: {  	s9 =	sor.u32 $0xD0000000, s2;
	s6 =	simm.s32 $0x108;
	_ =	swait.ge @!p0 [sflag:s8], $0x0  }
0x24: {  	s3 =	sadd.s32 $0x88, s3;
	s6 =	simm.s32 @!p1 $0x1082;
	[sflag:s4] =	ssyncset.s32 $0xFFFFF086  }
0x25: {  	[simem:s6], [sflag:s4] =	dma.local [hbm:s3], $0xF7A  }
0x26: {  	[smem:$0x3F97] =	sst s1;
	(tag) =	ssettag s2;
	_ =	strace s9  }
0x27: {  	s1 =	sld [smem:$0x3FA7]  }
0x28: {  	s2 =	sld [smem:$0x3FA8]  }
0x29: {  	s4 =	sld [smem:$0x3FAA]  }
0x2a: {  	p0 =	seq.s32 s5, $0x0;
	s5 =	sld [smem:$0x3FAB]  }
0x2b: {  	s6 =	sld [smem:$0x3FAC]  }
0x2c: {  	s7 =	sld [smem:$0x3FAD]  }
0x2d: {  	s3 =	simm.s32 $0x108;
	s8 =	sld [smem:$0x3FAE]  }
0x2e: {  	s3 =	simm.s32 @!p0 $0x1082;
	s9 =	sld [smem:$0x3FAF]  }
0x2f: {  	lr =	sadd.s32 s0, s3;
	s0 =	sld [smem:$0x3FA6]  }
0x30: {  	s3 =	sld [smem:$0x3FA9]  }
0x31: {  	[smem:$0x3FB2] =	sst s10  }
0x32: {  	s10 =	sld [smem:$0x3FB0];
	_ =	sdelay $0x3  }
0x33: {  	p0 =	seq.s32 s10, $0x1;
	s10 =	sld [smem:$0x3FB2];
	_ =	sdelay $0x3  }
0x34: {  	[smem:$0x3FB2] =	sst s10  }
0x35: {  	s10 =	sld [smem:$0x3FB1];
	_ =	sdelay $0x3  }
0x36: {  	p1 =	seq.s32 s10, $0x1;
	s10 =	sld [smem:$0x3FB2];
	_ =	sdelay $0x3  }
0x37: {  	[smem:$0x3FB2] =	sst s10  }
0x38: {  	s10 =	sld [smem:$0x3FB3]  }
0x39: {  	_ = 	snop;
	(pc) =	sbr.ind lr, $3  }
0x3a: {  	_ = 	snop  }
0x3b: {  	_ = 	snop  }
0x3c: {  	p2 =	seq.s32 s10, $0x1;
	s10 =	sld [smem:$0x3FB2]  }
0x3d: {  	_ =	shalt  }
0x3e: {  	_ =	shalt  }
0x3f: {  	_ =	shalt  }
0x40: {  	_ =	shalt  }
0x41: {  	_ =	shalt  }
0x42: {  	_ =	shalt  }
0x43: {  	_ =	shalt  }
0x44: {  	_ =	shalt  }
0x45: {  	_ =	shalt  }
0x46: {  	_ =	shalt  }
0x47: {  	_ =	shalt  }
0x48: {  	_ =	shalt  }
0x49: {  	_ =	shalt  }
0x4a: {  	_ =	shalt  }
0x4b: {  	_ =	shalt  }
0x4c: {  	_ =	shalt  }
0x4d: {  	_ =	shalt  }
0x4e: {  	_ =	shalt  }
0x4f: {  	_ =	shalt  }
0x50: {  	_ =	shalt  }
0x51: {  	_ =	shalt  }
0x52: {  	_ =	shalt  }
0x53: {  	_ =	shalt  }
0x54: {  	_ =	shalt  }
0x55: {  	_ =	shalt  }
0x56: {  	_ =	shalt  }
0x57: {  	_ =	shalt  }
0x58: {  	_ =	shalt  }
0x59: {  	_ =	shalt  }
0x5a: {  	_ =	shalt  }
0x5b: {  	_ =	shalt  }
0x5c: {  	_ =	shalt  }
0x5d: {  	_ =	shalt  }
0x5e: {  	_ =	shalt  }
0x5f: {  	_ =	shalt  }
0x60: {  	_ =	shalt  }
0x61: {  	_ =	shalt  }
0x62: {  	_ =	shalt  }
0x63: {  	_ =	shalt  }
0x64: {  	_ =	shalt  }
0x65: {  	_ =	shalt  }
0x66: {  	_ =	shalt  }
0x67: {  	_ =	shalt  }
0x68: {  	_ =	shalt  }
0x69: {  	_ =	shalt  }
0x6a: {  	_ =	shalt  }
0x6b: {  	_ =	shalt  }
0x6c: {  	_ =	shalt  }
0x6d: {  	_ =	shalt  }
0x6e: {  	_ =	shalt  }
0x6f: {  	_ =	shalt  }
0x70: {  	_ =	shalt  }
0x71: {  	_ =	shalt  }
0x72: {  	_ =	shalt  }
0x73: {  	_ =	shalt  }
0x74: {  	_ =	shalt  }
0x75: {  	_ =	shalt  }
0x76: {  	_ =	shalt  }
0x77: {  	_ =	shalt  }
0x78: {  	_ =	shalt  }
0x79: {  	_ =	shalt  }
0x7a: {  	_ =	shalt  }
0x7b: {  	_ =	shalt  }
0x7c: {  	_ =	shalt  }
0x7d: {  	_ =	shalt  }
0x7e: {  	_ =	shalt  }
0x7f: {  	_ =	shalt  }
0x80: {  	_ =	shalt  }
0x81: {  	_ =	shalt  }
0x82: {  	_ =	shalt  }
0x83: {  	_ =	shalt  }
0x84: {  	_ =	shalt  }
0x85: {  	_ =	shalt  }
0x86: {  	_ =	shalt  }
0x87: {  	_ =	shalt  }
.Lfunc_end0:
.L_simem_size_0:
called_computation.1_lowered:
.L_overlay_start_0:
0x88: {  	s2 =	sld [smem:$0x3FD9]  }
0x89: {  	s3 =	sld [smem:$0x3FFE];
	_ =	sdelay $0x1  }
0x8a: {  	s1 =	srdreg.scid  }
0x8b: {  	s0 =	sand.u32 $0x1, s1  }
0x8c: {  	s17 =	sshll.u32 s0, $0xA;
	s2 =	sadd.s32 s3, s2  }
0x8d: {  	s2 =	sadd.s32 s2, s17  }
0x8e: {  	[smem:$0x3FBE] =	sst s2  }
0x8f: {  	_ = 	snop  }
0x90: {  	s2 =	sld [smem:$0x3FD0];
	(tm) =	ssettm $0x1  }
0x91: {  	s18 =	sld [smem:$0x3FFB];
	_ =	sdelay $0x3  }
0x92: {  	_ =	strace s18  }
0x93: {  	s3 =	sld [smem:$0x3FFC];
	_ =	sdelay $0x3  }
0x94: {  	_ =	strace s3  }
0x95: {  	s3 =	sld [smem:$0x3FFD];
	_ =	sdelay $0x3  }
0x96: {  	_ =	strace s3  }
0x97: {  	_ =	strace $0x8FFFFFFF  }
0x98: {  	s19 =	sld [smem:$0x3FDB];
	_ =	sdelay $0x1  }
0x99: {  	s4 =	simm.s32 $_scs_section_size  }
0x9a: {  	s5 =	simm.s32 $_size__tile_overlayer_lowered;
	s6 =	simm.s32 $_tile_overlayer_lowered  }
0x9b: {  	s22 =	simm.s32 $0x1BFF;
	s21 =	sshll.u32 s6, $0x1;
	s3 =	sadd.s32 s4, s19  }
0x9c: {  	s7 =	simm.s32 $0x0;
	s20 =	sshll.u32 s5, $0x1;
	s5 =	sadd.s32 s21, s3  }
0x9d: {  	[timem:s7], [sflag:s22] =	dma.local [hbm:s5], s20  }
0x9e: {  	_ =	swait.ge [sflag:s22], s20  }
0x9f: {  	s4 =	ssub.s32 $0x0, s20;
	[sflag:s22] =	ssyncset.done $0x0  }
0xa0: {  	[sflag:s22] =	ssyncadd.s32 s4;
	_ =	sdelay $0x1  }
0xa1: {  	s23 =	simm.s32 $0x1B8B  }
0xa2: {  	_ =	swait.ge [sflag:s23], $0x1  }
0xa3: {  	[sflag:s23] =	ssyncset.done $0x0  }
0xa4: {  	s25 =	simm.s32 $0x1B8E;
	s24 =	sld [smem:$0x3FFE];
	[sflag:s23] =	ssyncadd.s32 $0xFFFFFFFF  }
0xa5: {  	s26 =	simm.s32 $execute0_lowered;
	[smem:$0x3FD2] =	sst s25  }
0xa6: {  	s5 =	sshll.u32 s26, $0x1;
	_ =	strace $0x80000049;
	[dreg:$0x1] =	wrdreg $0xFFFFFFFF  }
0xa7: {  	s28 =	simm.s32 $_size_execute0_lowered;
	s3 =	sadd.s32 s3, s5;
	[dreg:$0x0] =	wrdreg $0x0  }
0xa8: {  	s5 =	sshll.u32 s28, $0x1;
	[dreg:$0x2] =	wrdreg s3  }
0xa9: {  	[dreg:$0x3] =	wrdreg s5  }
0xaa: {  	[dreg:$0x4] =	wrdreg $0xC0  }
0xab: {  	_ =	task [dreg:s7], $0x5FFFF  }
0xac: {  	[dreg:$0x1] =	wrdreg $0xFFFFFFFF  }
0xad: {  	[dreg:$0x0] =	wrdreg $0x60  }
0xae: {  	[dreg:$0x2] =	wrdreg s24  }
0xaf: {  	[dreg:$0x3] =	wrdreg s2  }
0xb0: {  	[dreg:$0x4] =	wrdreg $0x7E000  }
0xb1: {  	[dreg:$0x5] =	wrdreg $0x9  }
0xb2: {  	_ =	task.clear_ibuf [dreg:s7], $0x6FFFF;
	_ =	strace $0x90000049  }
0xb3: {  	s29 =	simm.s32 $0x9;
	_ =	strace $0x8000004B  }
0xb4: {  	_ =	swait.ge [sflag:s29], $0x1  }
0xb5: {  	[sflag:s29] =	ssyncadd.s32 $0xFFFFFFFF  }
0xb6: {  	_ =	strace $0x9000004B  }
0xb7: {  	_ =	sfence  }
0xb8: {  	s30 =	sld [smem:$0x0];
	_ =	sdelay $0x2  }
0xb9: {  	s31 =	sshll.u32 s1, $0xD;
	s1 =	sshrl.u32 s1, $0x2  }
0xba: {  	s3 =	sand.u32 $0x4000, s31;
	s1 =	sadd.s32 s1, s30  }
0xbb: {  	s0 =	sor.u32 s3, s0;
	s1 =	sshll.u32 s1, $0x11  }
0xbc: {  	s0 =	sor.u32 s1, s0  }
0xbd: {  	s0 =	sadd.s32 $0x8F2B, s0  }
0xbe: {  	[sflag:s0] =	ssyncadd.remote.s32 $0x1  }
0xbf: {  	_ =	sfence.sel $0xFFFF  }
0xc0: {  	[dreg:$0x0] =	wrdreg $0xFFFFFFFF;
	(pc) =	sbr.abs _section_cstart, $3  }
0xc1: {  	[dreg:$0x1] =	wrdreg $0xFFFFFFFF  }
0xc2: {  	_ =	task.clear_ibuf [dreg:s7], $0x2FFFF;
	_ =	strace $0x9FFFFFFF  }
0xc3: {  	(tm) =	ssettm $0x7FFFFFFF  }
tec
execute0_lowered:
.L_overlay_start_1:
0x0: {  	(tag) =	ssettag $0x1  }
0x1: {  	s10 =	rddreg [dreg:$0x0]  }
0x2: {  	s5 =	rddreg [dreg:$0x1]  }
0x3: {  	s2 =	rddreg [dreg:$0x2]  }
0x4: {  	s4 =	simm.s32 $0x0;
	s0 =	srdreg.scid;
	s1 =	stileid.u32  }
0x5: {  	[smem:$0x7FF] =	sst s4;
	s13 =	smul.u32 $0x14000, s1  }
0x6: {  	s21 =	sadd.s32 $0x2600, s10;
	s12 =	sand.u32 $0x1, s0;
	s18 =	smul.u32 $0x4EC0, s1  }
0x7: {  	s23 =	sshll.u32 s1, $0x1;
	s15 =	sadd.s32 $0x3F200, s10;
	s16 =	smul.u32 $0x140000, s12  }
0x8: {  	s3 =	ssub.s32 $0x2, s12;
	s0 =	sor.u32 s12, s23;
	s19 =	smul.u32 $0x2760, s12  }
0x9: {  	_ =	strace $0x8000004A;
	s6 =	sshrl.u32 s3, $0x1;
	s14 =	smul.u32 $0x2760, s0  }
0xa: {  	s7 =	sadd.s32 $0x7800, s13;
	s8 =	sadd.s32 $0xA000, s13;
	s9 =	sadd.s32 $0xC800, s13  }
0xb: {  	s11 =	sadd.s32 $0xF000, s13;
	s12 =	sadd.s32 $0x11800, s13;
	s0 =	ssub.s32 s3, s6  }
0xc: {  	s3 =	sor.u32 $0x2800, s13;
	s6 =	sadd.s32 $0x5000, s13;
	s17 =	sadd.s32 s16, s13  }
0xd: {  	s13 =	sadd.s32 s19, s18;
	s17 =	sshrl.u32 s17, $0x3;
	s25 =	sadd.s32 s16, s3  }
0xe: {  	s20 =	sadd.s32 s16, s6;
	s18 =	sadd.s32 $0x2D0, s13;
	s23 =	sadd.s32 $0x320, s13  }
0xf: {  	s0 =	smax.u32 s0, $0x1;
	s24 =	sadd.s32 s15, s17;
	s26 =	sshrl.u32 s25, $0x3  }
0x10: {  	s19 =	sshrl.u32 s20, $0x3;
	s20 =	sadd.s32 s16, s7;
	[smem:$0x7F4] =	sst s0  }
0x11: {  	s18 =	sshrl.u32 s18, $0x3;
	[dreg:$0xe] =	wrdreg s24;
	s17 =	sadd.s32 s15, s26  }
0x12: {  	s22 =	sadd.s32 s18, s21;
	s18 =	sadd.s32 s18, s5;
	[dreg:$0xf] =	wrdreg s17  }
0x13: {  	s24 =	sshrl.u32 s23, $0x3;
	s26 =	sadd.s32 $0x370, s13;
	[dreg:$0x4] =	wrdreg s22  }
0x14: {  	s17 =	sadd.s32 s15, s19;
	[dreg:$0x5] =	wrdreg s18;
	s25 =	sadd.s32 s24, s21  }
0x15: {  	s19 =	sadd.s32 s24, s5;
	s22 =	sshrl.u32 s26, $0x3;
	[dreg:$0x10] =	wrdreg s17  }
0x16: {  	s24 =	sadd.s32 $0x280, s13;
	s17 =	sshrl.u32 s20, $0x3;
	[dreg:$0x6] =	wrdreg s25  }
0x17: {  	[dreg:$0x7] =	wrdreg s19;
	s23 =	sadd.s32 s22, s21;
	s25 =	sadd.s32 s22, s5  }
0x18: {  	s26 =	sshrl.u32 s24, $0x3;
	s20 =	sadd.s32 s16, s8;
	[dreg:$0x8] =	wrdreg s23  }
0x19: {  	s22 =	sadd.s32 s16, s9;
	s17 =	sadd.s32 s15, s17;
	[dreg:$0x9] =	wrdreg s25  }
0x1a: {  	s18 =	sadd.s32 s26, s21;
	s23 =	sadd.s32 s16, s11;
	[dreg:$0x11] =	wrdreg s17  }
0x1b: {  	s16 =	sadd.s32 s16, s12;
	s26 =	sadd.s32 s26, s5;
	[dreg:$0xa] =	wrdreg s18  }
0x1c: {  	s12 =	sadd.s32 s12, s2;
	s18 =	sshrl.u32 s20, $0x3;
	[dreg:$0xb] =	wrdreg s26  }
0x1d: {  	s17 =	sshrl.u32 s22, $0x3;
	[smem:$0x7FD] =	sst s12;
	s18 =	sadd.s32 s15, s18  }
0x1e: {  	s24 =	sshrl.u32 s23, $0x3;
	s17 =	sadd.s32 s15, s17;
	[dreg:$0x12] =	wrdreg s18  }
0x1f: {  	s16 =	sshrl.u32 s16, $0x3;
	[dreg:$0x13] =	wrdreg s17;
	s17 =	sadd.s32 s15, s24  }
0x20: {  	s25 =	sadd.s32 $0x230, s13;
	s15 =	sadd.s32 s15, s16;
	[dreg:$0x14] =	wrdreg s17  }
0x21: {  	s17 =	sshrl.u32 s25, $0x3;
	[dreg:$0x15] =	wrdreg s15  }
0x22: {  	s15 =	sshrl.u32 s14, $0x3;
	s14 =	sadd.s32 $0xCC00, s10;
	s10 =	sadd.s32 $0x34C00, s10  }
0x23: {  	s18 =	sadd.s32 s17, s21;
	[dreg:$0x16] =	wrdreg s10  }
0x24: {  	s19 =	sadd.s32 s17, s5;
	s20 =	sadd.s32 $0xA, s15;
	[dreg:$0xc] =	wrdreg s18  }
0x25: {  	s28 =	simm.s32 $0x2E00;
	[dreg:$0xd] =	wrdreg s19;
	s22 =	sadd.s32 s5, s20  }
0x26: {  	s23 =	sadd.s32 $0x14, s15;
	s16 =	sadd.s32 s21, s20;
	[dreg:$0x17] =	wrdreg s22  }
0x27: {  	s30 =	simm.s32 $0x5600;
	s24 =	sadd.s32 s5, s23;
	[dreg:$0x18] =	wrdreg s16  }
0x28: {  	s25 =	sadd.s32 $0x1E, s15;
	s10 =	sadd.s32 s21, s23;
	[dreg:$0x19] =	wrdreg s24  }
0x29: {  	s29 =	simm.s32 $0x3;
	s26 =	sadd.s32 s5, s25;
	[dreg:$0x1a] =	wrdreg s10  }
0x2a: {  	s31 =	simm.s32 $0x4;
	s17 =	sadd.s32 s21, s25;
	[dreg:$0x1b] =	wrdreg s26  }
0x2b: {  	s0 =	simm.s32 $0x5;
	s18 =	sadd.s32 s5, s15;
	[dreg:$0x1c] =	wrdreg s17  }
0x2c: {  	s19 =	sadd.s32 $0x28, s15;
	[dreg:$0x1d] =	wrdreg s18;
	s22 =	sadd.s32 s21, s15  }
0x2d: {  	s20 =	smul.u32 $0x50000, s1;
	s23 =	sadd.s32 s5, s19;
	[dreg:$0x1e] =	wrdreg s22  }
0x2e: {  	s1 =	smov.u32 s21;
	s10 =	sadd.s32 s21, s19;
	[dreg:$0x1f] =	wrdreg s23  }
0x2f: {  	s15 =	sadd.s32 $0x32, s15;
	s26 =	sadd.s32 $0x1E0, s13;
	[smem:$0x7F1] =	sst s10  }
0x30: {  	s19 =	sadd.s32 s3, s2;
	s16 =	sadd.s32 s8, s2;
	[smem:$0x7F5] =	sst s26  }
0x31: {  	s13 =	simm.s32 $0x9;
	s3 =	simm.s32 $0x6;
	[smem:$0x7F7] =	sst s19  }
0x32: {  	s8 =	simm.s32 $0x8;
	s25 =	sadd.s32 s5, s15;
	[smem:$0x7FA] =	sst s16  }
0x33: {  	s17 =	simm.s32 $0x0;
	s15 =	sadd.s32 s21, s15;
	[smem:$0x7F2] =	sst s25  }
0x34: {  	s24 =	sshrl.u32 s20, $0x2;
	s20 =	sadd.s32 s6, s2;
	[smem:$0x7F3] =	sst s15  }
0x35: {  	s21 =	sadd.s32 s7, s2;
	s10 =	sadd.s32 s9, s2;
	[smem:$0x7F8] =	sst s20  }
0x36: {  	s26 =	simm.s32 $0x50;
	s6 =	simm.s32 $0x2;
	[smem:$0x7F9] =	sst s21  }
0x37: {  	s7 =	simm.s32 $0x7;
	s18 =	sadd.s32 s24, s2;
	[smem:$0x7FB] =	sst s10  }
0x38: {  	s15 =	sadd.s32 s11, s2;
	s11 =	simm.s32 $0x600;
	[smem:$0x7F6] =	sst s18  }
0x39: {  	s25 =	simm.s32 $0x1;
	s24 =	simm.s32 $0x380;
	[smem:$0x7FC] =	sst s15  }
.LBB2_1:
0x3a: {  	[smem:$0x7F0] =	sst s17  }
0x3b: {  	s9 =	rddreg [dreg:$0x16]  }
0x3c: {  	[tilespmem:s11], [sflag:$0x9] =	stream.linear.gather [hbm4b:s9+s4], $0x2800, $0x38;
	[tilespmem:$0x1BE00] =	vst v63  }
0x3d: {  	_ =	swait.ge [sflag:s13], $0x2800  }
0x3e: {  	[sflag:s13] =	ssyncset.done $0x0  }
0x3f: {  	[sflag:s13] =	ssyncadd.s32 $0xFFFFD800  }
0x40: {  	[spmem:s18] =	stream.linear.scatter [tilespmem:s11], [sflag:$0x9], $0x2800, $0x38;
	[tilespmem:$0x1BE00] =	vst v63  }
0x41: {  	_ =	swait.ge [sflag:s13], $0x2800  }
0x42: {  	[sflag:s13] =	ssyncset.done $0x0  }
0x43: {  	[sflag:s13] =	ssyncadd.s32 $0xFFFFD800  }
0x44: {  	[spmem:s19] =	stream.linear.scatter [tilespmem:s11], [sflag:$0x9], $0x2800, $0x38;
	[tilespmem:$0x1BE00] =	vst v63  }
0x45: {  	_ =	swait.ge [sflag:s13], $0x2800  }
0x46: {  	[sflag:s13] =	ssyncset.done $0x0  }
0x47: {  	[sflag:s13] =	ssyncadd.s32 $0xFFFFD800  }
0x48: {  	[spmem:s20] =	stream.linear.scatter [tilespmem:s11], [sflag:$0x9], $0x2800, $0x38;
	[tilespmem:$0x1BE00] =	vst v63  }
0x49: {  	_ =	swait.ge [sflag:s13], $0x2800  }
0x4a: {  	[sflag:s13] =	ssyncset.done $0x0  }
0x4b: {  	[sflag:s13] =	ssyncadd.s32 $0xFFFFD800  }
0x4c: {  	[spmem:s21] =	stream.linear.scatter [tilespmem:s11], [sflag:$0x9], $0x2800, $0x38;
	[tilespmem:$0x1BE00] =	vst v63  }
0x4d: {  	_ =	swait.ge [sflag:s13], $0x2800  }
0x4e: {  	[sflag:s13] =	ssyncset.done $0x0  }
0x4f: {  	[sflag:s13] =	ssyncadd.s32 $0xFFFFD800  }
0x50: {  	[spmem:s16] =	stream.linear.scatter [tilespmem:s11], [sflag:$0x9], $0x2800, $0x38;
	[tilespmem:$0x1BE00] =	vst v63  }
0x51: {  	_ =	swait.ge [sflag:s13], $0x2800  }
0x52: {  	[sflag:s13] =	ssyncset.done $0x0  }
0x53: {  	[sflag:s13] =	ssyncadd.s32 $0xFFFFD800  }
0x54: {  	[spmem:s10] =	stream.linear.scatter [tilespmem:s11], [sflag:$0x9], $0x2800, $0x38;
	[tilespmem:$0x1BE00] =	vst v63  }
0x55: {  	_ =	swait.ge [sflag:s13], $0x2800  }
0x56: {  	[sflag:s13] =	ssyncset.done $0x0  }
0x57: {  	[sflag:s13] =	ssyncadd.s32 $0xFFFFD800  }
0x58: {  	[spmem:s15] =	stream.linear.scatter [tilespmem:s11], [sflag:$0x9], $0x2800, $0x38;
	[tilespmem:$0x1BE00] =	vst v63  }
0x59: {  	_ =	swait.ge [sflag:s13], $0x2800  }
0x5a: {  	[sflag:s13] =	ssyncset.done $0x0  }
0x5b: {  	[sflag:s13] =	ssyncadd.s32 $0xFFFFD800  }
0x5c: {  	[spmem:s12] =	stream.linear.scatter [tilespmem:s11], [sflag:$0x9], $0x2800, $0x38;
	[tilespmem:$0x1BE00] =	vst v63  }
0x5d: {  	_ =	swait.ge [sflag:s13], $0x2800  }
0x5e: {  	[sflag:s13] =	ssyncset.done $0x0  }
0x5f: {  	[sflag:s13] =	ssyncadd.s32 $0xFFFFD800  }
0x60: {  	[bflag:$0x0] =	sbarrier.arrive $0xFFFF  }
0x61: {  	s22 =	rddreg [dreg:$0x1d]  }
0x62: {  	s23 =	rddreg [dreg:$0x1e]  }
0x63: {  	[tilespmem:s4], [sflag:$0x1] =	stream.linear.gather [hbm4b:s22+s4], $0x50, $0x38;
	[tilespmem:$0x1BE00] =	vst v63  }
0x64: {  	s18 =	simm.s32 $0x180;
	s10 =	rddreg [dreg:$0x17]  }
0x65: {  	[tilespmem:s18], [sflag:$0x1] =	stream.linear.gather [hbm4b:s23+s4], $0x50, $0x38;
	[tilespmem:$0x1BE00] =	vst v63  }
0x66: {  	s19 =	simm.s32 $0x80;
	s12 =	rddreg [dreg:$0x18]  }
0x67: {  	[tilespmem:s19], [sflag:$0x1] =	stream.linear.gather [hbm4b:s10+s4], $0x50, $0x38;
	[tilespmem:$0x1BE00] =	vst v63  }
0x68: {  	s20 =	simm.s32 $0x200;
	s13 =	rddreg [dreg:$0x19]  }
0x69: {  	[tilespmem:s20], [sflag:$0x1] =	stream.linear.gather [hbm4b:s12+s4], $0x50, $0x38;
	[tilespmem:$0x1BE00] =	vst v63  }
0x6a: {  	s21 =	simm.s32 $0x100;
	s15 =	rddreg [dreg:$0x1a]  }
0x6b: {  	[tilespmem:s21], [sflag:$0x1] =	stream.linear.gather [hbm4b:s13+s4], $0x50, $0x38;
	[tilespmem:$0x1BE00] =	vst v63  }
0x6c: {  	s16 =	rddreg [dreg:$0x1b];
	s22 =	simm.s32 $0x280  }
0x6d: {  	[tilespmem:s22], [sflag:$0x1] =	stream.linear.gather [hbm4b:s15+s4], $0x50, $0x38;
	[tilespmem:$0x1BE00] =	vst v63  }
0x6e: {  	s17 =	rddreg [dreg:$0x1c];
	s23 =	simm.s32 $0x300  }
0x6f: {  	[tilespmem:s23], [sflag:$0x2] =	stream.linear.gather [hbm4b:s16+s4], $0x50, $0x38;
	[tilespmem:$0x1BE00] =	vst v63  }
0x70: {  	s10 =	rddreg [dreg:$0x1f];
	s15 =	simm.s32 $0x480  }
0x71: {  	[tilespmem:s15], [sflag:$0x2] =	stream.linear.gather [hbm4b:s17+s4], $0x50, $0x38;
	[tilespmem:$0x1BE00] =	vst v63  }
0x72: {  	s12 =	sld [smem:$0x7F1]  }
0x73: {  	[tilespmem:s24], [sflag:$0x2] =	stream.linear.gather [hbm4b:s10+s4], $0x50, $0x38;
	[tilespmem:$0x1BE00] =	vst v63  }
0x74: {  	s13 =	sld [smem:$0x7F2];
	s17 =	simm.s32 $0x500  }
0x75: {  	[tilespmem:s17], [sflag:$0x2] =	stream.linear.gather [hbm4b:s12+s4], $0x50, $0x38;
	[tilespmem:$0x1BE00] =	vst v63  }
0x76: {  	s16 =	simm.s32 $0x400  }
0x77: {  	[tilespmem:s16], [sflag:$0x2] =	stream.linear.gather [hbm4b:s13+s4], $0x50, $0x38;
	[tilespmem:$0x1BE00] =	vst v63  }
0x78: {  	s13 =	sld [smem:$0x7F3];
	_ =	sdelay $0x1  }
0x79: {  	s16 =	simm.s32 $0x580  }
0x7a: {  	[tilespmem:s16], [sflag:$0x2] =	stream.linear.gather [hbm4b:s13+s4], $0x50, $0x38;
	[tilespmem:$0x1BE00] =	vst v63  }
0x7b: {  	_ =	swait.ge [sflag:s25], $0x50  }
0x7c: {  	[sflag:s25] =	ssyncset.done $0x0  }
0x7d: {  	[sflag:s25] =	ssyncadd.s32 $0xFFFFFFB0  }
0x7e: {  	_ =	swait.ge [sflag:s25], $0x50  }
0x7f: {  	[sflag:s25] =	ssyncset.done $0x0  }
0x80: {  	[sflag:s25] =	ssyncadd.s32 $0xFFFFFFB0  }
0x81: {  	[tilespmem:s11], [sflag:$0x3] =	stream.indirect.gather [hbm4b:s14+s26], $0x80, s4, s26, $0xb8;
	[tilespmem:$0x1BE00] =	vst v63  }
0x82: {  	_ =	swait.ge [sflag:s25], $0x50  }
0x83: {  	[sflag:s25] =	ssyncset.done $0x0  }
0x84: {  	[sflag:s25] =	ssyncadd.s32 $0xFFFFFFB0  }
0x85: {  	_ =	swait.ge [sflag:s25], $0x50  }
0x86: {  	[sflag:s25] =	ssyncset.done $0x0  }
0x87: {  	[sflag:s25] =	ssyncadd.s32 $0xFFFFFFB0  }
0x88: {  	[tilespmem:s28], [sflag:$0x4] =	stream.indirect.gather [hbm4b:s14+s26], $0x80, s19, s26, $0xb8;
	[tilespmem:$0x1BE00] =	vst v63  }
0x89: {  	_ =	swait.ge [sflag:s25], $0x50  }
0x8a: {  	[sflag:s25] =	ssyncset.done $0x0  }
0x8b: {  	[sflag:s25] =	ssyncadd.s32 $0xFFFFFFB0  }
0x8c: {  	_ =	swait.ge [sflag:s25], $0x50  }
0x8d: {  	[sflag:s25] =	ssyncset.done $0x0  }
0x8e: {  	[sflag:s25] =	ssyncadd.s32 $0xFFFFFFB0  }
0x8f: {  	[tilespmem:s30], [sflag:$0x5] =	stream.indirect.gather [hbm4b:s14+s26], $0x80, s21, s26, $0xb8;
	[tilespmem:$0x1BE00] =	vst v63  }
0x90: {  	_ =	swait.ge [sflag:s29], $0x2800  }
0x91: {  	[sflag:s29] =	ssyncset.done $0x0  }
0x92: {  	[sflag:s29] =	ssyncadd.s32 $0xFFFFD800  }
0x93: {  	[spmem:s2] =	stream.indirect.scatter.add.f32 [tilespmem:s11], [sflag:$0x6], $0x80, s18, s26, $0xb8;
	[tilespmem:$0x1BE00] =	vst v63  }
0x94: {  	_ =	swait.ge [sflag:s31], $0x2800  }
0x95: {  	[sflag:s31] =	ssyncset.done $0x0  }
0x96: {  	[sflag:s31] =	ssyncadd.s32 $0xFFFFD800  }
0x97: {  	[spmem:s2] =	stream.indirect.scatter.add.f32 [tilespmem:s28], [sflag:$0x7], $0x80, s20, s26, $0xb8;
	[tilespmem:$0x1BE00] =	vst v63  }
0x98: {  	_ =	swait.ge [sflag:s0], $0x2800  }
0x99: {  	[sflag:s0] =	ssyncset.done $0x0  }
0x9a: {  	[sflag:s0] =	ssyncadd.s32 $0xFFFFD800  }
0x9b: {  	[spmem:s2] =	stream.indirect.scatter.add.f32 [tilespmem:s30], [sflag:$0x8], $0x80, s22, s26, $0xb8;
	[tilespmem:$0x1BE00] =	vst v63  }
0x9c: {  	_ =	swait.ge [sflag:s3], $0x2800  }
0x9d: {  	[sflag:s3] =	ssyncset.done $0x0  }
0x9e: {  	[sflag:s3] =	ssyncadd.s32 $0xFFFFD800  }
0x9f: {  	_ =	swait.ge [sflag:s6], $0x50  }
0xa0: {  	[sflag:s6] =	ssyncset.done $0x0  }
0xa1: {  	[sflag:s6] =	ssyncadd.s32 $0xFFFFFFB0  }
0xa2: {  	_ =	swait.ge [sflag:s6], $0x50  }
0xa3: {  	[sflag:s6] =	ssyncset.done $0x0  }
0xa4: {  	[sflag:s6] =	ssyncadd.s32 $0xFFFFFFB0  }
0xa5: {  	[tilespmem:s11], [sflag:$0x3] =	stream.indirect.gather [hbm4b:s14+s26], $0x80, s23, s26, $0xb8;
	[tilespmem:$0x1BE00] =	vst v63  }
0xa6: {  	_ =	swait.ge [sflag:s7], $0x2800  }
0xa7: {  	[sflag:s7] =	ssyncset.done $0x0  }
0xa8: {  	[sflag:s7] =	ssyncadd.s32 $0xFFFFD800  }
0xa9: {  	_ =	swait.ge [sflag:s6], $0x50  }
0xaa: {  	[sflag:s6] =	ssyncset.done $0x0  }
0xab: {  	[sflag:s6] =	ssyncadd.s32 $0xFFFFFFB0  }
0xac: {  	_ =	swait.ge [sflag:s6], $0x50  }
0xad: {  	[sflag:s6] =	ssyncset.done $0x0  }
0xae: {  	[sflag:s6] =	ssyncadd.s32 $0xFFFFFFB0  }
0xaf: {  	[tilespmem:s28], [sflag:$0x4] =	stream.indirect.gather [hbm4b:s14+s26], $0x80, s24, s26, $0xb8;
	[tilespmem:$0x1BE00] =	vst v63  }
0xb0: {  	_ =	swait.ge [sflag:s8], $0x2800  }
0xb1: {  	[sflag:s8] =	ssyncset.done $0x0  }
0xb2: {  	[sflag:s8] =	ssyncadd.s32 $0xFFFFD800  }
0xb3: {  	_ =	swait.ge [sflag:s6], $0x50  }
0xb4: {  	[sflag:s6] =	ssyncset.done $0x0  }
0xb5: {  	[sflag:s6] =	ssyncadd.s32 $0xFFFFFFB0  }
0xb6: {  	_ =	swait.ge [sflag:s6], $0x50  }
0xb7: {  	[sflag:s6] =	ssyncset.done $0x0;
	s13 =	sld [smem:$0x7F5]  }
0xb8: {  	s12 =	simm.s32 $0x400;
	[sflag:s6] =	ssyncadd.s32 $0xFFFFFFB0  }
0xb9: {  	[tilespmem:s30], [sflag:$0x5] =	stream.indirect.gather [hbm4b:s14+s26], $0x80, s12, s26, $0xb8;
	[tilespmem:$0x1BE00] =	vst v63  }
0xba: {  	s9 =	sshrl.u32 s13, $0x3  }
0xbb: {  	s10 =	sadd.s32 s5, s9  }
0xbc: {  	[tilespmem:s4], [sflag:$0x1] =	stream.linear.gather [hbm4b:s10+s4], $0x50, $0x38;
	[tilespmem:$0x1BE00] =	vst v63  }
0xbd: {  	s12 =	rddreg [dreg:$0xd];
	s9 =	sadd.s32 s1, s9  }
0xbe: {  	[tilespmem:s18], [sflag:$0x1] =	stream.linear.gather [hbm4b:s9+s4], $0x50, $0x38;
	[tilespmem:$0x1BE00] =	vst v63  }
0xbf: {  	s10 =	rddreg [dreg:$0xc];
	s18 =	sadd.s32 $0x0, s12  }
0xc0: {  	[tilespmem:s19], [sflag:$0x1] =	stream.linear.gather [hbm4b:s18+s4], $0x50, $0x38;
	[tilespmem:$0x1BE00] =	vst v63  }
0xc1: {  	s10 =	sadd.s32 $0x0, s10;
	s12 =	rddreg [dreg:$0xb]  }
0xc2: {  	[tilespmem:s20], [sflag:$0x1] =	stream.linear.gather [hbm4b:s10+s4], $0x50, $0x38;
	[tilespmem:$0x1BE00] =	vst v63  }
0xc3: {  	s12 =	sadd.s32 $0x0, s12;
	s18 =	rddreg [dreg:$0xa]  }
0xc4: {  	[tilespmem:s21], [sflag:$0x1] =	stream.linear.gather [hbm4b:s12+s4], $0x50, $0x38;
	[tilespmem:$0x1BE00] =	vst v63  }
0xc5: {  	s18 =	sadd.s32 $0x0, s18  }
0xc6: {  	[tilespmem:s22], [sflag:$0x1] =	stream.linear.gather [hbm4b:s18+s4], $0x50, $0x38;
	[tilespmem:$0x1BE00] =	vst v63  }
0xc7: {  	_ =	swait.ge [sflag:s29], $0x2800  }
0xc8: {  	[sflag:s29] =	ssyncset.done $0x0  }
0xc9: {  	[sflag:s29] =	ssyncadd.s32 $0xFFFFD800  }
0xca: {  	[spmem:s2] =	stream.indirect.scatter.add.f32 [tilespmem:s11], [sflag:$0x6], $0x80, s15, s26, $0xb8;
	[tilespmem:$0x1BE00] =	vst v63  }
0xcb: {  	_ =	swait.ge [sflag:s31], $0x2800  }
0xcc: {  	[sflag:s31] =	ssyncset.done $0x0  }
0xcd: {  	[sflag:s31] =	ssyncadd.s32 $0xFFFFD800  }
0xce: {  	[spmem:s2] =	stream.indirect.scatter.add.f32 [tilespmem:s28], [sflag:$0x7], $0x80, s17, s26, $0xb8;
	[tilespmem:$0x1BE00] =	vst v63  }
0xcf: {  	_ =	swait.ge [sflag:s0], $0x2800  }
0xd0: {  	[sflag:s0] =	ssyncset.done $0x0  }
0xd1: {  	[sflag:s0] =	ssyncadd.s32 $0xFFFFD800  }
0xd2: {  	[spmem:s2] =	stream.indirect.scatter.add.f32 [tilespmem:s30], [sflag:$0x8], $0x80, s16, s26, $0xb8;
	[tilespmem:$0x1BE00] =	vst v63  }
0xd3: {  	_ =	swait.ge [sflag:s3], $0x2800  }
0xd4: {  	[sflag:s3] =	ssyncset.done $0x0  }
0xd5: {  	[sflag:s3] =	ssyncadd.s32 $0xFFFFD800  }
0xd6: {  	_ =	swait.ge [sflag:s25], $0x50  }
0xd7: {  	[sflag:s25] =	ssyncset.done $0x0  }
0xd8: {  	[sflag:s25] =	ssyncadd.s32 $0xFFFFFFB0  }
0xd9: {  	_ =	swait.ge [sflag:s25], $0x50  }
0xda: {  	[sflag:s25] =	ssyncset.done $0x0  }
0xdb: {  	[sflag:s25] =	ssyncadd.s32 $0xFFFFFFB0  }
0xdc: {  	[tilespmem:s11], [sflag:$0x3] =	stream.indirect.gather [hbm4b:s14+s26], $0x80, s4, s26, $0xb8;
	[tilespmem:$0x1BE00] =	vst v63  }
0xdd: {  	_ =	swait.ge [sflag:s7], $0x2800  }
0xde: {  	[sflag:s7] =	ssyncset.done $0x0  }
0xdf: {  	[sflag:s7] =	ssyncadd.s32 $0xFFFFD800  }
0xe0: {  	_ =	swait.ge [sflag:s25], $0x50  }
0xe1: {  	[sflag:s25] =	ssyncset.done $0x0  }
0xe2: {  	[sflag:s25] =	ssyncadd.s32 $0xFFFFFFB0  }
0xe3: {  	_ =	swait.ge [sflag:s25], $0x50  }
0xe4: {  	[sflag:s25] =	ssyncset.done $0x0  }
0xe5: {  	[sflag:s25] =	ssyncadd.s32 $0xFFFFFFB0  }
0xe6: {  	[tilespmem:s28], [sflag:$0x4] =	stream.indirect.gather [hbm4b:s14+s26], $0x80, s19, s26, $0xb8;
	[tilespmem:$0x1BE00] =	vst v63  }
0xe7: {  	_ =	swait.ge [sflag:s8], $0x2800  }
0xe8: {  	[sflag:s8] =	ssyncset.done $0x0  }
0xe9: {  	[sflag:s8] =	ssyncadd.s32 $0xFFFFD800  }
0xea: {  	_ =	swait.ge [sflag:s25], $0x50  }
0xeb: {  	[sflag:s25] =	ssyncset.done $0x0  }
0xec: {  	[sflag:s25] =	ssyncadd.s32 $0xFFFFFFB0  }
0xed: {  	_ =	swait.ge [sflag:s25], $0x50  }
0xee: {  	s19 =	rddreg [dreg:$0x5]  }
0xef: {  	[sflag:s25] =	ssyncset.done $0x0;
	s20 =	rddreg [dreg:$0x4]  }
0xf0: {  	s22 =	rddreg [dreg:$0x7];
	[sflag:s25] =	ssyncadd.s32 $0xFFFFFFB0  }
0xf1: {  	[tilespmem:s30], [sflag:$0x5] =	stream.indirect.gather [hbm4b:s14+s26], $0x80, s21, s26, $0xb8;
	[tilespmem:$0x1BE00] =	vst v63  }
0xf2: {  	s16 =	rddreg [dreg:$0x6];
	s9 =	sadd.s32 $0x0, s19  }
0xf3: {  	[tilespmem:s23], [sflag:$0x2] =	stream.linear.gather [hbm4b:s9+s4], $0x50, $0x38;
	[tilespmem:$0x1BE00] =	vst v63  }
0xf4: {  	s10 =	sadd.s32 $0x0, s20;
	s18 =	sadd.s32 $0x0, s22;
	s19 =	rddreg [dreg:$0x9]  }
0xf5: {  	[tilespmem:s15], [sflag:$0x2] =	stream.linear.gather [hbm4b:s10+s4], $0x50, $0x38;
	[tilespmem:$0x1BE00] =	vst v63  }
0xf6: {  	s20 =	sadd.s32 $0x0, s16;
	s16 =	smov.u32 s1;
	s21 =	rddreg [dreg:$0x8]  }
0xf7: {  	[tilespmem:s24], [sflag:$0x2] =	stream.linear.gather [hbm4b:s18+s4], $0x50, $0x38;
	[tilespmem:$0x1BE00] =	vst v63  }
0xf8: {  	s22 =	sadd.s32 $0x0, s19;
	s12 =	sadd.s32 $0x0, s21;
	s23 =	simm.s32 $0x400  }
0xf9: {  	[tilespmem:s17], [sflag:$0x2] =	stream.linear.gather [hbm4b:s20+s4], $0x50, $0x38;
	[tilespmem:$0x1BE00] =	vst v63  }
0xfa: {  	s9 =	sadd.s32 $0x1E0, s13;
	s13 =	simm.s32 $0x400;
	s10 =	simm.s32 $0x3C  }
0xfb: {  	[tilespmem:s23], [sflag:$0x2] =	stream.linear.gather [hbm4b:s22+s4], $0x50, $0x38;
	[tilespmem:$0x1BE00] =	vst v63  }
.LBB2_2:
0xfc: {  	s18 =	simm.s32 $0x580  }
0xfd: {  	[tilespmem:s18], [sflag:$0x2] =	stream.linear.gather [hbm4b:s12+s4], $0x50, $0x38;
	[tilespmem:$0x1BE00] =	vst v63  }
0xfe: {  	_ =	swait.ge [sflag:s29], $0x2800  }
0xff: {  	[sflag:s29] =	ssyncset.done $0x0  }
0x100: {  	s19 =	simm.s32 $0x180;
	[sflag:s29] =	ssyncadd.s32 $0xFFFFD800  }
0x101: {  	[spmem:s2] =	stream.indirect.scatter.add.f32 [tilespmem:s11], [sflag:$0x6], $0x80, s19, s26, $0xb8;
	[tilespmem:$0x1BE00] =	vst v63  }
0x102: {  	_ =	swait.ge [sflag:s31], $0x2800  }
0x103: {  	[sflag:s31] =	ssyncset.done $0x0  }
0x104: {  	s21 =	simm.s32 $0x200;
	[sflag:s31] =	ssyncadd.s32 $0xFFFFD800  }
0x105: {  	[spmem:s2] =	stream.indirect.scatter.add.f32 [tilespmem:s28], [sflag:$0x7], $0x80, s21, s26, $0xb8;
	[tilespmem:$0x1BE00] =	vst v63  }
0x106: {  	_ =	swait.ge [sflag:s0], $0x2800  }
0x107: {  	[sflag:s0] =	ssyncset.done $0x0  }
0x108: {  	s22 =	simm.s32 $0x280;
	[sflag:s0] =	ssyncadd.s32 $0xFFFFD800  }
0x109: {  	[spmem:s2] =	stream.indirect.scatter.add.f32 [tilespmem:s30], [sflag:$0x8], $0x80, s22, s26, $0xb8;
	[tilespmem:$0x1BE00] =	vst v63  }
0x10a: {  	_ =	swait.ge [sflag:s3], $0x2800  }
0x10b: {  	[sflag:s3] =	ssyncset.done $0x0  }
0x10c: {  	[sflag:s3] =	ssyncadd.s32 $0xFFFFD800  }
0x10d: {  	_ =	swait.ge [sflag:s6], $0x50  }
0x10e: {  	[sflag:s6] =	ssyncset.done $0x0  }
0x10f: {  	[sflag:s6] =	ssyncadd.s32 $0xFFFFFFB0  }
0x110: {  	_ =	swait.ge [sflag:s6], $0x50  }
0x111: {  	[sflag:s6] =	ssyncset.done $0x0  }
0x112: {  	s23 =	simm.s32 $0x300;
	[sflag:s6] =	ssyncadd.s32 $0xFFFFFFB0  }
0x113: {  	[tilespmem:s11], [sflag:$0x3] =	stream.indirect.gather [hbm4b:s14+s26], $0x80, s23, s26, $0xb8;
	[tilespmem:$0x1BE00] =	vst v63  }
0x114: {  	_ =	swait.ge [sflag:s7], $0x2800  }
0x115: {  	[sflag:s7] =	ssyncset.done $0x0  }
0x116: {  	[sflag:s7] =	ssyncadd.s32 $0xFFFFD800  }
0x117: {  	_ =	swait.ge [sflag:s6], $0x50  }
0x118: {  	[sflag:s6] =	ssyncset.done $0x0  }
0x119: {  	[sflag:s6] =	ssyncadd.s32 $0xFFFFFFB0  }
0x11a: {  	_ =	swait.ge [sflag:s6], $0x50  }
0x11b: {  	[sflag:s6] =	ssyncset.done $0x0  }
0x11c: {  	[sflag:s6] =	ssyncadd.s32 $0xFFFFFFB0  }
0x11d: {  	[tilespmem:s28], [sflag:$0x4] =	stream.indirect.gather [hbm4b:s14+s26], $0x80, s24, s26, $0xb8;
	[tilespmem:$0x1BE00] =	vst v63  }
0x11e: {  	_ =	swait.ge [sflag:s8], $0x2800  }
0x11f: {  	[sflag:s8] =	ssyncset.done $0x0  }
0x120: {  	[sflag:s8] =	ssyncadd.s32 $0xFFFFD800  }
0x121: {  	_ =	swait.ge [sflag:s6], $0x50  }
0x122: {  	[sflag:s6] =	ssyncset.done $0x0  }
0x123: {  	[sflag:s6] =	ssyncadd.s32 $0xFFFFFFB0  }
0x124: {  	_ =	swait.ge [sflag:s6], $0x50  }
0x125: {  	[sflag:s6] =	ssyncset.done $0x0  }
0x126: {  	s1 =	sshrl.u32 s9, $0x3;
	[sflag:s6] =	ssyncadd.s32 $0xFFFFFFB0  }
0x127: {  	[tilespmem:s30], [sflag:$0x5] =	stream.indirect.gather [hbm4b:s14+s26], $0x80, s13, s26, $0xb8;
	[tilespmem:$0x1BE00] =	vst v63  }
0x128: {  	s15 =	smov.u32 s5;
	s13 =	sadd.s32 s5, s1  }
0x129: {  	[tilespmem:s4], [sflag:$0x1] =	stream.linear.gather [hbm4b:s13+s4], $0x50, $0x38;
	[tilespmem:$0x1BE00] =	vst v63  }
0x12a: {  	s12 =	smov.u32 s10;
	s20 =	rddreg [dreg:$0xd];
	s1 =	sadd.s32 s16, s1  }
0x12b: {  	[tilespmem:s19], [sflag:$0x1] =	stream.linear.gather [hbm4b:s1+s4], $0x50, $0x38;
	[tilespmem:$0x1BE00] =	vst v63  }
0x12c: {  	s5 =	rddreg [dreg:$0xc];
	s19 =	sadd.s32 s12, s20;
	s20 =	simm.s32 $0x80  }
0x12d: {  	[tilespmem:s20], [sflag:$0x1] =	stream.linear.gather [hbm4b:s19+s4], $0x50, $0x38;
	[tilespmem:$0x1BE00] =	vst v63  }
0x12e: {  	s13 =	rddreg [dreg:$0xb];
	s19 =	sadd.s32 s12, s5  }
0x12f: {  	[tilespmem:s21], [sflag:$0x1] =	stream.linear.gather [hbm4b:s19+s4], $0x50, $0x38;
	[tilespmem:$0x1BE00] =	vst v63  }
0x130: {  	s5 =	rddreg [dreg:$0xa];
	s19 =	sadd.s32 s12, s13;
	s13 =	simm.s32 $0x100  }
0x131: {  	[tilespmem:s13], [sflag:$0x1] =	stream.linear.gather [hbm4b:s19+s4], $0x50, $0x38;
	[tilespmem:$0x1BE00] =	vst v63  }
0x132: {  	s21 =	sadd.s32 s12, s5  }
0x133: {  	[tilespmem:s22], [sflag:$0x1] =	stream.linear.gather [hbm4b:s21+s4], $0x50, $0x38;
	[tilespmem:$0x1BE00] =	vst v63  }
0x134: {  	_ =	swait.ge [sflag:s29], $0x2800  }
0x135: {  	[sflag:s29] =	ssyncset.done $0x0  }
0x136: {  	s21 =	simm.s32 $0x480;
	[sflag:s29] =	ssyncadd.s32 $0xFFFFD800  }
0x137: {  	[spmem:s2] =	stream.indirect.scatter.add.f32 [tilespmem:s11], [sflag:$0x6], $0x80, s21, s26, $0xb8;
	[tilespmem:$0x1BE00] =	vst v63  }
0x138: {  	_ =	swait.ge [sflag:s31], $0x2800  }
0x139: {  	[sflag:s31] =	ssyncset.done $0x0  }
0x13a: {  	[sflag:s31] =	ssyncadd.s32 $0xFFFFD800  }
0x13b: {  	[spmem:s2] =	stream.indirect.scatter.add.f32 [tilespmem:s28], [sflag:$0x7], $0x80, s17, s26, $0xb8;
	[tilespmem:$0x1BE00] =	vst v63  }
0x13c: {  	_ =	swait.ge [sflag:s0], $0x2800  }
0x13d: {  	[sflag:s0] =	ssyncset.done $0x0  }
0x13e: {  	[sflag:s0] =	ssyncadd.s32 $0xFFFFD800  }
0x13f: {  	[spmem:s2] =	stream.indirect.scatter.add.f32 [tilespmem:s30], [sflag:$0x8], $0x80, s18, s26, $0xb8;
	[tilespmem:$0x1BE00] =	vst v63  }
0x140: {  	_ =	swait.ge [sflag:s3], $0x2800  }
0x141: {  	[sflag:s3] =	ssyncset.done $0x0  }
0x142: {  	[sflag:s3] =	ssyncadd.s32 $0xFFFFD800  }
0x143: {  	_ =	swait.ge [sflag:s25], $0x50  }
0x144: {  	[sflag:s25] =	ssyncset.done $0x0  }
0x145: {  	[sflag:s25] =	ssyncadd.s32 $0xFFFFFFB0  }
0x146: {  	_ =	swait.ge [sflag:s25], $0x50  }
0x147: {  	[sflag:s25] =	ssyncset.done $0x0  }
0x148: {  	[sflag:s25] =	ssyncadd.s32 $0xFFFFFFB0  }
0x149: {  	[tilespmem:s11], [sflag:$0x3] =	stream.indirect.gather [hbm4b:s14+s26], $0x80, s4, s26, $0xb8;
	[tilespmem:$0x1BE00] =	vst v63  }
0x14a: {  	_ =	swait.ge [sflag:s7], $0x2800  }
0x14b: {  	[sflag:s7] =	ssyncset.done $0x0  }
0x14c: {  	[sflag:s7] =	ssyncadd.s32 $0xFFFFD800  }
0x14d: {  	_ =	swait.ge [sflag:s25], $0x50  }
0x14e: {  	[sflag:s25] =	ssyncset.done $0x0  }
0x14f: {  	[sflag:s25] =	ssyncadd.s32 $0xFFFFFFB0  }
0x150: {  	_ =	swait.ge [sflag:s25], $0x50  }
0x151: {  	[sflag:s25] =	ssyncset.done $0x0  }
0x152: {  	[sflag:s25] =	ssyncadd.s32 $0xFFFFFFB0  }
0x153: {  	[tilespmem:s28], [sflag:$0x4] =	stream.indirect.gather [hbm4b:s14+s26], $0x80, s20, s26, $0xb8;
	[tilespmem:$0x1BE00] =	vst v63  }
0x154: {  	_ =	swait.ge [sflag:s8], $0x2800  }
0x155: {  	[sflag:s8] =	ssyncset.done $0x0  }
0x156: {  	[sflag:s8] =	ssyncadd.s32 $0xFFFFD800  }
0x157: {  	_ =	swait.ge [sflag:s25], $0x50  }
0x158: {  	[sflag:s25] =	ssyncset.done $0x0  }
0x159: {  	[sflag:s25] =	ssyncadd.s32 $0xFFFFFFB0  }
0x15a: {  	_ =	swait.ge [sflag:s25], $0x50  }
0x15b: {  	[sflag:s25] =	ssyncset.done $0x0  }
0x15c: {  	s5 =	rddreg [dreg:$0x5];
	[sflag:s25] =	ssyncadd.s32 $0xFFFFFFB0  }
0x15d: {  	[tilespmem:s30], [sflag:$0x5] =	stream.indirect.gather [hbm4b:s14+s26], $0x80, s13, s26, $0xb8;
	[tilespmem:$0x1BE00] =	vst v63  }
0x15e: {  	p0 =	sne.s32 s10, $0x4B0;
	s18 =	rddreg [dreg:$0x4];
	s1 =	sadd.s32 s12, s5  }
0x15f: {  	[tilespmem:s23], [sflag:$0x2] =	stream.linear.gather [hbm4b:s1+s4], $0x50, $0x38;
	[tilespmem:$0x1BE00] =	vst v63  }
0x160: {  	s9 =	sadd.s32 $0x1E0, s9;
	s20 =	rddreg [dreg:$0x7];
	s22 =	sadd.s32 s12, s18  }
0x161: {  	[tilespmem:s21], [sflag:$0x2] =	stream.linear.gather [hbm4b:s22+s4], $0x50, $0x38;
	[tilespmem:$0x1BE00] =	vst v63  }
0x162: {  	s10 =	sadd.s32 $0x3C, s10;
	s18 =	sadd.s32 s12, s20;
	s20 =	rddreg [dreg:$0x9]  }
0x163: {  	[tilespmem:s24], [sflag:$0x2] =	stream.linear.gather [hbm4b:s18+s4], $0x50, $0x38;
	[tilespmem:$0x1BE00] =	vst v63  }
.Ltmp0:
0x164: {  	s19 =	simm.s32 $0x580;
	s23 =	rddreg [dreg:$0x6];
	(pc) =	sbr.rel @p0 .LBB2_2-.Ltmp0, $4  }
0x165: {  	s5 =	smov.u32 s15;
	s21 =	sadd.s32 s12, s23;
	s22 =	rddreg [dreg:$0x8]  }
0x166: {  	[tilespmem:s17], [sflag:$0x2] =	stream.linear.gather [hbm4b:s21+s4], $0x50, $0x38;
	[tilespmem:$0x1BE00] =	vst v63  }
0x167: {  	s13 =	simm.s32 $0x400;
	s23 =	sadd.s32 s12, s20;
	s12 =	sadd.s32 s12, s22  }
0x168: {  	[tilespmem:s13], [sflag:$0x2] =	stream.linear.gather [hbm4b:s23+s4], $0x50, $0x38;
	[tilespmem:$0x1BE00] =	vst v63  }
0x169: {  	[tilespmem:s19], [sflag:$0x2] =	stream.linear.gather [hbm4b:s12+s4], $0x50, $0x38;
	[tilespmem:$0x1BE00] =	vst v63  }
0x16a: {  	_ =	swait.ge [sflag:s29], $0x2800  }
0x16b: {  	[sflag:s29] =	ssyncset.done $0x0  }
0x16c: {  	[sflag:s29] =	ssyncadd.s32 $0xFFFFD800  }
0x16d: {  	_ =	swait.ge [sflag:s6], $0x50  }
0x16e: {  	[sflag:s6] =	ssyncset.done $0x0  }
0x16f: {  	[sflag:s6] =	ssyncadd.s32 $0xFFFFFFB0  }
0x170: {  	_ =	swait.ge [sflag:s6], $0x50  }
0x171: {  	[sflag:s6] =	ssyncset.done $0x0  }
0x172: {  	[sflag:s6] =	ssyncadd.s32 $0xFFFFFFB0  }
0x173: {  	_ =	swait.ge [sflag:s31], $0x2800  }
0x174: {  	[sflag:s31] =	ssyncset.done $0x0  }
0x175: {  	[sflag:s31] =	ssyncadd.s32 $0xFFFFD800  }
0x176: {  	_ =	swait.ge [sflag:s6], $0x50  }
0x177: {  	[sflag:s6] =	ssyncset.done $0x0  }
0x178: {  	[sflag:s6] =	ssyncadd.s32 $0xFFFFFFB0  }
0x179: {  	_ =	swait.ge [sflag:s6], $0x50  }
0x17a: {  	[sflag:s6] =	ssyncset.done $0x0  }
0x17b: {  	[sflag:s6] =	ssyncadd.s32 $0xFFFFFFB0  }
0x17c: {  	_ =	swait.ge [sflag:s0], $0x2800  }
0x17d: {  	[sflag:s0] =	ssyncset.done $0x0  }
0x17e: {  	[sflag:s0] =	ssyncadd.s32 $0xFFFFD800  }
0x17f: {  	_ =	swait.ge [sflag:s6], $0x50  }
0x180: {  	[sflag:s6] =	ssyncset.done $0x0  }
0x181: {  	[sflag:s6] =	ssyncadd.s32 $0xFFFFFFB0  }
0x182: {  	_ =	swait.ge [sflag:s6], $0x50  }
0x183: {  	[sflag:s6] =	ssyncset.done $0x0  }
0x184: {  	[sflag:s6] =	ssyncadd.s32 $0xFFFFFFB0  }
0x185: {  	[bflag:$0x0] =	sbarrier.arrive $0xFFFF  }
0x186: {  	s18 =	sld [smem:$0x7F6];
	_ =	sdelay $0x1  }
0x187: {  	s13 =	simm.s32 $0x9  }
0x188: {  	[tilespmem:s11], [sflag:$0x9] =	stream.linear.gather [spmem:s18], $0x2800, $0x38;
	[tilespmem:$0x1BE00] =	vst v63  }
0x189: {  	_ =	swait.ge [sflag:s13], $0x2800  }
0x18a: {  	[sflag:s13] =	ssyncset.done $0x0  }
0x18b: {  	s1 =	rddreg [dreg:$0xe];
	[sflag:s13] =	ssyncadd.s32 $0xFFFFD800  }
0x18c: {  	[hbm4b:s1+s4] =	stream.linear.scatter [tilespmem:s11], [sflag:$0x9], $0x2800, $0x38;
	[tilespmem:$0x1BE00] =	vst v63  }
0x18d: {  	_ =	swait.ge [sflag:s13], $0x2800  }
0x18e: {  	s19 =	sld [smem:$0x7F7]  }
0x18f: {  	[sflag:s13] =	ssyncset.done $0x0  }
0x190: {  	[sflag:s13] =	ssyncadd.s32 $0xFFFFD800  }
0x191: {  	[tilespmem:s11], [sflag:$0x9] =	stream.linear.gather [spmem:s19], $0x2800, $0x38;
	[tilespmem:$0x1BE00] =	vst v63  }
0x192: {  	_ =	swait.ge [sflag:s13], $0x2800  }
0x193: {  	[sflag:s13] =	ssyncset.done $0x0  }
0x194: {  	s23 =	rddreg [dreg:$0xf];
	[sflag:s13] =	ssyncadd.s32 $0xFFFFD800  }
0x195: {  	[hbm4b:s23+s4] =	stream.linear.scatter [tilespmem:s11], [sflag:$0x9], $0x2800, $0x38;
	[tilespmem:$0x1BE00] =	vst v63  }
0x196: {  	_ =	swait.ge [sflag:s13], $0x2800  }
0x197: {  	s20 =	sld [smem:$0x7F8]  }
0x198: {  	[sflag:s13] =	ssyncset.done $0x0  }
0x199: {  	[sflag:s13] =	ssyncadd.s32 $0xFFFFD800  }
0x19a: {  	[tilespmem:s11], [sflag:$0x9] =	stream.linear.gather [spmem:s20], $0x2800, $0x38;
	[tilespmem:$0x1BE00] =	vst v63  }
0x19b: {  	_ =	swait.ge [sflag:s13], $0x2800  }
0x19c: {  	[sflag:s13] =	ssyncset.done $0x0  }
0x19d: {  	s9 =	rddreg [dreg:$0x10];
	[sflag:s13] =	ssyncadd.s32 $0xFFFFD800  }
0x19e: {  	[hbm4b:s9+s4] =	stream.linear.scatter [tilespmem:s11], [sflag:$0x9], $0x2800, $0x38;
	[tilespmem:$0x1BE00] =	vst v63  }
0x19f: {  	_ =	swait.ge [sflag:s13], $0x2800  }
0x1a0: {  	s21 =	sld [smem:$0x7F9]  }
0x1a1: {  	[sflag:s13] =	ssyncset.done $0x0  }
0x1a2: {  	[sflag:s13] =	ssyncadd.s32 $0xFFFFD800  }
0x1a3: {  	[tilespmem:s11], [sflag:$0x9] =	stream.linear.gather [spmem:s21], $0x2800, $0x38;
	[tilespmem:$0x1BE00] =	vst v63  }
0x1a4: {  	_ =	swait.ge [sflag:s13], $0x2800  }
0x1a5: {  	[sflag:s13] =	ssyncset.done $0x0  }
0x1a6: {  	s10 =	rddreg [dreg:$0x11];
	[sflag:s13] =	ssyncadd.s32 $0xFFFFD800  }
0x1a7: {  	[hbm4b:s10+s4] =	stream.linear.scatter [tilespmem:s11], [sflag:$0x9], $0x2800, $0x38;
	[tilespmem:$0x1BE00] =	vst v63  }
0x1a8: {  	_ =	swait.ge [sflag:s13], $0x2800  }
0x1a9: {  	s9 =	sld [smem:$0x7FA]  }
0x1aa: {  	[sflag:s13] =	ssyncset.done $0x0  }
0x1ab: {  	[sflag:s13] =	ssyncadd.s32 $0xFFFFD800  }
0x1ac: {  	[tilespmem:s11], [sflag:$0x9] =	stream.linear.gather [spmem:s9], $0x2800, $0x38;
	[tilespmem:$0x1BE00] =	vst v63  }
0x1ad: {  	_ =	swait.ge [sflag:s13], $0x2800  }
0x1ae: {  	[sflag:s13] =	ssyncset.done $0x0  }
0x1af: {  	s12 =	rddreg [dreg:$0x12];
	[sflag:s13] =	ssyncadd.s32 $0xFFFFD800  }
0x1b0: {  	[hbm4b:s12+s4] =	stream.linear.scatter [tilespmem:s11], [sflag:$0x9], $0x2800, $0x38;
	[tilespmem:$0x1BE00] =	vst v63  }
0x1b1: {  	_ =	swait.ge [sflag:s13], $0x2800  }
0x1b2: {  	s10 =	sld [smem:$0x7FB]  }
0x1b3: {  	[sflag:s13] =	ssyncset.done $0x0  }
0x1b4: {  	[sflag:s13] =	ssyncadd.s32 $0xFFFFD800  }
0x1b5: {  	[tilespmem:s11], [sflag:$0x9] =	stream.linear.gather [spmem:s10], $0x2800, $0x38;
	[tilespmem:$0x1BE00] =	vst v63  }
0x1b6: {  	_ =	swait.ge [sflag:s13], $0x2800  }
0x1b7: {  	[sflag:s13] =	ssyncset.done $0x0  }
0x1b8: {  	s15 =	rddreg [dreg:$0x13];
	[sflag:s13] =	ssyncadd.s32 $0xFFFFD800  }
0x1b9: {  	[hbm4b:s15+s4] =	stream.linear.scatter [tilespmem:s11], [sflag:$0x9], $0x2800, $0x38;
	[tilespmem:$0x1BE00] =	vst v63  }
0x1ba: {  	_ =	swait.ge [sflag:s13], $0x2800  }
0x1bb: {  	s15 =	sld [smem:$0x7FC]  }
0x1bc: {  	[sflag:s13] =	ssyncset.done $0x0  }
0x1bd: {  	[sflag:s13] =	ssyncadd.s32 $0xFFFFD800  }
0x1be: {  	[tilespmem:s11], [sflag:$0x9] =	stream.linear.gather [spmem:s15], $0x2800, $0x38;
	[tilespmem:$0x1BE00] =	vst v63  }
0x1bf: {  	_ =	swait.ge [sflag:s13], $0x2800  }
0x1c0: {  	[sflag:s13] =	ssyncset.done $0x0  }
0x1c1: {  	s17 =	rddreg [dreg:$0x14];
	[sflag:s13] =	ssyncadd.s32 $0xFFFFD800  }
0x1c2: {  	[hbm4b:s17+s4] =	stream.linear.scatter [tilespmem:s11], [sflag:$0x9], $0x2800, $0x38;
	[tilespmem:$0x1BE00] =	vst v63  }
0x1c3: {  	_ =	swait.ge [sflag:s13], $0x2800  }
0x1c4: {  	s12 =	sld [smem:$0x7FD]  }
0x1c5: {  	[sflag:s13] =	ssyncset.done $0x0  }
0x1c6: {  	[sflag:s13] =	ssyncadd.s32 $0xFFFFD800  }
0x1c7: {  	[tilespmem:s11], [sflag:$0x9] =	stream.linear.gather [spmem:s12], $0x2800, $0x38;
	[tilespmem:$0x1BE00] =	vst v63  }
0x1c8: {  	_ =	swait.ge [sflag:s13], $0x2800  }
0x1c9: {  	[sflag:s13] =	ssyncset.done $0x0  }
0x1ca: {  	s22 =	rddreg [dreg:$0x15];
	[sflag:s13] =	ssyncadd.s32 $0xFFFFD800  }
0x1cb: {  	[hbm4b:s22+s4] =	stream.linear.scatter [tilespmem:s11], [sflag:$0x9], $0x2800, $0x38;
	[tilespmem:$0x1BE00] =	vst v63  }
0x1cc: {  	_ =	swait.ge [sflag:s13], $0x2800  }
0x1cd: {  	s17 =	sld [smem:$0x7F0]  }
0x1ce: {  	s23 =	sld [smem:$0x7F4];
	_ =	sdelay $0x1  }
0x1cf: {  	s17 =	sadd.s32 $0x1, s17  }
0x1d0: {  	p0 =	sne.s32 s17, s23  }
.Ltmp1:
0x1d1: {  	_ = 	snop;
	(pc) =	sbr.rel @p0 .LBB2_1-.Ltmp1, $3  }
0x1d2: {  	_ =	sdelay $0x1  }
0x1d3: {  	[sflag:s13] =	ssyncset.done $0x0  }
0x1d4: {  	s1 =	smov.u32 s16;
	s16 =	smov.u32 s9;
	[sflag:s13] =	ssyncadd.s32 $0xFFFFD800  }
0x1d5: {  	_ =	sfence.sel $0x180000  }
0x1d6: {  	[bflag:$0x0] =	sbarrier.arrive $0xFFFF  }
0x1d7: {  	_ =	strace $0x9000004A  }
0x1d8: {  	s0 =	stileid.u32;
	[bflag:$0x2] =	sbarrier.arrive $0xFFFF  }
0x1d9: {  	p0 =	sne.s32 s0, $0x0;
	s0 =	rddreg [dreg:$0x3]  }
0x1da: {  	s0 =	sadd.s32 @!p0 $0x100000, s0  }
0x1db: {  	[sflag:s0] =	ssyncadd.tile.s32 @!p0 $0x1;
	_ =	shalt  }
.Lfunc_end2:
_tile_overlayer_lowered:
.L_overlay_start_2:
0x1dc: {  	(tag) =	ssettag $0x2  }
0x1dd: {  	s0 =	rddreg [dreg:$0x0];
	s2 =	stileid.u32  }
0x1de: {  	s1 =	rddreg [dreg:$0x1];
	p0 =	sne.s32 s2, $0x0  }
0x1df: {  	s3 =	rddreg [dreg:$0x2];
	[bflag:$0x3] =	sbarrier.arrive $0xFFFF;
	s2 =	simm.s32 @!p0 $0x1C09  }
0x1e0: {  	[timem:s3], [sflag:s2] =	dma.local @!p0 [hbm:s0], s1  }
0x1e1: {  	s0 =	simm.s32 @!p0 $0x9  }
0x1e2: {  	_ =	swait.ge @!p0 [sflag:s0], s1  }
0x1e3: {  	s1 =	ssub.s32 @!p0 $0x0, s1;
	[sflag:s0] =	ssyncset.done @!p0 $0x0  }
0x1e4: {  	[sflag:s0] =	ssyncadd.s32 @!p0 s1  }
0x1e5: {  	[bflag:$0x3] =	sbarrier.arrive $0xFFFF  }
0x1e6: {  	_ =	shalt  }

</sc_bundles>
